<compile_context>
chip_gen: v7x
topology: tpu7x:2x2x1
jax: 0.10.2.dev20260603
libtpu: 0.0.44.dev20260713+nightly
codegen_flags: <defaults>
</compile_context>

<pallas_src>
import numpy as np
import jax
import jax.numpy as jnp
from jax import lax
from jax.experimental import pallas as pl
from jax.experimental.pallas import tpu as pltpu
from jax.experimental.pallas import tpu_sc as plsc

B, C, N = 4, 3, 4096
L = 16
NC, NS = 2, 16
NW = NC * NS
WPB = NW // B
SCR = 768
QPW = SCR // WPB
TCR = N - SCR
TILE = 256
G = 4
NJG = N // L
SPW = N // WPB
BIG = 3.0e38



def _tc_body(p1t_ref, p2_ref, loss_ref, colmin_ref):
    b = pl.program_id(0)
    i = pl.program_id(1)

    p = p1t_ref[0]
    q = p2_ref[0]

    pb = p.astype(jnp.bfloat16)
    qb = q.astype(jnp.bfloat16)
    cross = jax.lax.dot_general(
        pb, qb, (((1,), (0,)), ((), ())),
        preferred_element_type=jnp.float32)
    pn = (p[:, 0:1] * p[:, 0:1]
          + p[:, 1:2] * p[:, 1:2]
          + p[:, 2:3] * p[:, 2:3])
    qn = (q[0:1, :] * q[0:1, :]
          + q[1:2, :] * q[1:2, :]
          + q[2:3, :] * q[2:3, :])
    d = ((-2.0) * cross + pn) + qn

    row_min = jnp.min(d, axis=1)
    col_min = jnp.min(d, axis=0)

    prev_col = colmin_ref[0, 0, :]
    new_col = jnp.where(i == 0, col_min, jnp.minimum(prev_col, col_min))
    colmin_ref[0, 0, :] = new_col

    acc = jnp.where((b == 0) & (i == 0), 0.0, loss_ref[0, 0])
    loss_ref[0, 0] = acc + jnp.sum(row_min)


def _tc_part(p1t, target_pc):
    nt = TCR // TILE
    loss, colmin = pl.pallas_call(
        _tc_body,
        grid=(B, nt),
        in_specs=[
            pl.BlockSpec((1, TILE, C), lambda b, i: (b, i, 0)),
            pl.BlockSpec((1, C, N), lambda b, i: (b, 0, 0)),
        ],
        out_specs=[
            pl.BlockSpec((1, 1), lambda b, i: (0, 0),
                         memory_space=pltpu.SMEM),
            pl.BlockSpec((1, 1, N), lambda b, i: (b, 0, 0)),
        ],
        out_shape=[
            jax.ShapeDtypeStruct((1, 1), jnp.float32),
            jax.ShapeDtypeStruct((B, 1, N), jnp.float32),
        ],
    )(p1t, target_pc)
    return loss, colmin



def _bf16_round_f32(x):
    u = jax.lax.bitcast_convert_type(x, jnp.uint32)
    r = u + np.uint32(0x7FFF) + ((u >> np.uint32(16)) & np.uint32(1))
    r = r & np.uint32(0xFFFF0000)
    return jax.lax.bitcast_convert_type(r, jnp.float32)


def _sc_body(in_hbm, inb_hbm, tgt_hbm, tgtb_hbm, out_hbm,
             qx, qy, qz, qbx, qby, qbz, tx, ty, tz, tbx, tby, tbz, tn,
             colmin, red, treebuf, outv, shared):
    c = lax.axis_index("c")
    s = lax.axis_index("s")
    batch = NC * c + s // WPB
    qoff = batch * (C * N) + TCR + (s % WPB) * QPW
    toff = batch * (C * N)

    pltpu.sync_copy(in_hbm.at[pl.ds(qoff, QPW)], qx)
    pltpu.sync_copy(in_hbm.at[pl.ds(qoff + N, QPW)], qy)
    pltpu.sync_copy(in_hbm.at[pl.ds(qoff + 2 * N, QPW)], qz)
    pltpu.sync_copy(inb_hbm.at[pl.ds(qoff, QPW)], qbx)
    pltpu.sync_copy(inb_hbm.at[pl.ds(qoff + N, QPW)], qby)
    pltpu.sync_copy(inb_hbm.at[pl.ds(qoff + 2 * N, QPW)], qbz)
    pltpu.sync_copy(tgt_hbm.at[pl.ds(toff, N)], tx)
    pltpu.sync_copy(tgt_hbm.at[pl.ds(toff + N, N)], ty)
    pltpu.sync_copy(tgt_hbm.at[pl.ds(toff + 2 * N, N)], tz)
    pltpu.sync_copy(tgtb_hbm.at[pl.ds(toff, N)], tbx)
    pltpu.sync_copy(tgtb_hbm.at[pl.ds(toff + N, N)], tby)
    pltpu.sync_copy(tgtb_hbm.at[pl.ds(toff + 2 * N, N)], tbz)

    def prep(g, carry):
        o = g * L
        vx = tx[pl.ds(o, L)]
        vy = ty[pl.ds(o, L)]
        vz = tz[pl.ds(o, L)]
        tn[pl.ds(o, L)] = vx * vx + vy * vy + vz * vz
        colmin[pl.ds(o, L)] = jnp.full((L,), BIG, jnp.float32)
        return carry
    lax.fori_loop(0, NJG, prep, 0)
    for k in range(G):
        treebuf[pl.ds(k * 2 * L + L, L)] = jnp.full((L,), BIG, jnp.float32)
    lane = lax.iota(jnp.int32, L)

    def qblock(qb, rowsum):
        base = qb * L
        qvx = qx[pl.ds(base, L)]
        qvy = qy[pl.ds(base, L)]
        qvz = qz[pl.ds(base, L)]
        qvbx = qbx[pl.ds(base, L)]
        qvby = qby[pl.ds(base, L)]
        qvbz = qbz[pl.ds(base, L)]
        for sub in range(L // G):
            bx, by, bz, qn = [], [], [], []
            for k in range(G):
                j = sub * G + k
                gx, gy, gz = qvx[j], qvy[j], qvz[j]
                qn.append(jnp.full((L,), gx * gx + gy * gy + gz * gz,
                                   jnp.float32))
                bx.append(jnp.full((L,), qvbx[j], jnp.float32))
                by.append(jnp.full((L,), qvby[j], jnp.float32))
                bz.append(jnp.full((L,), qvbz[j], jnp.float32))

            def jsweep(jg, rmins):
                o = jg * L
                vtx = tbx[pl.ds(o, L)]
                vty = tby[pl.ds(o, L)]
                vtz = tbz[pl.ds(o, L)]
                vtn = tn[pl.ds(o, L)]
                cm = colmin[pl.ds(o, L)]
                out = []
                for k in range(G):
                    m = bx[k] * vtx + by[k] * vty + bz[k] * vtz
                    d = (qn[k] + vtn) - 2.0 * m
                    out.append(jnp.minimum(rmins[k], d))
                    cm = jnp.minimum(cm, d)
                colmin[pl.ds(o, L)] = cm
                return tuple(out)

            rmins = lax.fori_loop(
                0, NJG, jsweep, tuple(jnp.full((L,), BIG, jnp.float32)
                                      for _ in range(G)))
            for k in range(G):
                treebuf[pl.ds(k * 2 * L, L)] = rmins[k]
            for sh in (8, 4, 2, 1):
                vs = [jnp.minimum(treebuf[pl.ds(k * 2 * L, L)],
                                  treebuf[pl.ds(k * 2 * L + sh, L)])
                      for k in range(G)]
                for k in range(G):
                    treebuf[pl.ds(k * 2 * L, L)] = vs[k]
            for k in range(G):
                v = treebuf[pl.ds(k * 2 * L, L)]
                rowsum = rowsum + jnp.where(lane == 0, v, 0.0)
        return rowsum

    rowsum = lax.fori_loop(0, QPW // L, qblock,
                           jnp.zeros((L,), jnp.float32))

    pltpu.sync_copy(colmin, shared.at[pl.ds(s * N, N)])
    plsc.subcore_barrier()
    rbase = (s // WPB) * WPB
    j0 = (s % WPB) * SPW
    for r in range(WPB):
        pltpu.sync_copy(shared.at[pl.ds((rbase + r) * N + j0, SPW)],
                        red.at[pl.ds(r * SPW, SPW)])

    def colred(g, carry):
        o = g * L
        m = red[pl.ds(o, L)]
        for r in range(1, WPB):
            m = jnp.minimum(m, red[pl.ds(r * SPW + o, L)])
        red[pl.ds(o, L)] = m
        return carry
    lax.fori_loop(0, SPW // L, colred, 0)

    pltpu.sync_copy(red.at[pl.ds(0, SPW)],
                    out_hbm.at[pl.ds(batch * N + j0, SPW)])
    outv[...] = rowsum
    w = c * NS + s
    pltpu.sync_copy(outv, out_hbm.at[pl.ds(B * N + w * L, L)])


def _sc_part(in_flat, inb_flat, tgt_flat, tgtb_flat):
    mesh = plsc.VectorSubcoreMesh(core_axis_name="c", subcore_axis_name="s")
    fn = pl.kernel(
        _sc_body, mesh=mesh,
        out_type=jax.ShapeDtypeStruct((B * N + NW * L,), jnp.float32),
        scratch_types=[
            pltpu.VMEM((QPW,), jnp.float32),
            pltpu.VMEM((QPW,), jnp.float32),
            pltpu.VMEM((QPW,), jnp.float32),
            pltpu.VMEM((QPW,), jnp.float32),
            pltpu.VMEM((QPW,), jnp.float32),
            pltpu.VMEM((QPW,), jnp.float32),
            pltpu.VMEM((N,), jnp.float32),
            pltpu.VMEM((N,), jnp.float32),
            pltpu.VMEM((N,), jnp.float32),
            pltpu.VMEM((N,), jnp.float32),
            pltpu.VMEM((N,), jnp.float32),
            pltpu.VMEM((N,), jnp.float32),
            pltpu.VMEM((N,), jnp.float32),
            pltpu.VMEM((N,), jnp.float32),
            pltpu.VMEM((WPB * SPW,), jnp.float32),
            pltpu.VMEM((G * 2 * L,), jnp.float32),
            pltpu.VMEM((L,), jnp.float32),
            pltpu.VMEM_SHARED((NS * N,), jnp.float32),
        ],
    )
    return fn(in_flat, inb_flat, tgt_flat, tgtb_flat)



def _merge_body(tc_cm_ref, sc_cm_ref, rs_ref, out_ref):
    m = jnp.minimum(tc_cm_ref[:, 0, :], sc_cm_ref[...])
    out_ref[0, 0] = jnp.sum(m) + jnp.sum(rs_ref[...])


def _merge(tc_cm, sc_cm, sc_rs):
    out = pl.pallas_call(
        _merge_body,
        out_specs=pl.BlockSpec(memory_space=pltpu.SMEM),
        out_shape=jax.ShapeDtypeStruct((1, 1), jnp.float32),
    )(tc_cm, sc_cm, sc_rs)
    return out[0, 0]


def kernel(in_pc, target_pc):
    p1t = jnp.transpose(in_pc, (0, 2, 1))
    tc_loss, tc_cm = _tc_part(p1t[:, :TCR], target_pc)

    in_flat = in_pc.reshape(-1)
    tgt_flat = target_pc.reshape(-1)
    inb_flat = _bf16_round_f32(in_flat)
    tgtb_flat = _bf16_round_f32(tgt_flat)
    sc_out = _sc_part(in_flat, inb_flat, tgt_flat, tgtb_flat)

    sc_cm = sc_out[:B * N].reshape(B, N)
    sc_rs = sc_out[B * N:]
    rest = _merge(tc_cm, sc_cm, sc_rs)
    return (tc_loss[0, 0] + rest) / (2.0 * B * N)

# --- scband reference (transcript-rebuilt; emitter-appended) ---
"""Pipeline reference for scband-chamfer-loss-29068338659681 (READ-ONLY COPY).

The authoritative reference and input builder live on the scoring server;
editing this copy changes nothing except your own understanding.
"""

import jax, jax.numpy as jnp
import numpy as np


def setup_inputs(seed: int = 0) -> dict:
    key = jax.random.key(seed)
    k1, k2 = jax.random.split(key)
    in_pc = jax.random.normal(k1, (4, 3, 4096), dtype=jnp.float32)
    target_pc = jax.random.normal(k2, (4, 3, 4096), dtype=jnp.float32)
    return {"in_pc": in_pc, "target_pc": target_pc}


def square_distance(src, dst):
    # src: [B, N, C], dst: [B, M, C]
    dist = -2.0 * jnp.matmul(src, jnp.transpose(dst, (0, 2, 1)))
    dist = dist + jnp.sum(src ** 2, axis=-1)[:, :, None]
    dist = dist + jnp.sum(dst ** 2, axis=-1)[:, None, :]
    return dist


def reference(in_pc, target_pc):
    # in_pc, target_pc: [B, C, N]
    pc1 = jnp.transpose(in_pc, (0, 2, 1))   # [B, N, C]
    pc2 = jnp.transpose(target_pc, (0, 2, 1))  # [B, M, C]
    sqrdist12 = square_distance(pc1, pc2)   # [B, N, M]
    # torch.topk(k=1, largest=False) == min; implemented via lax.top_k on negated dists
    neg1, _ = jax.lax.top_k(-sqrdist12, 1)            # min over dim -1 -> [B, N, 1]
    dist1 = -neg1[..., 0]                              # [B, N]
    neg2, _ = jax.lax.top_k(-jnp.transpose(sqrdist12, (0, 2, 1)), 1)  # min over dim 1 -> [B, M, 1]
    dist2 = -neg2[..., 0]                              # [B, M]
    m_dist = (dist1 + dist2) / 2.0
    return jnp.mean(m_dist)

if __name__ == "__main__":
    import jax
    _d = setup_inputs()
    print(jax.jit(kernel)(*tuple(_d.values())))

</pallas_src>

<mosaic_0001>
#map = affine_map<(d0, d1) -> (0)>
module attributes {stable_mosaic.version = 14 : i64} {
  func.func @_sc_body(%arg0: i32, %arg1: i32, %arg2: memref<49152xf32, #tpu.memory_space<hbm>>, %arg3: memref<49152xf32, #tpu.memory_space<hbm>>, %arg4: memref<49152xf32, #tpu.memory_space<hbm>>, %arg5: memref<49152xf32, #tpu.memory_space<hbm>>, %arg6: memref<16896xf32, #tpu.memory_space<hbm>>, %arg7: memref<96xf32, #tpu.memory_space<vmem>>, %arg8: memref<96xf32, #tpu.memory_space<vmem>>, %arg9: memref<96xf32, #tpu.memory_space<vmem>>, %arg10: memref<96xf32, #tpu.memory_space<vmem>>, %arg11: memref<96xf32, #tpu.memory_space<vmem>>, %arg12: memref<96xf32, #tpu.memory_space<vmem>>, %arg13: memref<4096xf32, #tpu.memory_space<vmem>>, %arg14: memref<4096xf32, #tpu.memory_space<vmem>>, %arg15: memref<4096xf32, #tpu.memory_space<vmem>>, %arg16: memref<4096xf32, #tpu.memory_space<vmem>>, %arg17: memref<4096xf32, #tpu.memory_space<vmem>>, %arg18: memref<4096xf32, #tpu.memory_space<vmem>>, %arg19: memref<4096xf32, #tpu.memory_space<vmem>>, %arg20: memref<4096xf32, #tpu.memory_space<vmem>>, %arg21: memref<4096xf32, #tpu.memory_space<vmem>>, %arg22: memref<128xf32, #tpu.memory_space<vmem>>, %arg23: memref<16xf32, #tpu.memory_space<vmem>>, %arg24: memref<65536xf32, #tpu.memory_space<vmem_shared>>) attributes {dimension_semantics = [#tpu.dimension_semantics<core_parallel>, #tpu.dimension_semantics<subcore_parallel>], iteration_bounds = array<i64: 2, 16>, scalar_prefetch = 0 : i64, scratch_operands = 18 : i64, tpu.core_type = #tpu.core_type<sc_vector_subcore>, window_params = [{transform_indices = #map}, {transform_indices = #map}, {transform_indices = #map}, {transform_indices = #map}, {transform_indices = #map}]} {
    %mul3A = arith.constant 2 : i32
    %mul3A_0 = arith.muli %mul3A, %arg0 : i32
    %jit3A = arith.constant 8 : i32
    %div3A = arith.divsi %arg1, %jit3A : i32
    %sign3A = arith.constant 0 : i32
    %sign3A_1 = arith.cmpi sgt, %arg1, %sign3A : i32
    %sign3A_2 = arith.extui %sign3A_1 : i1 to i32
    %sign3A_3 = arith.constant 0 : i32
    %sign3A_4 = arith.cmpi slt, %arg1, %sign3A_3 : i32
    %sign3A_5 = arith.extui %sign3A_4 : i1 to i32
    %sign3A_6 = arith.subi %sign3A_2, %sign3A_5 : i32
    %sign3A_7 = arith.constant 0 : i32
    %sign3A_8 = arith.cmpi sgt, %jit3A, %sign3A_7 : i32
    %sign3A_9 = arith.extui %sign3A_8 : i1 to i32
    %sign3A_10 = arith.constant 0 : i32
    %sign3A_11 = arith.cmpi slt, %jit3A, %sign3A_10 : i32
    %sign3A_12 = arith.extui %sign3A_11 : i1 to i32
    %sign3A_13 = arith.subi %sign3A_9, %sign3A_12 : i32
    %ne3A = arith.cmpi ne, %sign3A_6, %sign3A_13 : i32
    %rem3A = arith.remsi %arg1, %jit3A : i32
    %ne3A_14 = arith.constant 0 : i32
    %ne3A_15 = arith.cmpi ne, %rem3A, %ne3A_14 : i32
    %and3A = arith.andi %ne3A, %ne3A_15 : i1
    %sub3A = arith.constant 1 : i32
    %sub3A_16 = arith.subi %div3A, %sub3A : i32
    %select_n3A = arith.select %and3A, %sub3A_16, %div3A : i32
    %add3A = arith.addi %mul3A_0, %select_n3A : i32
    %mul3A_17 = arith.constant 12288 : i32
    %mul3A_18 = arith.muli %add3A, %mul3A_17 : i32
    %add3A_19 = arith.constant 3328 : i32
    %add3A_20 = arith.addi %mul3A_18, %add3A_19 : i32
    %jit3A_21 = arith.constant 8 : i32
    %eq3A = arith.constant 0 : i32
    %eq3A_22 = arith.cmpi eq, %jit3A_21, %eq3A : i32
    %jit3A_23 = arith.constant 1 : i32
    %select_n3A_24 = arith.select %eq3A_22, %jit3A_23, %jit3A_21 : i32
    %rem3A_25 = arith.remsi %arg1, %select_n3A_24 : i32
    %ne3A_26 = arith.constant 0 : i32
    %ne3A_27 = arith.cmpi ne, %rem3A_25, %ne3A_26 : i32
    %lt3A = arith.constant 0 : i32
    %lt3A_28 = arith.cmpi slt, %rem3A_25, %lt3A : i32
    %lt3A_29 = arith.constant 0 : i32
    %lt3A_30 = arith.cmpi slt, %select_n3A_24, %lt3A_29 : i32
    %ne3A_31 = arith.xori %lt3A_28, %lt3A_30 : i1
    %and3A_32 = arith.andi %ne3A_31, %ne3A_27 : i1
    %add3A_33 = arith.addi %rem3A_25, %select_n3A_24 : i32
    %select_n3A_34 = arith.select %and3A_32, %add3A_33, %rem3A_25 : i32
    %mul3A_35 = arith.constant 96 : i32
    %mul3A_36 = arith.muli %select_n3A_34, %mul3A_35 : i32
    %add3A_37 = arith.addi %add3A_20, %mul3A_36 : i32
    %mul3A_38 = arith.constant 12288 : i32
    %mul3A_39 = arith.muli %add3A, %mul3A_38 : i32
    "tpu.region"() ({
      %run_scoped3A = tpu.sem_alloc : memref<!tpu.dma_semaphore, #tpu.memory_space<semaphore_mem>>
      %dma_start3A = tpu.memref_slice %arg2[%add3A_37] : memref<49152xf32, #tpu.memory_space<hbm>> -> memref<96xf32, #tpu.memory_space<hbm>>
      %dma_start3A_197 = tpu.memref_slice %arg2[%add3A_37] : memref<49152xf32, #tpu.memory_space<hbm>> -> memref<96xf32, #tpu.memory_space<hbm>>
      tpu.enqueue_dma source(%dma_start3A_197 : memref<96xf32, #tpu.memory_space<hbm>>) target(%arg7 : memref<96xf32, #tpu.memory_space<vmem>>) target_semaphore(%run_scoped3A : memref<!tpu.dma_semaphore, #tpu.memory_space<semaphore_mem>>)
      %dma_wait3A = tpu.memref_slice %arg2[%add3A_37] : memref<49152xf32, #tpu.memory_space<hbm>> -> memref<96xf32, #tpu.memory_space<hbm>>
      %dma_wait3A_198 = tpu.memref_slice %arg2[%add3A_37] : memref<49152xf32, #tpu.memory_space<hbm>> -> memref<96xf32, #tpu.memory_space<hbm>>
      tpu.wait_dma2 semaphore(%run_scoped3A : memref<!tpu.dma_semaphore, #tpu.memory_space<semaphore_mem>>) src(%dma_wait3A_198 : memref<96xf32, #tpu.memory_space<hbm>>) dst(%arg7 : memref<96xf32, #tpu.memory_space<vmem>>)
      tpu.yield
    }) : () -> ()
    %add3A_40 = arith.constant 4096 : i32
    %add3A_41 = arith.addi %add3A_37, %add3A_40 : i32
    "tpu.region"() ({
      %run_scoped3A = tpu.sem_alloc : memref<!tpu.dma_semaphore, #tpu.memory_space<semaphore_mem>>
      %dma_start3A = tpu.memref_slice %arg2[%add3A_41] : memref<49152xf32, #tpu.memory_space<hbm>> -> memref<96xf32, #tpu.memory_space<hbm>>
      %dma_start3A_197 = tpu.memref_slice %arg2[%add3A_41] : memref<49152xf32, #tpu.memory_space<hbm>> -> memref<96xf32, #tpu.memory_space<hbm>>
      tpu.enqueue_dma source(%dma_start3A_197 : memref<96xf32, #tpu.memory_space<hbm>>) target(%arg8 : memref<96xf32, #tpu.memory_space<vmem>>) target_semaphore(%run_scoped3A : memref<!tpu.dma_semaphore, #tpu.memory_space<semaphore_mem>>)
      %dma_wait3A = tpu.memref_slice %arg2[%add3A_41] : memref<49152xf32, #tpu.memory_space<hbm>> -> memref<96xf32, #tpu.memory_space<hbm>>
      %dma_wait3A_198 = tpu.memref_slice %arg2[%add3A_41] : memref<49152xf32, #tpu.memory_space<hbm>> -> memref<96xf32, #tpu.memory_space<hbm>>
      tpu.wait_dma2 semaphore(%run_scoped3A : memref<!tpu.dma_semaphore, #tpu.memory_space<semaphore_mem>>) src(%dma_wait3A_198 : memref<96xf32, #tpu.memory_space<hbm>>) dst(%arg8 : memref<96xf32, #tpu.memory_space<vmem>>)
      tpu.yield
    }) : () -> ()
    %add3A_42 = arith.constant 8192 : i32
    %add3A_43 = arith.addi %add3A_37, %add3A_42 : i32
    "tpu.region"() ({
      %run_scoped3A = tpu.sem_alloc : memref<!tpu.dma_semaphore, #tpu.memory_space<semaphore_mem>>
      %dma_start3A = tpu.memref_slice %arg2[%add3A_43] : memref<49152xf32, #tpu.memory_space<hbm>> -> memref<96xf32, #tpu.memory_space<hbm>>
      %dma_start3A_197 = tpu.memref_slice %arg2[%add3A_43] : memref<49152xf32, #tpu.memory_space<hbm>> -> memref<96xf32, #tpu.memory_space<hbm>>
      tpu.enqueue_dma source(%dma_start3A_197 : memref<96xf32, #tpu.memory_space<hbm>>) target(%arg9 : memref<96xf32, #tpu.memory_space<vmem>>) target_semaphore(%run_scoped3A : memref<!tpu.dma_semaphore, #tpu.memory_space<semaphore_mem>>)
      %dma_wait3A = tpu.memref_slice %arg2[%add3A_43] : memref<49152xf32, #tpu.memory_space<hbm>> -> memref<96xf32, #tpu.memory_space<hbm>>
      %dma_wait3A_198 = tpu.memref_slice %arg2[%add3A_43] : memref<49152xf32, #tpu.memory_space<hbm>> -> memref<96xf32, #tpu.memory_space<hbm>>
      tpu.wait_dma2 semaphore(%run_scoped3A : memref<!tpu.dma_semaphore, #tpu.memory_space<semaphore_mem>>) src(%dma_wait3A_198 : memref<96xf32, #tpu.memory_space<hbm>>) dst(%arg9 : memref<96xf32, #tpu.memory_space<vmem>>)
      tpu.yield
    }) : () -> ()
    "tpu.region"() ({
      %run_scoped3A = tpu.sem_alloc : memref<!tpu.dma_semaphore, #tpu.memory_space<semaphore_mem>>
      %dma_start3A = tpu.memref_slice %arg3[%add3A_37] : memref<49152xf32, #tpu.memory_space<hbm>> -> memref<96xf32, #tpu.memory_space<hbm>>
      %dma_start3A_197 = tpu.memref_slice %arg3[%add3A_37] : memref<49152xf32, #tpu.memory_space<hbm>> -> memref<96xf32, #tpu.memory_space<hbm>>
      tpu.enqueue_dma source(%dma_start3A_197 : memref<96xf32, #tpu.memory_space<hbm>>) target(%arg10 : memref<96xf32, #tpu.memory_space<vmem>>) target_semaphore(%run_scoped3A : memref<!tpu.dma_semaphore, #tpu.memory_space<semaphore_mem>>)
      %dma_wait3A = tpu.memref_slice %arg3[%add3A_37] : memref<49152xf32, #tpu.memory_space<hbm>> -> memref<96xf32, #tpu.memory_space<hbm>>
      %dma_wait3A_198 = tpu.memref_slice %arg3[%add3A_37] : memref<49152xf32, #tpu.memory_space<hbm>> -> memref<96xf32, #tpu.memory_space<hbm>>
      tpu.wait_dma2 semaphore(%run_scoped3A : memref<!tpu.dma_semaphore, #tpu.memory_space<semaphore_mem>>) src(%dma_wait3A_198 : memref<96xf32, #tpu.memory_space<hbm>>) dst(%arg10 : memref<96xf32, #tpu.memory_space<vmem>>)
      tpu.yield
    }) : () -> ()
    %add3A_44 = arith.constant 4096 : i32
    %add3A_45 = arith.addi %add3A_37, %add3A_44 : i32
    "tpu.region"() ({
      %run_scoped3A = tpu.sem_alloc : memref<!tpu.dma_semaphore, #tpu.memory_space<semaphore_mem>>
      %dma_start3A = tpu.memref_slice %arg3[%add3A_45] : memref<49152xf32, #tpu.memory_space<hbm>> -> memref<96xf32, #tpu.memory_space<hbm>>
      %dma_start3A_197 = tpu.memref_slice %arg3[%add3A_45] : memref<49152xf32, #tpu.memory_space<hbm>> -> memref<96xf32, #tpu.memory_space<hbm>>
      tpu.enqueue_dma source(%dma_start3A_197 : memref<96xf32, #tpu.memory_space<hbm>>) target(%arg11 : memref<96xf32, #tpu.memory_space<vmem>>) target_semaphore(%run_scoped3A : memref<!tpu.dma_semaphore, #tpu.memory_space<semaphore_mem>>)
      %dma_wait3A = tpu.memref_slice %arg3[%add3A_45] : memref<49152xf32, #tpu.memory_space<hbm>> -> memref<96xf32, #tpu.memory_space<hbm>>
      %dma_wait3A_198 = tpu.memref_slice %arg3[%add3A_45] : memref<49152xf32, #tpu.memory_space<hbm>> -> memref<96xf32, #tpu.memory_space<hbm>>
      tpu.wait_dma2 semaphore(%run_scoped3A : memref<!tpu.dma_semaphore, #tpu.memory_space<semaphore_mem>>) src(%dma_wait3A_198 : memref<96xf32, #tpu.memory_space<hbm>>) dst(%arg11 : memref<96xf32, #tpu.memory_space<vmem>>)
      tpu.yield
    }) : () -> ()
    %add3A_46 = arith.constant 8192 : i32
    %add3A_47 = arith.addi %add3A_37, %add3A_46 : i32
    "tpu.region"() ({
      %run_scoped3A = tpu.sem_alloc : memref<!tpu.dma_semaphore, #tpu.memory_space<semaphore_mem>>
      %dma_start3A = tpu.memref_slice %arg3[%add3A_47] : memref<49152xf32, #tpu.memory_space<hbm>> -> memref<96xf32, #tpu.memory_space<hbm>>
      %dma_start3A_197 = tpu.memref_slice %arg3[%add3A_47] : memref<49152xf32, #tpu.memory_space<hbm>> -> memref<96xf32, #tpu.memory_space<hbm>>
      tpu.enqueue_dma source(%dma_start3A_197 : memref<96xf32, #tpu.memory_space<hbm>>) target(%arg12 : memref<96xf32, #tpu.memory_space<vmem>>) target_semaphore(%run_scoped3A : memref<!tpu.dma_semaphore, #tpu.memory_space<semaphore_mem>>)
      %dma_wait3A = tpu.memref_slice %arg3[%add3A_47] : memref<49152xf32, #tpu.memory_space<hbm>> -> memref<96xf32, #tpu.memory_space<hbm>>
      %dma_wait3A_198 = tpu.memref_slice %arg3[%add3A_47] : memref<49152xf32, #tpu.memory_space<hbm>> -> memref<96xf32, #tpu.memory_space<hbm>>
      tpu.wait_dma2 semaphore(%run_scoped3A : memref<!tpu.dma_semaphore, #tpu.memory_space<semaphore_mem>>) src(%dma_wait3A_198 : memref<96xf32, #tpu.memory_space<hbm>>) dst(%arg12 : memref<96xf32, #tpu.memory_space<vmem>>)
      tpu.yield
    }) : () -> ()
    "tpu.region"() ({
      %run_scoped3A = tpu.sem_alloc : memref<!tpu.dma_semaphore, #tpu.memory_space<semaphore_mem>>
      %dma_start3A = tpu.memref_slice %arg4[%mul3A_39] : memref<49152xf32, #tpu.memory_space<hbm>> -> memref<4096xf32, #tpu.memory_space<hbm>>
      %dma_start3A_197 = tpu.memref_slice %arg4[%mul3A_39] : memref<49152xf32, #tpu.memory_space<hbm>> -> memref<4096xf32, #tpu.memory_space<hbm>>
      tpu.enqueue_dma source(%dma_start3A_197 : memref<4096xf32, #tpu.memory_space<hbm>>) target(%arg13 : memref<4096xf32, #tpu.memory_space<vmem>>) target_semaphore(%run_scoped3A : memref<!tpu.dma_semaphore, #tpu.memory_space<semaphore_mem>>)
      %dma_wait3A = tpu.memref_slice %arg4[%mul3A_39] : memref<49152xf32, #tpu.memory_space<hbm>> -> memref<4096xf32, #tpu.memory_space<hbm>>
      %dma_wait3A_198 = tpu.memref_slice %arg4[%mul3A_39] : memref<49152xf32, #tpu.memory_space<hbm>> -> memref<4096xf32, #tpu.memory_space<hbm>>
      tpu.wait_dma2 semaphore(%run_scoped3A : memref<!tpu.dma_semaphore, #tpu.memory_space<semaphore_mem>>) src(%dma_wait3A_198 : memref<4096xf32, #tpu.memory_space<hbm>>) dst(%arg13 : memref<4096xf32, #tpu.memory_space<vmem>>)
      tpu.yield
    }) : () -> ()
    %add3A_48 = arith.constant 4096 : i32
    %add3A_49 = arith.addi %mul3A_39, %add3A_48 : i32
    "tpu.region"() ({
      %run_scoped3A = tpu.sem_alloc : memref<!tpu.dma_semaphore, #tpu.memory_space<semaphore_mem>>
      %dma_start3A = tpu.memref_slice %arg4[%add3A_49] : memref<49152xf32, #tpu.memory_space<hbm>> -> memref<4096xf32, #tpu.memory_space<hbm>>
      %dma_start3A_197 = tpu.memref_slice %arg4[%add3A_49] : memref<49152xf32, #tpu.memory_space<hbm>> -> memref<4096xf32, #tpu.memory_space<hbm>>
      tpu.enqueue_dma source(%dma_start3A_197 : memref<4096xf32, #tpu.memory_space<hbm>>) target(%arg14 : memref<4096xf32, #tpu.memory_space<vmem>>) target_semaphore(%run_scoped3A : memref<!tpu.dma_semaphore, #tpu.memory_space<semaphore_mem>>)
      %dma_wait3A = tpu.memref_slice %arg4[%add3A_49] : memref<49152xf32, #tpu.memory_space<hbm>> -> memref<4096xf32, #tpu.memory_space<hbm>>
      %dma_wait3A_198 = tpu.memref_slice %arg4[%add3A_49] : memref<49152xf32, #tpu.memory_space<hbm>> -> memref<4096xf32, #tpu.memory_space<hbm>>
      tpu.wait_dma2 semaphore(%run_scoped3A : memref<!tpu.dma_semaphore, #tpu.memory_space<semaphore_mem>>) src(%dma_wait3A_198 : memref<4096xf32, #tpu.memory_space<hbm>>) dst(%arg14 : memref<4096xf32, #tpu.memory_space<vmem>>)
      tpu.yield
    }) : () -> ()
    %add3A_50 = arith.constant 8192 : i32
    %add3A_51 = arith.addi %mul3A_39, %add3A_50 : i32
    "tpu.region"() ({
      %run_scoped3A = tpu.sem_alloc : memref<!tpu.dma_semaphore, #tpu.memory_space<semaphore_mem>>
      %dma_start3A = tpu.memref_slice %arg4[%add3A_51] : memref<49152xf32, #tpu.memory_space<hbm>> -> memref<4096xf32, #tpu.memory_space<hbm>>
      %dma_start3A_197 = tpu.memref_slice %arg4[%add3A_51] : memref<49152xf32, #tpu.memory_space<hbm>> -> memref<4096xf32, #tpu.memory_space<hbm>>
      tpu.enqueue_dma source(%dma_start3A_197 : memref<4096xf32, #tpu.memory_space<hbm>>) target(%arg15 : memref<4096xf32, #tpu.memory_space<vmem>>) target_semaphore(%run_scoped3A : memref<!tpu.dma_semaphore, #tpu.memory_space<semaphore_mem>>)
      %dma_wait3A = tpu.memref_slice %arg4[%add3A_51] : memref<49152xf32, #tpu.memory_space<hbm>> -> memref<4096xf32, #tpu.memory_space<hbm>>
      %dma_wait3A_198 = tpu.memref_slice %arg4[%add3A_51] : memref<49152xf32, #tpu.memory_space<hbm>> -> memref<4096xf32, #tpu.memory_space<hbm>>
      tpu.wait_dma2 semaphore(%run_scoped3A : memref<!tpu.dma_semaphore, #tpu.memory_space<semaphore_mem>>) src(%dma_wait3A_198 : memref<4096xf32, #tpu.memory_space<hbm>>) dst(%arg15 : memref<4096xf32, #tpu.memory_space<vmem>>)
      tpu.yield
    }) : () -> ()
    "tpu.region"() ({
      %run_scoped3A = tpu.sem_alloc : memref<!tpu.dma_semaphore, #tpu.memory_space<semaphore_mem>>
      %dma_start3A = tpu.memref_slice %arg5[%mul3A_39] : memref<49152xf32, #tpu.memory_space<hbm>> -> memref<4096xf32, #tpu.memory_space<hbm>>
      %dma_start3A_197 = tpu.memref_slice %arg5[%mul3A_39] : memref<49152xf32, #tpu.memory_space<hbm>> -> memref<4096xf32, #tpu.memory_space<hbm>>
      tpu.enqueue_dma source(%dma_start3A_197 : memref<4096xf32, #tpu.memory_space<hbm>>) target(%arg16 : memref<4096xf32, #tpu.memory_space<vmem>>) target_semaphore(%run_scoped3A : memref<!tpu.dma_semaphore, #tpu.memory_space<semaphore_mem>>)
      %dma_wait3A = tpu.memref_slice %arg5[%mul3A_39] : memref<49152xf32, #tpu.memory_space<hbm>> -> memref<4096xf32, #tpu.memory_space<hbm>>
      %dma_wait3A_198 = tpu.memref_slice %arg5[%mul3A_39] : memref<49152xf32, #tpu.memory_space<hbm>> -> memref<4096xf32, #tpu.memory_space<hbm>>
      tpu.wait_dma2 semaphore(%run_scoped3A : memref<!tpu.dma_semaphore, #tpu.memory_space<semaphore_mem>>) src(%dma_wait3A_198 : memref<4096xf32, #tpu.memory_space<hbm>>) dst(%arg16 : memref<4096xf32, #tpu.memory_space<vmem>>)
      tpu.yield
    }) : () -> ()
    %add3A_52 = arith.constant 4096 : i32
    %add3A_53 = arith.addi %mul3A_39, %add3A_52 : i32
    "tpu.region"() ({
      %run_scoped3A = tpu.sem_alloc : memref<!tpu.dma_semaphore, #tpu.memory_space<semaphore_mem>>
      %dma_start3A = tpu.memref_slice %arg5[%add3A_53] : memref<49152xf32, #tpu.memory_space<hbm>> -> memref<4096xf32, #tpu.memory_space<hbm>>
      %dma_start3A_197 = tpu.memref_slice %arg5[%add3A_53] : memref<49152xf32, #tpu.memory_space<hbm>> -> memref<4096xf32, #tpu.memory_space<hbm>>
      tpu.enqueue_dma source(%dma_start3A_197 : memref<4096xf32, #tpu.memory_space<hbm>>) target(%arg17 : memref<4096xf32, #tpu.memory_space<vmem>>) target_semaphore(%run_scoped3A : memref<!tpu.dma_semaphore, #tpu.memory_space<semaphore_mem>>)
      %dma_wait3A = tpu.memref_slice %arg5[%add3A_53] : memref<49152xf32, #tpu.memory_space<hbm>> -> memref<4096xf32, #tpu.memory_space<hbm>>
      %dma_wait3A_198 = tpu.memref_slice %arg5[%add3A_53] : memref<49152xf32, #tpu.memory_space<hbm>> -> memref<4096xf32, #tpu.memory_space<hbm>>
      tpu.wait_dma2 semaphore(%run_scoped3A : memref<!tpu.dma_semaphore, #tpu.memory_space<semaphore_mem>>) src(%dma_wait3A_198 : memref<4096xf32, #tpu.memory_space<hbm>>) dst(%arg17 : memref<4096xf32, #tpu.memory_space<vmem>>)
      tpu.yield
    }) : () -> ()
    %add3A_54 = arith.constant 8192 : i32
    %add3A_55 = arith.addi %mul3A_39, %add3A_54 : i32
    "tpu.region"() ({
      %run_scoped3A = tpu.sem_alloc : memref<!tpu.dma_semaphore, #tpu.memory_space<semaphore_mem>>
      %dma_start3A = tpu.memref_slice %arg5[%add3A_55] : memref<49152xf32, #tpu.memory_space<hbm>> -> memref<4096xf32, #tpu.memory_space<hbm>>
      %dma_start3A_197 = tpu.memref_slice %arg5[%add3A_55] : memref<49152xf32, #tpu.memory_space<hbm>> -> memref<4096xf32, #tpu.memory_space<hbm>>
      tpu.enqueue_dma source(%dma_start3A_197 : memref<4096xf32, #tpu.memory_space<hbm>>) target(%arg18 : memref<4096xf32, #tpu.memory_space<vmem>>) target_semaphore(%run_scoped3A : memref<!tpu.dma_semaphore, #tpu.memory_space<semaphore_mem>>)
      %dma_wait3A = tpu.memref_slice %arg5[%add3A_55] : memref<49152xf32, #tpu.memory_space<hbm>> -> memref<4096xf32, #tpu.memory_space<hbm>>
      %dma_wait3A_198 = tpu.memref_slice %arg5[%add3A_55] : memref<49152xf32, #tpu.memory_space<hbm>> -> memref<4096xf32, #tpu.memory_space<hbm>>
      tpu.wait_dma2 semaphore(%run_scoped3A : memref<!tpu.dma_semaphore, #tpu.memory_space<semaphore_mem>>) src(%dma_wait3A_198 : memref<4096xf32, #tpu.memory_space<hbm>>) dst(%arg18 : memref<4096xf32, #tpu.memory_space<vmem>>)
      tpu.yield
    }) : () -> ()
    %scan3A = arith.constant 0 : i32
    %scan3A_56 = arith.constant 0 : i32
    %scan3A_57 = arith.constant 256 : i32
    %scan3A_58 = arith.addi %scan3A_56, %scan3A_57 : i32
    %scan3A_59 = arith.constant 1 : i32
    scf.for %scan3A_197 = %scan3A_56 to %scan3A_58 step %scan3A_59  : i32 {
      %mul3A_198 = arith.constant 16 : i32
      %mul3A_199 = arith.muli %scan3A_197, %mul3A_198 : i32
      %get3A = arith.index_cast %mul3A_199 : i32 to index
      %get3A_200 = tpu.vector_load %arg13[%get3A] {strides = array<i32>} : memref<4096xf32, #tpu.memory_space<vmem>>, vector<16xf32>,
      %get3A_201 = vector.shape_cast %get3A_200 : vector<16xf32> to vector<16xf32>
      %get3A_202 = arith.index_cast %mul3A_199 : i32 to index
      %get3A_203 = tpu.vector_load %arg14[%get3A_202] {strides = array<i32>} : memref<4096xf32, #tpu.memory_space<vmem>>, vector<16xf32>,
      %get3A_204 = vector.shape_cast %get3A_203 : vector<16xf32> to vector<16xf32>
      %get3A_205 = arith.index_cast %mul3A_199 : i32 to index
      %get3A_206 = tpu.vector_load %arg15[%get3A_205] {strides = array<i32>} : memref<4096xf32, #tpu.memory_space<vmem>>, vector<16xf32>,
      %get3A_207 = vector.shape_cast %get3A_206 : vector<16xf32> to vector<16xf32>
      %mul3A_208 = arith.mulf %get3A_201, %get3A_201 : vector<16xf32>
      %mul3A_209 = arith.mulf %get3A_204, %get3A_204 : vector<16xf32>
      %add3A_210 = arith.addf %mul3A_208, %mul3A_209 : vector<16xf32>
      %mul3A_211 = arith.mulf %get3A_207, %get3A_207 : vector<16xf32>
      %add3A_212 = arith.addf %add3A_210, %mul3A_211 : vector<16xf32>
      %swap3A_213 = arith.index_cast %mul3A_199 : i32 to index
      %swap3A_214 = tpu.vector_load %arg19[%swap3A_213] {strides = array<i32>} : memref<4096xf32, #tpu.memory_space<vmem>>, vector<16xf32>,
      %swap3A_215 = vector.shape_cast %swap3A_214 : vector<16xf32> to vector<16xf32>
      %swap3A_216 = vector.shape_cast %add3A_212 : vector<16xf32> to vector<16xf32>
      tpu.vector_store %arg19[%swap3A_213], %swap3A_216 {strides = array<i32>} : memref<4096xf32, #tpu.memory_space<vmem>>, vector<16xf32>,
      %broadcast_in_dim3A_217 = arith.constant 3.000000e+38 : f32
      %broadcast_in_dim3A_218 = vector.broadcast %broadcast_in_dim3A_217 : f32 to vector<16xf32>
      %swap3A_219 = arith.index_cast %mul3A_199 : i32 to index
      %swap3A_220 = tpu.vector_load %arg20[%swap3A_219] {strides = array<i32>} : memref<4096xf32, #tpu.memory_space<vmem>>, vector<16xf32>,
      %swap3A_221 = vector.shape_cast %swap3A_220 : vector<16xf32> to vector<16xf32>
      %swap3A_222 = vector.shape_cast %broadcast_in_dim3A_218 : vector<16xf32> to vector<16xf32>
      tpu.vector_store %arg20[%swap3A_219], %swap3A_222 {strides = array<i32>} : memref<4096xf32, #tpu.memory_space<vmem>>, vector<16xf32>,
    }
    %scan3A_60 = arith.constant 256 : i32
    %broadcast_in_dim3A = arith.constant 3.000000e+38 : f32
    %broadcast_in_dim3A_61 = vector.broadcast %broadcast_in_dim3A : f32 to vector<16xf32>
    %swap3A = arith.constant 16 : index
    %swap3A_62 = tpu.vector_load %arg22[%swap3A] {strides = array<i32>} : memref<128xf32, #tpu.memory_space<vmem>>, vector<16xf32>,
    %swap3A_63 = vector.shape_cast %swap3A_62 : vector<16xf32> to vector<16xf32>
    %swap3A_64 = vector.shape_cast %broadcast_in_dim3A_61 : vector<16xf32> to vector<16xf32>
    tpu.vector_store %arg22[%swap3A], %swap3A_64 {strides = array<i32>} : memref<128xf32, #tpu.memory_space<vmem>>, vector<16xf32>,
    %broadcast_in_dim3A_65 = arith.constant 3.000000e+38 : f32
    %broadcast_in_dim3A_66 = vector.broadcast %broadcast_in_dim3A_65 : f32 to vector<16xf32>
    %swap3A_67 = arith.constant 48 : index
    %swap3A_68 = tpu.vector_load %arg22[%swap3A_67] {strides = array<i32>} : memref<128xf32, #tpu.memory_space<vmem>>, vector<16xf32>,
    %swap3A_69 = vector.shape_cast %swap3A_68 : vector<16xf32> to vector<16xf32>
    %swap3A_70 = vector.shape_cast %broadcast_in_dim3A_66 : vector<16xf32> to vector<16xf32>
    tpu.vector_store %arg22[%swap3A_67], %swap3A_70 {strides = array<i32>} : memref<128xf32, #tpu.memory_space<vmem>>, vector<16xf32>,
    %broadcast_in_dim3A_71 = arith.constant 3.000000e+38 : f32
    %broadcast_in_dim3A_72 = vector.broadcast %broadcast_in_dim3A_71 : f32 to vector<16xf32>
    %swap3A_73 = arith.constant 80 : index
    %swap3A_74 = tpu.vector_load %arg22[%swap3A_73] {strides = array<i32>} : memref<128xf32, #tpu.memory_space<vmem>>, vector<16xf32>,
    %swap3A_75 = vector.shape_cast %swap3A_74 : vector<16xf32> to vector<16xf32>
    %swap3A_76 = vector.shape_cast %broadcast_in_dim3A_72 : vector<16xf32> to vector<16xf32>
    tpu.vector_store %arg22[%swap3A_73], %swap3A_76 {strides = array<i32>} : memref<128xf32, #tpu.memory_space<vmem>>, vector<16xf32>,
    %broadcast_in_dim3A_77 = arith.constant 3.000000e+38 : f32
    %broadcast_in_dim3A_78 = vector.broadcast %broadcast_in_dim3A_77 : f32 to vector<16xf32>
    %swap3A_79 = arith.constant 112 : index
    %swap3A_80 = tpu.vector_load %arg22[%swap3A_79] {strides = array<i32>} : memref<128xf32, #tpu.memory_space<vmem>>, vector<16xf32>,
    %swap3A_81 = vector.shape_cast %swap3A_80 : vector<16xf32> to vector<16xf32>
    %swap3A_82 = vector.shape_cast %broadcast_in_dim3A_78 : vector<16xf32> to vector<16xf32>
    tpu.vector_store %arg22[%swap3A_79], %swap3A_82 {strides = array<i32>} : memref<128xf32, #tpu.memory_space<vmem>>, vector<16xf32>,
    %iota3A = tpu.iota {dimensions = array<i32: 0>} : vector<16xi32>
    %broadcast_in_dim3A_83 = arith.constant 0.000000e+00 : f32
    %broadcast_in_dim3A_84 = vector.broadcast %broadcast_in_dim3A_83 : f32 to vector<16xf32>
    %scan3A_85 = arith.constant 0 : i32
    %scan3A_86 = arith.constant 6 : i32
    %scan3A_87 = arith.addi %scan3A_85, %scan3A_86 : i32
    %scan3A_88 = arith.constant 1 : i32
    %scan3A_89 = scf.for %scan3A_197 = %scan3A_85 to %scan3A_87 step %scan3A_88 iter_args(%scan3A_198 = %broadcast_in_dim3A_84) -> (vector<16xf32>)  : i32 {
      %mul3A_199 = arith.constant 16 : i32
      %mul3A_200 = arith.muli %scan3A_197, %mul3A_199 : i32
      %get3A = arith.index_cast %mul3A_200 : i32 to index
      %get3A_201 = tpu.vector_load %arg7[%get3A] {strides = array<i32>} : memref<96xf32, #tpu.memory_space<vmem>>, vector<16xf32>,
      %get3A_202 = vector.shape_cast %get3A_201 : vector<16xf32> to vector<16xf32>
      %get3A_203 = arith.index_cast %mul3A_200 : i32 to index
      %get3A_204 = tpu.vector_load %arg8[%get3A_203] {strides = array<i32>} : memref<96xf32, #tpu.memory_space<vmem>>, vector<16xf32>,
      %get3A_205 = vector.shape_cast %get3A_204 : vector<16xf32> to vector<16xf32>
      %get3A_206 = arith.index_cast %mul3A_200 : i32 to index
      %get3A_207 = tpu.vector_load %arg9[%get3A_206] {strides = array<i32>} : memref<96xf32, #tpu.memory_space<vmem>>, vector<16xf32>,
      %get3A_208 = vector.shape_cast %get3A_207 : vector<16xf32> to vector<16xf32>
      %get3A_209 = arith.index_cast %mul3A_200 : i32 to index
      %get3A_210 = tpu.vector_load %arg10[%get3A_209] {strides = array<i32>} : memref<96xf32, #tpu.memory_space<vmem>>, vector<16xf32>,
      %get3A_211 = vector.shape_cast %get3A_210 : vector<16xf32> to vector<16xf32>
      %get3A_212 = arith.index_cast %mul3A_200 : i32 to index
      %get3A_213 = tpu.vector_load %arg11[%get3A_212] {strides = array<i32>} : memref<96xf32, #tpu.memory_space<vmem>>, vector<16xf32>,
      %get3A_214 = vector.shape_cast %get3A_213 : vector<16xf32> to vector<16xf32>
      %get3A_215 = arith.index_cast %mul3A_200 : i32 to index
      %get3A_216 = tpu.vector_load %arg12[%get3A_215] {strides = array<i32>} : memref<96xf32, #tpu.memory_space<vmem>>, vector<16xf32>,
      %get3A_217 = vector.shape_cast %get3A_216 : vector<16xf32> to vector<16xf32>
      %slice3A = vector.extract_strided_slice %get3A_202 {offsets = [0], sizes = [1], strides = [1]} : vector<16xf32> to vector<1xf32>
      %squeeze3A = vector.extract %slice3A[0] : f32 from vector<1xf32>
      %slice3A_218 = vector.extract_strided_slice %get3A_205 {offsets = [0], sizes = [1], strides = [1]} : vector<16xf32> to vector<1xf32>
      %squeeze3A_219 = vector.extract %slice3A_218[0] : f32 from vector<1xf32>
      %slice3A_220 = vector.extract_strided_slice %get3A_208 {offsets = [0], sizes = [1], strides = [1]} : vector<16xf32> to vector<1xf32>
      %squeeze3A_221 = vector.extract %slice3A_220[0] : f32 from vector<1xf32>
      %mul3A_222 = arith.mulf %squeeze3A, %squeeze3A : f32
      %mul3A_223 = arith.mulf %squeeze3A_219, %squeeze3A_219 : f32
      %add3A_224 = arith.addf %mul3A_222, %mul3A_223 : f32
      %mul3A_225 = arith.mulf %squeeze3A_221, %squeeze3A_221 : f32
      %add3A_226 = arith.addf %add3A_224, %mul3A_225 : f32
      %broadcast_in_dim3A_227 = vector.broadcast %add3A_226 : f32 to vector<16xf32>
      %slice3A_228 = vector.extract_strided_slice %get3A_211 {offsets = [0], sizes = [1], strides = [1]} : vector<16xf32> to vector<1xf32>
      %squeeze3A_229 = vector.extract %slice3A_228[0] : f32 from vector<1xf32>
      %broadcast_in_dim3A_230 = vector.broadcast %squeeze3A_229 : f32 to vector<16xf32>
      %slice3A_231 = vector.extract_strided_slice %get3A_214 {offsets = [0], sizes = [1], strides = [1]} : vector<16xf32> to vector<1xf32>
      %squeeze3A_232 = vector.extract %slice3A_231[0] : f32 from vector<1xf32>
      %broadcast_in_dim3A_233 = vector.broadcast %squeeze3A_232 : f32 to vector<16xf32>
      %slice3A_234 = vector.extract_strided_slice %get3A_217 {offsets = [0], sizes = [1], strides = [1]} : vector<16xf32> to vector<1xf32>
      %squeeze3A_235 = vector.extract %slice3A_234[0] : f32 from vector<1xf32>
      %broadcast_in_dim3A_236 = vector.broadcast %squeeze3A_235 : f32 to vector<16xf32>
      %slice3A_237 = vector.extract_strided_slice %get3A_202 {offsets = [1], sizes = [1], strides = [1]} : vector<16xf32> to vector<1xf32>
      %squeeze3A_238 = vector.extract %slice3A_237[0] : f32 from vector<1xf32>
      %slice3A_239 = vector.extract_strided_slice %get3A_205 {offsets = [1], sizes = [1], strides = [1]} : vector<16xf32> to vector<1xf32>
      %squeeze3A_240 = vector.extract %slice3A_239[0] : f32 from vector<1xf32>
      %slice3A_241 = vector.extract_strided_slice %get3A_208 {offsets = [1], sizes = [1], strides = [1]} : vector<16xf32> to vector<1xf32>
      %squeeze3A_242 = vector.extract %slice3A_241[0] : f32 from vector<1xf32>
      %mul3A_243 = arith.mulf %squeeze3A_238, %squeeze3A_238 : f32
      %mul3A_244 = arith.mulf %squeeze3A_240, %squeeze3A_240 : f32
      %add3A_245 = arith.addf %mul3A_243, %mul3A_244 : f32
      %mul3A_246 = arith.mulf %squeeze3A_242, %squeeze3A_242 : f32
      %add3A_247 = arith.addf %add3A_245, %mul3A_246 : f32
      %broadcast_in_dim3A_248 = vector.broadcast %add3A_247 : f32 to vector<16xf32>
      %slice3A_249 = vector.extract_strided_slice %get3A_211 {offsets = [1], sizes = [1], strides = [1]} : vector<16xf32> to vector<1xf32>
      %squeeze3A_250 = vector.extract %slice3A_249[0] : f32 from vector<1xf32>
      %broadcast_in_dim3A_251 = vector.broadcast %squeeze3A_250 : f32 to vector<16xf32>
      %slice3A_252 = vector.extract_strided_slice %get3A_214 {offsets = [1], sizes = [1], strides = [1]} : vector<16xf32> to vector<1xf32>
      %squeeze3A_253 = vector.extract %slice3A_252[0] : f32 from vector<1xf32>
      %broadcast_in_dim3A_254 = vector.broadcast %squeeze3A_253 : f32 to vector<16xf32>
      %slice3A_255 = vector.extract_strided_slice %get3A_217 {offsets = [1], sizes = [1], strides = [1]} : vector<16xf32> to vector<1xf32>
      %squeeze3A_256 = vector.extract %slice3A_255[0] : f32 from vector<1xf32>
      %broadcast_in_dim3A_257 = vector.broadcast %squeeze3A_256 : f32 to vector<16xf32>
      %slice3A_258 = vector.extract_strided_slice %get3A_202 {offsets = [2], sizes = [1], strides = [1]} : vector<16xf32> to vector<1xf32>
      %squeeze3A_259 = vector.extract %slice3A_258[0] : f32 from vector<1xf32>
      %slice3A_260 = vector.extract_strided_slice %get3A_205 {offsets = [2], sizes = [1], strides = [1]} : vector<16xf32> to vector<1xf32>
      %squeeze3A_261 = vector.extract %slice3A_260[0] : f32 from vector<1xf32>
      %slice3A_262 = vector.extract_strided_slice %get3A_208 {offsets = [2], sizes = [1], strides = [1]} : vector<16xf32> to vector<1xf32>
      %squeeze3A_263 = vector.extract %slice3A_262[0] : f32 from vector<1xf32>
      %mul3A_264 = arith.mulf %squeeze3A_259, %squeeze3A_259 : f32
      %mul3A_265 = arith.mulf %squeeze3A_261, %squeeze3A_261 : f32
      %add3A_266 = arith.addf %mul3A_264, %mul3A_265 : f32
      %mul3A_267 = arith.mulf %squeeze3A_263, %squeeze3A_263 : f32
      %add3A_268 = arith.addf %add3A_266, %mul3A_267 : f32
      %broadcast_in_dim3A_269 = vector.broadcast %add3A_268 : f32 to vector<16xf32>
      %slice3A_270 = vector.extract_strided_slice %get3A_211 {offsets = [2], sizes = [1], strides = [1]} : vector<16xf32> to vector<1xf32>
      %squeeze3A_271 = vector.extract %slice3A_270[0] : f32 from vector<1xf32>
      %broadcast_in_dim3A_272 = vector.broadcast %squeeze3A_271 : f32 to vector<16xf32>
      %slice3A_273 = vector.extract_strided_slice %get3A_214 {offsets = [2], sizes = [1], strides = [1]} : vector<16xf32> to vector<1xf32>
      %squeeze3A_274 = vector.extract %slice3A_273[0] : f32 from vector<1xf32>
      %broadcast_in_dim3A_275 = vector.broadcast %squeeze3A_274 : f32 to vector<16xf32>
      %slice3A_276 = vector.extract_strided_slice %get3A_217 {offsets = [2], sizes = [1], strides = [1]} : vector<16xf32> to vector<1xf32>
      %squeeze3A_277 = vector.extract %slice3A_276[0] : f32 from vector<1xf32>
      %broadcast_in_dim3A_278 = vector.broadcast %squeeze3A_277 : f32 to vector<16xf32>
      %slice3A_279 = vector.extract_strided_slice %get3A_202 {offsets = [3], sizes = [1], strides = [1]} : vector<16xf32> to vector<1xf32>
      %squeeze3A_280 = vector.extract %slice3A_279[0] : f32 from vector<1xf32>
      %slice3A_281 = vector.extract_strided_slice %get3A_205 {offsets = [3], sizes = [1], strides = [1]} : vector<16xf32> to vector<1xf32>
      %squeeze3A_282 = vector.extract %slice3A_281[0] : f32 from vector<1xf32>
      %slice3A_283 = vector.extract_strided_slice %get3A_208 {offsets = [3], sizes = [1], strides = [1]} : vector<16xf32> to vector<1xf32>
      %squeeze3A_284 = vector.extract %slice3A_283[0] : f32 from vector<1xf32>
      %mul3A_285 = arith.mulf %squeeze3A_280, %squeeze3A_280 : f32
      %mul3A_286 = arith.mulf %squeeze3A_282, %squeeze3A_282 : f32
      %add3A_287 = arith.addf %mul3A_285, %mul3A_286 : f32
      %mul3A_288 = arith.mulf %squeeze3A_284, %squeeze3A_284 : f32
      %add3A_289 = arith.addf %add3A_287, %mul3A_288 : f32
      %broadcast_in_dim3A_290 = vector.broadcast %add3A_289 : f32 to vector<16xf32>
      %slice3A_291 = vector.extract_strided_slice %get3A_211 {offsets = [3], sizes = [1], strides = [1]} : vector<16xf32> to vector<1xf32>
      %squeeze3A_292 = vector.extract %slice3A_291[0] : f32 from vector<1xf32>
      %broadcast_in_dim3A_293 = vector.broadcast %squeeze3A_292 : f32 to vector<16xf32>
      %slice3A_294 = vector.extract_strided_slice %get3A_214 {offsets = [3], sizes = [1], strides = [1]} : vector<16xf32> to vector<1xf32>
      %squeeze3A_295 = vector.extract %slice3A_294[0] : f32 from vector<1xf32>
      %broadcast_in_dim3A_296 = vector.broadcast %squeeze3A_295 : f32 to vector<16xf32>
      %slice3A_297 = vector.extract_strided_slice %get3A_217 {offsets = [3], sizes = [1], strides = [1]} : vector<16xf32> to vector<1xf32>
      %squeeze3A_298 = vector.extract %slice3A_297[0] : f32 from vector<1xf32>
      %broadcast_in_dim3A_299 = vector.broadcast %squeeze3A_298 : f32 to vector<16xf32>
      %broadcast_in_dim3A_300 = arith.constant 3.000000e+38 : f32
      %broadcast_in_dim3A_301 = vector.broadcast %broadcast_in_dim3A_300 : f32 to vector<16xf32>
      %broadcast_in_dim3A_302 = arith.constant 3.000000e+38 : f32
      %broadcast_in_dim3A_303 = vector.broadcast %broadcast_in_dim3A_302 : f32 to vector<16xf32>
      %broadcast_in_dim3A_304 = arith.constant 3.000000e+38 : f32
      %broadcast_in_dim3A_305 = vector.broadcast %broadcast_in_dim3A_304 : f32 to vector<16xf32>
      %broadcast_in_dim3A_306 = arith.constant 3.000000e+38 : f32
      %broadcast_in_dim3A_307 = vector.broadcast %broadcast_in_dim3A_306 : f32 to vector<16xf32>
      %scan3A_308 = arith.constant 0 : i32
      %scan3A_309 = arith.constant 256 : i32
      %scan3A_310 = arith.addi %scan3A_308, %scan3A_309 : i32
      %scan3A_311 = arith.constant 1 : i32
      %scan3A_312:4 = scf.for %scan3A_1535 = %scan3A_308 to %scan3A_310 step %scan3A_311 iter_args(%scan3A_1536 = %broadcast_in_dim3A_301, %scan3A_1537 = %broadcast_in_dim3A_303, %scan3A_1538 = %broadcast_in_dim3A_305, %scan3A_1539 = %broadcast_in_dim3A_307) -> (vector<16xf32>, vector<16xf32>, vector<16xf32>, vector<16xf32>)  : i32 {
        %mul3A_1540 = arith.constant 16 : i32
        %mul3A_1541 = arith.muli %scan3A_1535, %mul3A_1540 : i32
        %get3A_1542 = arith.index_cast %mul3A_1541 : i32 to index
        %get3A_1543 = tpu.vector_load %arg16[%get3A_1542] {strides = array<i32>} : memref<4096xf32, #tpu.memory_space<vmem>>, vector<16xf32>,
        %get3A_1544 = vector.shape_cast %get3A_1543 : vector<16xf32> to vector<16xf32>
        %get3A_1545 = arith.index_cast %mul3A_1541 : i32 to index
        %get3A_1546 = tpu.vector_load %arg17[%get3A_1545] {strides = array<i32>} : memref<4096xf32, #tpu.memory_space<vmem>>, vector<16xf32>,
        %get3A_1547 = vector.shape_cast %get3A_1546 : vector<16xf32> to vector<16xf32>
        %get3A_1548 = arith.index_cast %mul3A_1541 : i32 to index
        %get3A_1549 = tpu.vector_load %arg18[%get3A_1548] {strides = array<i32>} : memref<4096xf32, #tpu.memory_space<vmem>>, vector<16xf32>,
        %get3A_1550 = vector.shape_cast %get3A_1549 : vector<16xf32> to vector<16xf32>
        %get3A_1551 = arith.index_cast %mul3A_1541 : i32 to index
        %get3A_1552 = tpu.vector_load %arg19[%get3A_1551] {strides = array<i32>} : memref<4096xf32, #tpu.memory_space<vmem>>, vector<16xf32>,
        %get3A_1553 = vector.shape_cast %get3A_1552 : vector<16xf32> to vector<16xf32>
        %get3A_1554 = arith.index_cast %mul3A_1541 : i32 to index
        %get3A_1555 = tpu.vector_load %arg20[%get3A_1554] {strides = array<i32>} : memref<4096xf32, #tpu.memory_space<vmem>>, vector<16xf32>,
        %get3A_1556 = vector.shape_cast %get3A_1555 : vector<16xf32> to vector<16xf32>
        %mul3A_1557 = arith.mulf %broadcast_in_dim3A_230, %get3A_1544 : vector<16xf32>
        %mul3A_1558 = arith.mulf %broadcast_in_dim3A_233, %get3A_1547 : vector<16xf32>
        %add3A_1559 = arith.addf %mul3A_1557, %mul3A_1558 : vector<16xf32>
        %mul3A_1560 = arith.mulf %broadcast_in_dim3A_236, %get3A_1550 : vector<16xf32>
        %add3A_1561 = arith.addf %add3A_1559, %mul3A_1560 : vector<16xf32>
        %add3A_1562 = arith.addf %broadcast_in_dim3A_227, %get3A_1553 : vector<16xf32>
        %mul3A_1563 = arith.constant 2.000000e+00 : f32
        %mul3A_1564 = vector.broadcast %mul3A_1563 : f32 to vector<16xf32>
        %mul3A_1565 = arith.mulf %mul3A_1564, %add3A_1561 : vector<16xf32>
        %sub3A_1566 = arith.subf %add3A_1562, %mul3A_1565 : vector<16xf32>
        %min3A_1567 = arith.minimumf %scan3A_1536, %sub3A_1566 : vector<16xf32>
        %min3A_1568 = arith.minimumf %get3A_1556, %sub3A_1566 : vector<16xf32>
        %mul3A_1569 = arith.mulf %broadcast_in_dim3A_251, %get3A_1544 : vector<16xf32>
        %mul3A_1570 = arith.mulf %broadcast_in_dim3A_254, %get3A_1547 : vector<16xf32>
        %add3A_1571 = arith.addf %mul3A_1569, %mul3A_1570 : vector<16xf32>
        %mul3A_1572 = arith.mulf %broadcast_in_dim3A_257, %get3A_1550 : vector<16xf32>
        %add3A_1573 = arith.addf %add3A_1571, %mul3A_1572 : vector<16xf32>
        %add3A_1574 = arith.addf %broadcast_in_dim3A_248, %get3A_1553 : vector<16xf32>
        %mul3A_1575 = arith.constant 2.000000e+00 : f32
        %mul3A_1576 = vector.broadcast %mul3A_1575 : f32 to vector<16xf32>
        %mul3A_1577 = arith.mulf %mul3A_1576, %add3A_1573 : vector<16xf32>
        %sub3A_1578 = arith.subf %add3A_1574, %mul3A_1577 : vector<16xf32>
        %min3A_1579 = arith.minimumf %scan3A_1537, %sub3A_1578 : vector<16xf32>
        %min3A_1580 = arith.minimumf %min3A_1568, %sub3A_1578 : vector<16xf32>
        %mul3A_1581 = arith.mulf %broadcast_in_dim3A_272, %get3A_1544 : vector<16xf32>
        %mul3A_1582 = arith.mulf %broadcast_in_dim3A_275, %get3A_1547 : vector<16xf32>
        %add3A_1583 = arith.addf %mul3A_1581, %mul3A_1582 : vector<16xf32>
        %mul3A_1584 = arith.mulf %broadcast_in_dim3A_278, %get3A_1550 : vector<16xf32>
        %add3A_1585 = arith.addf %add3A_1583, %mul3A_1584 : vector<16xf32>
        %add3A_1586 = arith.addf %broadcast_in_dim3A_269, %get3A_1553 : vector<16xf32>
        %mul3A_1587 = arith.constant 2.000000e+00 : f32
        %mul3A_1588 = vector.broadcast %mul3A_1587 : f32 to vector<16xf32>
        %mul3A_1589 = arith.mulf %mul3A_1588, %add3A_1585 : vector<16xf32>
        %sub3A_1590 = arith.subf %add3A_1586, %mul3A_1589 : vector<16xf32>
        %min3A_1591 = arith.minimumf %scan3A_1538, %sub3A_1590 : vector<16xf32>
        %min3A_1592 = arith.minimumf %min3A_1580, %sub3A_1590 : vector<16xf32>
        %mul3A_1593 = arith.mulf %broadcast_in_dim3A_293, %get3A_1544 : vector<16xf32>
        %mul3A_1594 = arith.mulf %broadcast_in_dim3A_296, %get3A_1547 : vector<16xf32>
        %add3A_1595 = arith.addf %mul3A_1593, %mul3A_1594 : vector<16xf32>
        %mul3A_1596 = arith.mulf %broadcast_in_dim3A_299, %get3A_1550 : vector<16xf32>
        %add3A_1597 = arith.addf %add3A_1595, %mul3A_1596 : vector<16xf32>
        %add3A_1598 = arith.addf %broadcast_in_dim3A_290, %get3A_1553 : vector<16xf32>
        %mul3A_1599 = arith.constant 2.000000e+00 : f32
        %mul3A_1600 = vector.broadcast %mul3A_1599 : f32 to vector<16xf32>
        %mul3A_1601 = arith.mulf %mul3A_1600, %add3A_1597 : vector<16xf32>
        %sub3A_1602 = arith.subf %add3A_1598, %mul3A_1601 : vector<16xf32>
        %min3A_1603 = arith.minimumf %scan3A_1539, %sub3A_1602 : vector<16xf32>
        %min3A_1604 = arith.minimumf %min3A_1592, %sub3A_1602 : vector<16xf32>
        %swap3A_1605 = arith.index_cast %mul3A_1541 : i32 to index
        %swap3A_1606 = tpu.vector_load %arg20[%swap3A_1605] {strides = array<i32>} : memref<4096xf32, #tpu.memory_space<vmem>>, vector<16xf32>,
        %swap3A_1607 = vector.shape_cast %swap3A_1606 : vector<16xf32> to vector<16xf32>
        %swap3A_1608 = vector.shape_cast %min3A_1604 : vector<16xf32> to vector<16xf32>
        tpu.vector_store %arg20[%swap3A_1605], %swap3A_1608 {strides = array<i32>} : memref<4096xf32, #tpu.memory_space<vmem>>, vector<16xf32>,
        scf.yield %min3A_1567, %min3A_1579, %min3A_1591, %min3A_1603 : vector<16xf32>, vector<16xf32>, vector<16xf32>, vector<16xf32>
      }
      %scan3A_313 = arith.constant 256 : i32
      %swap3A_314 = arith.constant 0 : index
      %swap3A_315 = tpu.vector_load %arg22[%swap3A_314] {strides = array<i32>} : memref<128xf32, #tpu.memory_space<vmem>>, vector<16xf32>,
      %swap3A_316 = vector.shape_cast %swap3A_315 : vector<16xf32> to vector<16xf32>
      %swap3A_317 = vector.shape_cast %scan3A_312#0 : vector<16xf32> to vector<16xf32>
      tpu.vector_store %arg22[%swap3A_314], %swap3A_317 {strides = array<i32>} : memref<128xf32, #tpu.memory_space<vmem>>, vector<16xf32>,
      %swap3A_318 = arith.constant 32 : index
      %swap3A_319 = tpu.vector_load %arg22[%swap3A_318] {strides = array<i32>} : memref<128xf32, #tpu.memory_space<vmem>>, vector<16xf32>,
      %swap3A_320 = vector.shape_cast %swap3A_319 : vector<16xf32> to vector<16xf32>
      %swap3A_321 = vector.shape_cast %scan3A_312#1 : vector<16xf32> to vector<16xf32>
      tpu.vector_store %arg22[%swap3A_318], %swap3A_321 {strides = array<i32>} : memref<128xf32, #tpu.memory_space<vmem>>, vector<16xf32>,
      %swap3A_322 = arith.constant 64 : index
      %swap3A_323 = tpu.vector_load %arg22[%swap3A_322] {strides = array<i32>} : memref<128xf32, #tpu.memory_space<vmem>>, vector<16xf32>,
      %swap3A_324 = vector.shape_cast %swap3A_323 : vector<16xf32> to vector<16xf32>
      %swap3A_325 = vector.shape_cast %scan3A_312#2 : vector<16xf32> to vector<16xf32>
      tpu.vector_store %arg22[%swap3A_322], %swap3A_325 {strides = array<i32>} : memref<128xf32, #tpu.memory_space<vmem>>, vector<16xf32>,
      %swap3A_326 = arith.constant 96 : index
      %swap3A_327 = tpu.vector_load %arg22[%swap3A_326] {strides = array<i32>} : memref<128xf32, #tpu.memory_space<vmem>>, vector<16xf32>,
      %swap3A_328 = vector.shape_cast %swap3A_327 : vector<16xf32> to vector<16xf32>
      %swap3A_329 = vector.shape_cast %scan3A_312#3 : vector<16xf32> to vector<16xf32>
      tpu.vector_store %arg22[%swap3A_326], %swap3A_329 {strides = array<i32>} : memref<128xf32, #tpu.memory_space<vmem>>, vector<16xf32>,
      %get3A_330 = arith.constant 0 : index
      %get3A_331 = tpu.vector_load %arg22[%get3A_330] {strides = array<i32>} : memref<128xf32, #tpu.memory_space<vmem>>, vector<16xf32>,
      %get3A_332 = vector.shape_cast %get3A_331 : vector<16xf32> to vector<16xf32>
      %get3A_333 = arith.constant 8 : index
      %get3A_334 = tpu.vector_load %arg22[%get3A_333] {strides = array<i32>} : memref<128xf32, #tpu.memory_space<vmem>>, vector<16xf32>,
      %get3A_335 = vector.shape_cast %get3A_334 : vector<16xf32> to vector<16xf32>
      %min3A = arith.minimumf %get3A_332, %get3A_335 : vector<16xf32>
      %get3A_336 = arith.constant 32 : index
      %get3A_337 = tpu.vector_load %arg22[%get3A_336] {strides = array<i32>} : memref<128xf32, #tpu.memory_space<vmem>>, vector<16xf32>,
      %get3A_338 = vector.shape_cast %get3A_337 : vector<16xf32> to vector<16xf32>
      %get3A_339 = arith.constant 40 : index
      %get3A_340 = tpu.vector_load %arg22[%get3A_339] {strides = array<i32>} : memref<128xf32, #tpu.memory_space<vmem>>, vector<16xf32>,
      %get3A_341 = vector.shape_cast %get3A_340 : vector<16xf32> to vector<16xf32>
      %min3A_342 = arith.minimumf %get3A_338, %get3A_341 : vector<16xf32>
      %get3A_343 = arith.constant 64 : index
      %get3A_344 = tpu.vector_load %arg22[%get3A_343] {strides = array<i32>} : memref<128xf32, #tpu.memory_space<vmem>>, vector<16xf32>,
      %get3A_345 = vector.shape_cast %get3A_344 : vector<16xf32> to vector<16xf32>
      %get3A_346 = arith.constant 72 : index
      %get3A_347 = tpu.vector_load %arg22[%get3A_346] {strides = array<i32>} : memref<128xf32, #tpu.memory_space<vmem>>, vector<16xf32>,
      %get3A_348 = vector.shape_cast %get3A_347 : vector<16xf32> to vector<16xf32>
      %min3A_349 = arith.minimumf %get3A_345, %get3A_348 : vector<16xf32>
      %get3A_350 = arith.constant 96 : index
      %get3A_351 = tpu.vector_load %arg22[%get3A_350] {strides = array<i32>} : memref<128xf32, #tpu.memory_space<vmem>>, vector<16xf32>,
      %get3A_352 = vector.shape_cast %get3A_351 : vector<16xf32> to vector<16xf32>
      %get3A_353 = arith.constant 104 : index
      %get3A_354 = tpu.vector_load %arg22[%get3A_353] {strides = array<i32>} : memref<128xf32, #tpu.memory_space<vmem>>, vector<16xf32>,
      %get3A_355 = vector.shape_cast %get3A_354 : vector<16xf32> to vector<16xf32>
      %min3A_356 = arith.minimumf %get3A_352, %get3A_355 : vector<16xf32>
      %swap3A_357 = arith.constant 0 : index
      %swap3A_358 = tpu.vector_load %arg22[%swap3A_357] {strides = array<i32>} : memref<128xf32, #tpu.memory_space<vmem>>, vector<16xf32>,
      %swap3A_359 = vector.shape_cast %swap3A_358 : vector<16xf32> to vector<16xf32>
      %swap3A_360 = vector.shape_cast %min3A : vector<16xf32> to vector<16xf32>
      tpu.vector_store %arg22[%swap3A_357], %swap3A_360 {strides = array<i32>} : memref<128xf32, #tpu.memory_space<vmem>>, vector<16xf32>,
      %swap3A_361 = arith.constant 32 : index
      %swap3A_362 = tpu.vector_load %arg22[%swap3A_361] {strides = array<i32>} : memref<128xf32, #tpu.memory_space<vmem>>, vector<16xf32>,
      %swap3A_363 = vector.shape_cast %swap3A_362 : vector<16xf32> to vector<16xf32>
      %swap3A_364 = vector.shape_cast %min3A_342 : vector<16xf32> to vector<16xf32>
      tpu.vector_store %arg22[%swap3A_361], %swap3A_364 {strides = array<i32>} : memref<128xf32, #tpu.memory_space<vmem>>, vector<16xf32>,
      %swap3A_365 = arith.constant 64 : index
      %swap3A_366 = tpu.vector_load %arg22[%swap3A_365] {strides = array<i32>} : memref<128xf32, #tpu.memory_space<vmem>>, vector<16xf32>,
      %swap3A_367 = vector.shape_cast %swap3A_366 : vector<16xf32> to vector<16xf32>
      %swap3A_368 = vector.shape_cast %min3A_349 : vector<16xf32> to vector<16xf32>
      tpu.vector_store %arg22[%swap3A_365], %swap3A_368 {strides = array<i32>} : memref<128xf32, #tpu.memory_space<vmem>>, vector<16xf32>,
      %swap3A_369 = arith.constant 96 : index
      %swap3A_370 = tpu.vector_load %arg22[%swap3A_369] {strides = array<i32>} : memref<128xf32, #tpu.memory_space<vmem>>, vector<16xf32>,
      %swap3A_371 = vector.shape_cast %swap3A_370 : vector<16xf32> to vector<16xf32>
      %swap3A_372 = vector.shape_cast %min3A_356 : vector<16xf32> to vector<16xf32>
      tpu.vector_store %arg22[%swap3A_369], %swap3A_372 {strides = array<i32>} : memref<128xf32, #tpu.memory_space<vmem>>, vector<16xf32>,
      %get3A_373 = arith.constant 0 : index
      %get3A_374 = tpu.vector_load %arg22[%get3A_373] {strides = array<i32>} : memref<128xf32, #tpu.memory_space<vmem>>, vector<16xf32>,
      %get3A_375 = vector.shape_cast %get3A_374 : vector<16xf32> to vector<16xf32>
      %get3A_376 = arith.constant 4 : index
      %get3A_377 = tpu.vector_load %arg22[%get3A_376] {strides = array<i32>} : memref<128xf32, #tpu.memory_space<vmem>>, vector<16xf32>,
      %get3A_378 = vector.shape_cast %get3A_377 : vector<16xf32> to vector<16xf32>
      %min3A_379 = arith.minimumf %get3A_375, %get3A_378 : vector<16xf32>
      %get3A_380 = arith.constant 32 : index
      %get3A_381 = tpu.vector_load %arg22[%get3A_380] {strides = array<i32>} : memref<128xf32, #tpu.memory_space<vmem>>, vector<16xf32>,
      %get3A_382 = vector.shape_cast %get3A_381 : vector<16xf32> to vector<16xf32>
      %get3A_383 = arith.constant 36 : index
      %get3A_384 = tpu.vector_load %arg22[%get3A_383] {strides = array<i32>} : memref<128xf32, #tpu.memory_space<vmem>>, vector<16xf32>,
      %get3A_385 = vector.shape_cast %get3A_384 : vector<16xf32> to vector<16xf32>
      %min3A_386 = arith.minimumf %get3A_382, %get3A_385 : vector<16xf32>
      %get3A_387 = arith.constant 64 : index
      %get3A_388 = tpu.vector_load %arg22[%get3A_387] {strides = array<i32>} : memref<128xf32, #tpu.memory_space<vmem>>, vector<16xf32>,
      %get3A_389 = vector.shape_cast %get3A_388 : vector<16xf32> to vector<16xf32>
      %get3A_390 = arith.constant 68 : index
      %get3A_391 = tpu.vector_load %arg22[%get3A_390] {strides = array<i32>} : memref<128xf32, #tpu.memory_space<vmem>>, vector<16xf32>,
      %get3A_392 = vector.shape_cast %get3A_391 : vector<16xf32> to vector<16xf32>
      %min3A_393 = arith.minimumf %get3A_389, %get3A_392 : vector<16xf32>
      %get3A_394 = arith.constant 96 : index
      %get3A_395 = tpu.vector_load %arg22[%get3A_394] {strides = array<i32>} : memref<128xf32, #tpu.memory_space<vmem>>, vector<16xf32>,
      %get3A_396 = vector.shape_cast %get3A_395 : vector<16xf32> to vector<16xf32>
      %get3A_397 = arith.constant 100 : index
      %get3A_398 = tpu.vector_load %arg22[%get3A_397] {strides = array<i32>} : memref<128xf32, #tpu.memory_space<vmem>>, vector<16xf32>,
      %get3A_399 = vector.shape_cast %get3A_398 : vector<16xf32> to vector<16xf32>
      %min3A_400 = arith.minimumf %get3A_396, %get3A_399 : vector<16xf32>
      %swap3A_401 = arith.constant 0 : index
      %swap3A_402 = tpu.vector_load %arg22[%swap3A_401] {strides = array<i32>} : memref<128xf32, #tpu.memory_space<vmem>>, vector<16xf32>,
      %swap3A_403 = vector.shape_cast %swap3A_402 : vector<16xf32> to vector<16xf32>
      %swap3A_404 = vector.shape_cast %min3A_379 : vector<16xf32> to vector<16xf32>
      tpu.vector_store %arg22[%swap3A_401], %swap3A_404 {strides = array<i32>} : memref<128xf32, #tpu.memory_space<vmem>>, vector<16xf32>,
      %swap3A_405 = arith.constant 32 : index
      %swap3A_406 = tpu.vector_load %arg22[%swap3A_405] {strides = array<i32>} : memref<128xf32, #tpu.memory_space<vmem>>, vector<16xf32>,
      %swap3A_407 = vector.shape_cast %swap3A_406 : vector<16xf32> to vector<16xf32>
      %swap3A_408 = vector.shape_cast %min3A_386 : vector<16xf32> to vector<16xf32>
      tpu.vector_store %arg22[%swap3A_405], %swap3A_408 {strides = array<i32>} : memref<128xf32, #tpu.memory_space<vmem>>, vector<16xf32>,
      %swap3A_409 = arith.constant 64 : index
      %swap3A_410 = tpu.vector_load %arg22[%swap3A_409] {strides = array<i32>} : memref<128xf32, #tpu.memory_space<vmem>>, vector<16xf32>,
      %swap3A_411 = vector.shape_cast %swap3A_410 : vector<16xf32> to vector<16xf32>
      %swap3A_412 = vector.shape_cast %min3A_393 : vector<16xf32> to vector<16xf32>
      tpu.vector_store %arg22[%swap3A_409], %swap3A_412 {strides = array<i32>} : memref<128xf32, #tpu.memory_space<vmem>>, vector<16xf32>,
      %swap3A_413 = arith.constant 96 : index
      %swap3A_414 = tpu.vector_load %arg22[%swap3A_413] {strides = array<i32>} : memref<128xf32, #tpu.memory_space<vmem>>, vector<16xf32>,
      %swap3A_415 = vector.shape_cast %swap3A_414 : vector<16xf32> to vector<16xf32>
      %swap3A_416 = vector.shape_cast %min3A_400 : vector<16xf32> to vector<16xf32>
      tpu.vector_store %arg22[%swap3A_413], %swap3A_416 {strides = array<i32>} : memref<128xf32, #tpu.memory_space<vmem>>, vector<16xf32>,
      %get3A_417 = arith.constant 0 : index
      %get3A_418 = tpu.vector_load %arg22[%get3A_417] {strides = array<i32>} : memref<128xf32, #tpu.memory_space<vmem>>, vector<16xf32>,
      %get3A_419 = vector.shape_cast %get3A_418 : vector<16xf32> to vector<16xf32>
      %get3A_420 = arith.constant 2 : index
      %get3A_421 = tpu.vector_load %arg22[%get3A_420] {strides = array<i32>} : memref<128xf32, #tpu.memory_space<vmem>>, vector<16xf32>,
      %get3A_422 = vector.shape_cast %get3A_421 : vector<16xf32> to vector<16xf32>
      %min3A_423 = arith.minimumf %get3A_419, %get3A_422 : vector<16xf32>
      %get3A_424 = arith.constant 32 : index
      %get3A_425 = tpu.vector_load %arg22[%get3A_424] {strides = array<i32>} : memref<128xf32, #tpu.memory_space<vmem>>, vector<16xf32>,
      %get3A_426 = vector.shape_cast %get3A_425 : vector<16xf32> to vector<16xf32>
      %get3A_427 = arith.constant 34 : index
      %get3A_428 = tpu.vector_load %arg22[%get3A_427] {strides = array<i32>} : memref<128xf32, #tpu.memory_space<vmem>>, vector<16xf32>,
      %get3A_429 = vector.shape_cast %get3A_428 : vector<16xf32> to vector<16xf32>
      %min3A_430 = arith.minimumf %get3A_426, %get3A_429 : vector<16xf32>
      %get3A_431 = arith.constant 64 : index
      %get3A_432 = tpu.vector_load %arg22[%get3A_431] {strides = array<i32>} : memref<128xf32, #tpu.memory_space<vmem>>, vector<16xf32>,
      %get3A_433 = vector.shape_cast %get3A_432 : vector<16xf32> to vector<16xf32>
      %get3A_434 = arith.constant 66 : index
      %get3A_435 = tpu.vector_load %arg22[%get3A_434] {strides = array<i32>} : memref<128xf32, #tpu.memory_space<vmem>>, vector<16xf32>,
      %get3A_436 = vector.shape_cast %get3A_435 : vector<16xf32> to vector<16xf32>
      %min3A_437 = arith.minimumf %get3A_433, %get3A_436 : vector<16xf32>
      %get3A_438 = arith.constant 96 : index
      %get3A_439 = tpu.vector_load %arg22[%get3A_438] {strides = array<i32>} : memref<128xf32, #tpu.memory_space<vmem>>, vector<16xf32>,
      %get3A_440 = vector.shape_cast %get3A_439 : vector<16xf32> to vector<16xf32>
      %get3A_441 = arith.constant 98 : index
      %get3A_442 = tpu.vector_load %arg22[%get3A_441] {strides = array<i32>} : memref<128xf32, #tpu.memory_space<vmem>>, vector<16xf32>,
      %get3A_443 = vector.shape_cast %get3A_442 : vector<16xf32> to vector<16xf32>
      %min3A_444 = arith.minimumf %get3A_440, %get3A_443 : vector<16xf32>
      %swap3A_445 = arith.constant 0 : index
      %swap3A_446 = tpu.vector_load %arg22[%swap3A_445] {strides = array<i32>} : memref<128xf32, #tpu.memory_space<vmem>>, vector<16xf32>,
      %swap3A_447 = vector.shape_cast %swap3A_446 : vector<16xf32> to vector<16xf32>
      %swap3A_448 = vector.shape_cast %min3A_423 : vector<16xf32> to vector<16xf32>
      tpu.vector_store %arg22[%swap3A_445], %swap3A_448 {strides = array<i32>} : memref<128xf32, #tpu.memory_space<vmem>>, vector<16xf32>,
      %swap3A_449 = arith.constant 32 : index
      %swap3A_450 = tpu.vector_load %arg22[%swap3A_449] {strides = array<i32>} : memref<128xf32, #tpu.memory_space<vmem>>, vector<16xf32>,
      %swap3A_451 = vector.shape_cast %swap3A_450 : vector<16xf32> to vector<16xf32>
      %swap3A_452 = vector.shape_cast %min3A_430 : vector<16xf32> to vector<16xf32>
      tpu.vector_store %arg22[%swap3A_449], %swap3A_452 {strides = array<i32>} : memref<128xf32, #tpu.memory_space<vmem>>, vector<16xf32>,
      %swap3A_453 = arith.constant 64 : index
      %swap3A_454 = tpu.vector_load %arg22[%swap3A_453] {strides = array<i32>} : memref<128xf32, #tpu.memory_space<vmem>>, vector<16xf32>,
      %swap3A_455 = vector.shape_cast %swap3A_454 : vector<16xf32> to vector<16xf32>
      %swap3A_456 = vector.shape_cast %min3A_437 : vector<16xf32> to vector<16xf32>
      tpu.vector_store %arg22[%swap3A_453], %swap3A_456 {strides = array<i32>} : memref<128xf32, #tpu.memory_space<vmem>>, vector<16xf32>,
      %swap3A_457 = arith.constant 96 : index
      %swap3A_458 = tpu.vector_load %arg22[%swap3A_457] {strides = array<i32>} : memref<128xf32, #tpu.memory_space<vmem>>, vector<16xf32>,
      %swap3A_459 = vector.shape_cast %swap3A_458 : vector<16xf32> to vector<16xf32>
      %swap3A_460 = vector.shape_cast %min3A_444 : vector<16xf32> to vector<16xf32>
      tpu.vector_store %arg22[%swap3A_457], %swap3A_460 {strides = array<i32>} : memref<128xf32, #tpu.memory_space<vmem>>, vector<16xf32>,
      %get3A_461 = arith.constant 0 : index
      %get3A_462 = tpu.vector_load %arg22[%get3A_461] {strides = array<i32>} : memref<128xf32, #tpu.memory_space<vmem>>, vector<16xf32>,
      %get3A_463 = vector.shape_cast %get3A_462 : vector<16xf32> to vector<16xf32>
      %get3A_464 = arith.constant 1 : index
      %get3A_465 = tpu.vector_load %arg22[%get3A_464] {strides = array<i32>} : memref<128xf32, #tpu.memory_space<vmem>>, vector<16xf32>,
      %get3A_466 = vector.shape_cast %get3A_465 : vector<16xf32> to vector<16xf32>
      %min3A_467 = arith.minimumf %get3A_463, %get3A_466 : vector<16xf32>
      %get3A_468 = arith.constant 32 : index
      %get3A_469 = tpu.vector_load %arg22[%get3A_468] {strides = array<i32>} : memref<128xf32, #tpu.memory_space<vmem>>, vector<16xf32>,
      %get3A_470 = vector.shape_cast %get3A_469 : vector<16xf32> to vector<16xf32>
      %get3A_471 = arith.constant 33 : index
      %get3A_472 = tpu.vector_load %arg22[%get3A_471] {strides = array<i32>} : memref<128xf32, #tpu.memory_space<vmem>>, vector<16xf32>,
      %get3A_473 = vector.shape_cast %get3A_472 : vector<16xf32> to vector<16xf32>
      %min3A_474 = arith.minimumf %get3A_470, %get3A_473 : vector<16xf32>
      %get3A_475 = arith.constant 64 : index
      %get3A_476 = tpu.vector_load %arg22[%get3A_475] {strides = array<i32>} : memref<128xf32, #tpu.memory_space<vmem>>, vector<16xf32>,
      %get3A_477 = vector.shape_cast %get3A_476 : vector<16xf32> to vector<16xf32>
      %get3A_478 = arith.constant 65 : index
      %get3A_479 = tpu.vector_load %arg22[%get3A_478] {strides = array<i32>} : memref<128xf32, #tpu.memory_space<vmem>>, vector<16xf32>,
      %get3A_480 = vector.shape_cast %get3A_479 : vector<16xf32> to vector<16xf32>
      %min3A_481 = arith.minimumf %get3A_477, %get3A_480 : vector<16xf32>
      %get3A_482 = arith.constant 96 : index
      %get3A_483 = tpu.vector_load %arg22[%get3A_482] {strides = array<i32>} : memref<128xf32, #tpu.memory_space<vmem>>, vector<16xf32>,
      %get3A_484 = vector.shape_cast %get3A_483 : vector<16xf32> to vector<16xf32>
      %get3A_485 = arith.constant 97 : index
      %get3A_486 = tpu.vector_load %arg22[%get3A_485] {strides = array<i32>} : memref<128xf32, #tpu.memory_space<vmem>>, vector<16xf32>,
      %get3A_487 = vector.shape_cast %get3A_486 : vector<16xf32> to vector<16xf32>
      %min3A_488 = arith.minimumf %get3A_484, %get3A_487 : vector<16xf32>
      %swap3A_489 = arith.constant 0 : index
      %swap3A_490 = tpu.vector_load %arg22[%swap3A_489] {strides = array<i32>} : memref<128xf32, #tpu.memory_space<vmem>>, vector<16xf32>,
      %swap3A_491 = vector.shape_cast %swap3A_490 : vector<16xf32> to vector<16xf32>
      %swap3A_492 = vector.shape_cast %min3A_467 : vector<16xf32> to vector<16xf32>
      tpu.vector_store %arg22[%swap3A_489], %swap3A_492 {strides = array<i32>} : memref<128xf32, #tpu.memory_space<vmem>>, vector<16xf32>,
      %swap3A_493 = arith.constant 32 : index
      %swap3A_494 = tpu.vector_load %arg22[%swap3A_493] {strides = array<i32>} : memref<128xf32, #tpu.memory_space<vmem>>, vector<16xf32>,
      %swap3A_495 = vector.shape_cast %swap3A_494 : vector<16xf32> to vector<16xf32>
      %swap3A_496 = vector.shape_cast %min3A_474 : vector<16xf32> to vector<16xf32>
      tpu.vector_store %arg22[%swap3A_493], %swap3A_496 {strides = array<i32>} : memref<128xf32, #tpu.memory_space<vmem>>, vector<16xf32>,
      %swap3A_497 = arith.constant 64 : index
      %swap3A_498 = tpu.vector_load %arg22[%swap3A_497] {strides = array<i32>} : memref<128xf32, #tpu.memory_space<vmem>>, vector<16xf32>,
      %swap3A_499 = vector.shape_cast %swap3A_498 : vector<16xf32> to vector<16xf32>
      %swap3A_500 = vector.shape_cast %min3A_481 : vector<16xf32> to vector<16xf32>
      tpu.vector_store %arg22[%swap3A_497], %swap3A_500 {strides = array<i32>} : memref<128xf32, #tpu.memory_space<vmem>>, vector<16xf32>,
      %swap3A_501 = arith.constant 96 : index
      %swap3A_502 = tpu.vector_load %arg22[%swap3A_501] {strides = array<i32>} : memref<128xf32, #tpu.memory_space<vmem>>, vector<16xf32>,
      %swap3A_503 = vector.shape_cast %swap3A_502 : vector<16xf32> to vector<16xf32>
      %swap3A_504 = vector.shape_cast %min3A_488 : vector<16xf32> to vector<16xf32>
      tpu.vector_store %arg22[%swap3A_501], %swap3A_504 {strides = array<i32>} : memref<128xf32, #tpu.memory_space<vmem>>, vector<16xf32>,
      %get3A_505 = arith.constant 0 : index
      %get3A_506 = tpu.vector_load %arg22[%get3A_505] {strides = array<i32>} : memref<128xf32, #tpu.memory_space<vmem>>, vector<16xf32>,
      %get3A_507 = vector.shape_cast %get3A_506 : vector<16xf32> to vector<16xf32>
      %eq3A_508 = arith.constant 0 : i32
      %eq3A_509 = vector.broadcast %eq3A_508 : i32 to vector<16xi32>
      %eq3A_510 = arith.cmpi eq, %iota3A, %eq3A_509 : vector<16xi32>
      %jit3A_511 = arith.constant 0.000000e+00 : f32
      %broadcast_in_dim3A_512 = vector.broadcast %jit3A_511 : f32 to vector<16xf32>
      %select_n3A_513 = arith.select %eq3A_510, %get3A_507, %broadcast_in_dim3A_512 : vector<16xi1>, vector<16xf32>
      %add3A_514 = arith.addf %scan3A_198, %select_n3A_513 : vector<16xf32>
      %get3A_515 = arith.constant 32 : index
      %get3A_516 = tpu.vector_load %arg22[%get3A_515] {strides = array<i32>} : memref<128xf32, #tpu.memory_space<vmem>>, vector<16xf32>,
      %get3A_517 = vector.shape_cast %get3A_516 : vector<16xf32> to vector<16xf32>
      %eq3A_518 = arith.constant 0 : i32
      %eq3A_519 = vector.broadcast %eq3A_518 : i32 to vector<16xi32>
      %eq3A_520 = arith.cmpi eq, %iota3A, %eq3A_519 : vector<16xi32>
      %jit3A_521 = arith.constant 0.000000e+00 : f32
      %broadcast_in_dim3A_522 = vector.broadcast %jit3A_521 : f32 to vector<16xf32>
      %select_n3A_523 = arith.select %eq3A_520, %get3A_517, %broadcast_in_dim3A_522 : vector<16xi1>, vector<16xf32>
      %add3A_524 = arith.addf %add3A_514, %select_n3A_523 : vector<16xf32>
      %get3A_525 = arith.constant 64 : index
      %get3A_526 = tpu.vector_load %arg22[%get3A_525] {strides = array<i32>} : memref<128xf32, #tpu.memory_space<vmem>>, vector<16xf32>,
      %get3A_527 = vector.shape_cast %get3A_526 : vector<16xf32> to vector<16xf32>
      %eq3A_528 = arith.constant 0 : i32
      %eq3A_529 = vector.broadcast %eq3A_528 : i32 to vector<16xi32>
      %eq3A_530 = arith.cmpi eq, %iota3A, %eq3A_529 : vector<16xi32>
      %jit3A_531 = arith.constant 0.000000e+00 : f32
      %broadcast_in_dim3A_532 = vector.broadcast %jit3A_531 : f32 to vector<16xf32>
      %select_n3A_533 = arith.select %eq3A_530, %get3A_527, %broadcast_in_dim3A_532 : vector<16xi1>, vector<16xf32>
      %add3A_534 = arith.addf %add3A_524, %select_n3A_533 : vector<16xf32>
      %get3A_535 = arith.constant 96 : index
      %get3A_536 = tpu.vector_load %arg22[%get3A_535] {strides = array<i32>} : memref<128xf32, #tpu.memory_space<vmem>>, vector<16xf32>,
      %get3A_537 = vector.shape_cast %get3A_536 : vector<16xf32> to vector<16xf32>
      %eq3A_538 = arith.constant 0 : i32
      %eq3A_539 = vector.broadcast %eq3A_538 : i32 to vector<16xi32>
      %eq3A_540 = arith.cmpi eq, %iota3A, %eq3A_539 : vector<16xi32>
      %jit3A_541 = arith.constant 0.000000e+00 : f32
      %broadcast_in_dim3A_542 = vector.broadcast %jit3A_541 : f32 to vector<16xf32>
      %select_n3A_543 = arith.select %eq3A_540, %get3A_537, %broadcast_in_dim3A_542 : vector<16xi1>, vector<16xf32>
      %add3A_544 = arith.addf %add3A_534, %select_n3A_543 : vector<16xf32>
      %slice3A_545 = vector.extract_strided_slice %get3A_202 {offsets = [4], sizes = [1], strides = [1]} : vector<16xf32> to vector<1xf32>
      %squeeze3A_546 = vector.extract %slice3A_545[0] : f32 from vector<1xf32>
      %slice3A_547 = vector.extract_strided_slice %get3A_205 {offsets = [4], sizes = [1], strides = [1]} : vector<16xf32> to vector<1xf32>
      %squeeze3A_548 = vector.extract %slice3A_547[0] : f32 from vector<1xf32>
      %slice3A_549 = vector.extract_strided_slice %get3A_208 {offsets = [4], sizes = [1], strides = [1]} : vector<16xf32> to vector<1xf32>
      %squeeze3A_550 = vector.extract %slice3A_549[0] : f32 from vector<1xf32>
      %mul3A_551 = arith.mulf %squeeze3A_546, %squeeze3A_546 : f32
      %mul3A_552 = arith.mulf %squeeze3A_548, %squeeze3A_548 : f32
      %add3A_553 = arith.addf %mul3A_551, %mul3A_552 : f32
      %mul3A_554 = arith.mulf %squeeze3A_550, %squeeze3A_550 : f32
      %add3A_555 = arith.addf %add3A_553, %mul3A_554 : f32
      %broadcast_in_dim3A_556 = vector.broadcast %add3A_555 : f32 to vector<16xf32>
      %slice3A_557 = vector.extract_strided_slice %get3A_211 {offsets = [4], sizes = [1], strides = [1]} : vector<16xf32> to vector<1xf32>
      %squeeze3A_558 = vector.extract %slice3A_557[0] : f32 from vector<1xf32>
      %broadcast_in_dim3A_559 = vector.broadcast %squeeze3A_558 : f32 to vector<16xf32>
      %slice3A_560 = vector.extract_strided_slice %get3A_214 {offsets = [4], sizes = [1], strides = [1]} : vector<16xf32> to vector<1xf32>
      %squeeze3A_561 = vector.extract %slice3A_560[0] : f32 from vector<1xf32>
      %broadcast_in_dim3A_562 = vector.broadcast %squeeze3A_561 : f32 to vector<16xf32>
      %slice3A_563 = vector.extract_strided_slice %get3A_217 {offsets = [4], sizes = [1], strides = [1]} : vector<16xf32> to vector<1xf32>
      %squeeze3A_564 = vector.extract %slice3A_563[0] : f32 from vector<1xf32>
      %broadcast_in_dim3A_565 = vector.broadcast %squeeze3A_564 : f32 to vector<16xf32>
      %slice3A_566 = vector.extract_strided_slice %get3A_202 {offsets = [5], sizes = [1], strides = [1]} : vector<16xf32> to vector<1xf32>
      %squeeze3A_567 = vector.extract %slice3A_566[0] : f32 from vector<1xf32>
      %slice3A_568 = vector.extract_strided_slice %get3A_205 {offsets = [5], sizes = [1], strides = [1]} : vector<16xf32> to vector<1xf32>
      %squeeze3A_569 = vector.extract %slice3A_568[0] : f32 from vector<1xf32>
      %slice3A_570 = vector.extract_strided_slice %get3A_208 {offsets = [5], sizes = [1], strides = [1]} : vector<16xf32> to vector<1xf32>
      %squeeze3A_571 = vector.extract %slice3A_570[0] : f32 from vector<1xf32>
      %mul3A_572 = arith.mulf %squeeze3A_567, %squeeze3A_567 : f32
      %mul3A_573 = arith.mulf %squeeze3A_569, %squeeze3A_569 : f32
      %add3A_574 = arith.addf %mul3A_572, %mul3A_573 : f32
      %mul3A_575 = arith.mulf %squeeze3A_571, %squeeze3A_571 : f32
      %add3A_576 = arith.addf %add3A_574, %mul3A_575 : f32
      %broadcast_in_dim3A_577 = vector.broadcast %add3A_576 : f32 to vector<16xf32>
      %slice3A_578 = vector.extract_strided_slice %get3A_211 {offsets = [5], sizes = [1], strides = [1]} : vector<16xf32> to vector<1xf32>
      %squeeze3A_579 = vector.extract %slice3A_578[0] : f32 from vector<1xf32>
      %broadcast_in_dim3A_580 = vector.broadcast %squeeze3A_579 : f32 to vector<16xf32>
      %slice3A_581 = vector.extract_strided_slice %get3A_214 {offsets = [5], sizes = [1], strides = [1]} : vector<16xf32> to vector<1xf32>
      %squeeze3A_582 = vector.extract %slice3A_581[0] : f32 from vector<1xf32>
      %broadcast_in_dim3A_583 = vector.broadcast %squeeze3A_582 : f32 to vector<16xf32>
      %slice3A_584 = vector.extract_strided_slice %get3A_217 {offsets = [5], sizes = [1], strides = [1]} : vector<16xf32> to vector<1xf32>
      %squeeze3A_585 = vector.extract %slice3A_584[0] : f32 from vector<1xf32>
      %broadcast_in_dim3A_586 = vector.broadcast %squeeze3A_585 : f32 to vector<16xf32>
      %slice3A_587 = vector.extract_strided_slice %get3A_202 {offsets = [6], sizes = [1], strides = [1]} : vector<16xf32> to vector<1xf32>
      %squeeze3A_588 = vector.extract %slice3A_587[0] : f32 from vector<1xf32>
      %slice3A_589 = vector.extract_strided_slice %get3A_205 {offsets = [6], sizes = [1], strides = [1]} : vector<16xf32> to vector<1xf32>
      %squeeze3A_590 = vector.extract %slice3A_589[0] : f32 from vector<1xf32>
      %slice3A_591 = vector.extract_strided_slice %get3A_208 {offsets = [6], sizes = [1], strides = [1]} : vector<16xf32> to vector<1xf32>
      %squeeze3A_592 = vector.extract %slice3A_591[0] : f32 from vector<1xf32>
      %mul3A_593 = arith.mulf %squeeze3A_588, %squeeze3A_588 : f32
      %mul3A_594 = arith.mulf %squeeze3A_590, %squeeze3A_590 : f32
      %add3A_595 = arith.addf %mul3A_593, %mul3A_594 : f32
      %mul3A_596 = arith.mulf %squeeze3A_592, %squeeze3A_592 : f32
      %add3A_597 = arith.addf %add3A_595, %mul3A_596 : f32
      %broadcast_in_dim3A_598 = vector.broadcast %add3A_597 : f32 to vector<16xf32>
      %slice3A_599 = vector.extract_strided_slice %get3A_211 {offsets = [6], sizes = [1], strides = [1]} : vector<16xf32> to vector<1xf32>
      %squeeze3A_600 = vector.extract %slice3A_599[0] : f32 from vector<1xf32>
      %broadcast_in_dim3A_601 = vector.broadcast %squeeze3A_600 : f32 to vector<16xf32>
      %slice3A_602 = vector.extract_strided_slice %get3A_214 {offsets = [6], sizes = [1], strides = [1]} : vector<16xf32> to vector<1xf32>
      %squeeze3A_603 = vector.extract %slice3A_602[0] : f32 from vector<1xf32>
      %broadcast_in_dim3A_604 = vector.broadcast %squeeze3A_603 : f32 to vector<16xf32>
      %slice3A_605 = vector.extract_strided_slice %get3A_217 {offsets = [6], sizes = [1], strides = [1]} : vector<16xf32> to vector<1xf32>
      %squeeze3A_606 = vector.extract %slice3A_605[0] : f32 from vector<1xf32>
      %broadcast_in_dim3A_607 = vector.broadcast %squeeze3A_606 : f32 to vector<16xf32>
      %slice3A_608 = vector.extract_strided_slice %get3A_202 {offsets = [7], sizes = [1], strides = [1]} : vector<16xf32> to vector<1xf32>
      %squeeze3A_609 = vector.extract %slice3A_608[0] : f32 from vector<1xf32>
      %slice3A_610 = vector.extract_strided_slice %get3A_205 {offsets = [7], sizes = [1], strides = [1]} : vector<16xf32> to vector<1xf32>
      %squeeze3A_611 = vector.extract %slice3A_610[0] : f32 from vector<1xf32>
      %slice3A_612 = vector.extract_strided_slice %get3A_208 {offsets = [7], sizes = [1], strides = [1]} : vector<16xf32> to vector<1xf32>
      %squeeze3A_613 = vector.extract %slice3A_612[0] : f32 from vector<1xf32>
      %mul3A_614 = arith.mulf %squeeze3A_609, %squeeze3A_609 : f32
      %mul3A_615 = arith.mulf %squeeze3A_611, %squeeze3A_611 : f32
      %add3A_616 = arith.addf %mul3A_614, %mul3A_615 : f32
      %mul3A_617 = arith.mulf %squeeze3A_613, %squeeze3A_613 : f32
      %add3A_618 = arith.addf %add3A_616, %mul3A_617 : f32
      %broadcast_in_dim3A_619 = vector.broadcast %add3A_618 : f32 to vector<16xf32>
      %slice3A_620 = vector.extract_strided_slice %get3A_211 {offsets = [7], sizes = [1], strides = [1]} : vector<16xf32> to vector<1xf32>
      %squeeze3A_621 = vector.extract %slice3A_620[0] : f32 from vector<1xf32>
      %broadcast_in_dim3A_622 = vector.broadcast %squeeze3A_621 : f32 to vector<16xf32>
      %slice3A_623 = vector.extract_strided_slice %get3A_214 {offsets = [7], sizes = [1], strides = [1]} : vector<16xf32> to vector<1xf32>
      %squeeze3A_624 = vector.extract %slice3A_623[0] : f32 from vector<1xf32>
      %broadcast_in_dim3A_625 = vector.broadcast %squeeze3A_624 : f32 to vector<16xf32>
      %slice3A_626 = vector.extract_strided_slice %get3A_217 {offsets = [7], sizes = [1], strides = [1]} : vector<16xf32> to vector<1xf32>
      %squeeze3A_627 = vector.extract %slice3A_626[0] : f32 from vector<1xf32>
      %broadcast_in_dim3A_628 = vector.broadcast %squeeze3A_627 : f32 to vector<16xf32>
      %broadcast_in_dim3A_629 = arith.constant 3.000000e+38 : f32
      %broadcast_in_dim3A_630 = vector.broadcast %broadcast_in_dim3A_629 : f32 to vector<16xf32>
      %broadcast_in_dim3A_631 = arith.constant 3.000000e+38 : f32
      %broadcast_in_dim3A_632 = vector.broadcast %broadcast_in_dim3A_631 : f32 to vector<16xf32>
      %broadcast_in_dim3A_633 = arith.constant 3.000000e+38 : f32
      %broadcast_in_dim3A_634 = vector.broadcast %broadcast_in_dim3A_633 : f32 to vector<16xf32>
      %broadcast_in_dim3A_635 = arith.constant 3.000000e+38 : f32
      %broadcast_in_dim3A_636 = vector.broadcast %broadcast_in_dim3A_635 : f32 to vector<16xf32>
      %scan3A_637 = arith.constant 0 : i32
      %scan3A_638 = arith.constant 256 : i32
      %scan3A_639 = arith.addi %scan3A_637, %scan3A_638 : i32
      %scan3A_640 = arith.constant 1 : i32
      %scan3A_641:4 = scf.for %scan3A_1535 = %scan3A_637 to %scan3A_639 step %scan3A_640 iter_args(%scan3A_1536 = %broadcast_in_dim3A_630, %scan3A_1537 = %broadcast_in_dim3A_632, %scan3A_1538 = %broadcast_in_dim3A_634, %scan3A_1539 = %broadcast_in_dim3A_636) -> (vector<16xf32>, vector<16xf32>, vector<16xf32>, vector<16xf32>)  : i32 {
        %mul3A_1540 = arith.constant 16 : i32
        %mul3A_1541 = arith.muli %scan3A_1535, %mul3A_1540 : i32
        %get3A_1542 = arith.index_cast %mul3A_1541 : i32 to index
        %get3A_1543 = tpu.vector_load %arg16[%get3A_1542] {strides = array<i32>} : memref<4096xf32, #tpu.memory_space<vmem>>, vector<16xf32>,
        %get3A_1544 = vector.shape_cast %get3A_1543 : vector<16xf32> to vector<16xf32>
        %get3A_1545 = arith.index_cast %mul3A_1541 : i32 to index
        %get3A_1546 = tpu.vector_load %arg17[%get3A_1545] {strides = array<i32>} : memref<4096xf32, #tpu.memory_space<vmem>>, vector<16xf32>,
        %get3A_1547 = vector.shape_cast %get3A_1546 : vector<16xf32> to vector<16xf32>
        %get3A_1548 = arith.index_cast %mul3A_1541 : i32 to index
        %get3A_1549 = tpu.vector_load %arg18[%get3A_1548] {strides = array<i32>} : memref<4096xf32, #tpu.memory_space<vmem>>, vector<16xf32>,
        %get3A_1550 = vector.shape_cast %get3A_1549 : vector<16xf32> to vector<16xf32>
        %get3A_1551 = arith.index_cast %mul3A_1541 : i32 to index
        %get3A_1552 = tpu.vector_load %arg19[%get3A_1551] {strides = array<i32>} : memref<4096xf32, #tpu.memory_space<vmem>>, vector<16xf32>,
        %get3A_1553 = vector.shape_cast %get3A_1552 : vector<16xf32> to vector<16xf32>
        %get3A_1554 = arith.index_cast %mul3A_1541 : i32 to index
        %get3A_1555 = tpu.vector_load %arg20[%get3A_1554] {strides = array<i32>} : memref<4096xf32, #tpu.memory_space<vmem>>, vector<16xf32>,
        %get3A_1556 = vector.shape_cast %get3A_1555 : vector<16xf32> to vector<16xf32>
        %mul3A_1557 = arith.mulf %broadcast_in_dim3A_559, %get3A_1544 : vector<16xf32>
        %mul3A_1558 = arith.mulf %broadcast_in_dim3A_562, %get3A_1547 : vector<16xf32>
        %add3A_1559 = arith.addf %mul3A_1557, %mul3A_1558 : vector<16xf32>
        %mul3A_1560 = arith.mulf %broadcast_in_dim3A_565, %get3A_1550 : vector<16xf32>
        %add3A_1561 = arith.addf %add3A_1559, %mul3A_1560 : vector<16xf32>
        %add3A_1562 = arith.addf %broadcast_in_dim3A_556, %get3A_1553 : vector<16xf32>
        %mul3A_1563 = arith.constant 2.000000e+00 : f32
        %mul3A_1564 = vector.broadcast %mul3A_1563 : f32 to vector<16xf32>
        %mul3A_1565 = arith.mulf %mul3A_1564, %add3A_1561 : vector<16xf32>
        %sub3A_1566 = arith.subf %add3A_1562, %mul3A_1565 : vector<16xf32>
        %min3A_1567 = arith.minimumf %scan3A_1536, %sub3A_1566 : vector<16xf32>
        %min3A_1568 = arith.minimumf %get3A_1556, %sub3A_1566 : vector<16xf32>
        %mul3A_1569 = arith.mulf %broadcast_in_dim3A_580, %get3A_1544 : vector<16xf32>
        %mul3A_1570 = arith.mulf %broadcast_in_dim3A_583, %get3A_1547 : vector<16xf32>
        %add3A_1571 = arith.addf %mul3A_1569, %mul3A_1570 : vector<16xf32>
        %mul3A_1572 = arith.mulf %broadcast_in_dim3A_586, %get3A_1550 : vector<16xf32>
        %add3A_1573 = arith.addf %add3A_1571, %mul3A_1572 : vector<16xf32>
        %add3A_1574 = arith.addf %broadcast_in_dim3A_577, %get3A_1553 : vector<16xf32>
        %mul3A_1575 = arith.constant 2.000000e+00 : f32
        %mul3A_1576 = vector.broadcast %mul3A_1575 : f32 to vector<16xf32>
        %mul3A_1577 = arith.mulf %mul3A_1576, %add3A_1573 : vector<16xf32>
        %sub3A_1578 = arith.subf %add3A_1574, %mul3A_1577 : vector<16xf32>
        %min3A_1579 = arith.minimumf %scan3A_1537, %sub3A_1578 : vector<16xf32>
        %min3A_1580 = arith.minimumf %min3A_1568, %sub3A_1578 : vector<16xf32>
        %mul3A_1581 = arith.mulf %broadcast_in_dim3A_601, %get3A_1544 : vector<16xf32>
        %mul3A_1582 = arith.mulf %broadcast_in_dim3A_604, %get3A_1547 : vector<16xf32>
        %add3A_1583 = arith.addf %mul3A_1581, %mul3A_1582 : vector<16xf32>
        %mul3A_1584 = arith.mulf %broadcast_in_dim3A_607, %get3A_1550 : vector<16xf32>
        %add3A_1585 = arith.addf %add3A_1583, %mul3A_1584 : vector<16xf32>
        %add3A_1586 = arith.addf %broadcast_in_dim3A_598, %get3A_1553 : vector<16xf32>
        %mul3A_1587 = arith.constant 2.000000e+00 : f32
        %mul3A_1588 = vector.broadcast %mul3A_1587 : f32 to vector<16xf32>
        %mul3A_1589 = arith.mulf %mul3A_1588, %add3A_1585 : vector<16xf32>
        %sub3A_1590 = arith.subf %add3A_1586, %mul3A_1589 : vector<16xf32>
        %min3A_1591 = arith.minimumf %scan3A_1538, %sub3A_1590 : vector<16xf32>
        %min3A_1592 = arith.minimumf %min3A_1580, %sub3A_1590 : vector<16xf32>
        %mul3A_1593 = arith.mulf %broadcast_in_dim3A_622, %get3A_1544 : vector<16xf32>
        %mul3A_1594 = arith.mulf %broadcast_in_dim3A_625, %get3A_1547 : vector<16xf32>
        %add3A_1595 = arith.addf %mul3A_1593, %mul3A_1594 : vector<16xf32>
        %mul3A_1596 = arith.mulf %broadcast_in_dim3A_628, %get3A_1550 : vector<16xf32>
        %add3A_1597 = arith.addf %add3A_1595, %mul3A_1596 : vector<16xf32>
        %add3A_1598 = arith.addf %broadcast_in_dim3A_619, %get3A_1553 : vector<16xf32>
        %mul3A_1599 = arith.constant 2.000000e+00 : f32
        %mul3A_1600 = vector.broadcast %mul3A_1599 : f32 to vector<16xf32>
        %mul3A_1601 = arith.mulf %mul3A_1600, %add3A_1597 : vector<16xf32>
        %sub3A_1602 = arith.subf %add3A_1598, %mul3A_1601 : vector<16xf32>
        %min3A_1603 = arith.minimumf %scan3A_1539, %sub3A_1602 : vector<16xf32>
        %min3A_1604 = arith.minimumf %min3A_1592, %sub3A_1602 : vector<16xf32>
        %swap3A_1605 = arith.index_cast %mul3A_1541 : i32 to index
        %swap3A_1606 = tpu.vector_load %arg20[%swap3A_1605] {strides = array<i32>} : memref<4096xf32, #tpu.memory_space<vmem>>, vector<16xf32>,
        %swap3A_1607 = vector.shape_cast %swap3A_1606 : vector<16xf32> to vector<16xf32>
        %swap3A_1608 = vector.shape_cast %min3A_1604 : vector<16xf32> to vector<16xf32>
        tpu.vector_store %arg20[%swap3A_1605], %swap3A_1608 {strides = array<i32>} : memref<4096xf32, #tpu.memory_space<vmem>>, vector<16xf32>,
        scf.yield %min3A_1567, %min3A_1579, %min3A_1591, %min3A_1603 : vector<16xf32>, vector<16xf32>, vector<16xf32>, vector<16xf32>
      }
      %scan3A_642 = arith.constant 256 : i32
      %swap3A_643 = arith.constant 0 : index
      %swap3A_644 = tpu.vector_load %arg22[%swap3A_643] {strides = array<i32>} : memref<128xf32, #tpu.memory_space<vmem>>, vector<16xf32>,
      %swap3A_645 = vector.shape_cast %swap3A_644 : vector<16xf32> to vector<16xf32>
      %swap3A_646 = vector.shape_cast %scan3A_641#0 : vector<16xf32> to vector<16xf32>
      tpu.vector_store %arg22[%swap3A_643], %swap3A_646 {strides = array<i32>} : memref<128xf32, #tpu.memory_space<vmem>>, vector<16xf32>,
      %swap3A_647 = arith.constant 32 : index
      %swap3A_648 = tpu.vector_load %arg22[%swap3A_647] {strides = array<i32>} : memref<128xf32, #tpu.memory_space<vmem>>, vector<16xf32>,
      %swap3A_649 = vector.shape_cast %swap3A_648 : vector<16xf32> to vector<16xf32>
      %swap3A_650 = vector.shape_cast %scan3A_641#1 : vector<16xf32> to vector<16xf32>
      tpu.vector_store %arg22[%swap3A_647], %swap3A_650 {strides = array<i32>} : memref<128xf32, #tpu.memory_space<vmem>>, vector<16xf32>,
      %swap3A_651 = arith.constant 64 : index
      %swap3A_652 = tpu.vector_load %arg22[%swap3A_651] {strides = array<i32>} : memref<128xf32, #tpu.memory_space<vmem>>, vector<16xf32>,
      %swap3A_653 = vector.shape_cast %swap3A_652 : vector<16xf32> to vector<16xf32>
      %swap3A_654 = vector.shape_cast %scan3A_641#2 : vector<16xf32> to vector<16xf32>
      tpu.vector_store %arg22[%swap3A_651], %swap3A_654 {strides = array<i32>} : memref<128xf32, #tpu.memory_space<vmem>>, vector<16xf32>,
      %swap3A_655 = arith.constant 96 : index
      %swap3A_656 = tpu.vector_load %arg22[%swap3A_655] {strides = array<i32>} : memref<128xf32, #tpu.memory_space<vmem>>, vector<16xf32>,
      %swap3A_657 = vector.shape_cast %swap3A_656 : vector<16xf32> to vector<16xf32>
      %swap3A_658 = vector.shape_cast %scan3A_641#3 : vector<16xf32> to vector<16xf32>
      tpu.vector_store %arg22[%swap3A_655], %swap3A_658 {strides = array<i32>} : memref<128xf32, #tpu.memory_space<vmem>>, vector<16xf32>,
      %get3A_659 = arith.constant 0 : index
      %get3A_660 = tpu.vector_load %arg22[%get3A_659] {strides = array<i32>} : memref<128xf32, #tpu.memory_space<vmem>>, vector<16xf32>,
      %get3A_661 = vector.shape_cast %get3A_660 : vector<16xf32> to vector<16xf32>
      %get3A_662 = arith.constant 8 : index
      %get3A_663 = tpu.vector_load %arg22[%get3A_662] {strides = array<i32>} : memref<128xf32, #tpu.memory_space<vmem>>, vector<16xf32>,
      %get3A_664 = vector.shape_cast %get3A_663 : vector<16xf32> to vector<16xf32>
      %min3A_665 = arith.minimumf %get3A_661, %get3A_664 : vector<16xf32>
      %get3A_666 = arith.constant 32 : index
      %get3A_667 = tpu.vector_load %arg22[%get3A_666] {strides = array<i32>} : memref<128xf32, #tpu.memory_space<vmem>>, vector<16xf32>,
      %get3A_668 = vector.shape_cast %get3A_667 : vector<16xf32> to vector<16xf32>
      %get3A_669 = arith.constant 40 : index
      %get3A_670 = tpu.vector_load %arg22[%get3A_669] {strides = array<i32>} : memref<128xf32, #tpu.memory_space<vmem>>, vector<16xf32>,
      %get3A_671 = vector.shape_cast %get3A_670 : vector<16xf32> to vector<16xf32>
      %min3A_672 = arith.minimumf %get3A_668, %get3A_671 : vector<16xf32>
      %get3A_673 = arith.constant 64 : index
      %get3A_674 = tpu.vector_load %arg22[%get3A_673] {strides = array<i32>} : memref<128xf32, #tpu.memory_space<vmem>>, vector<16xf32>,
      %get3A_675 = vector.shape_cast %get3A_674 : vector<16xf32> to vector<16xf32>
      %get3A_676 = arith.constant 72 : index
      %get3A_677 = tpu.vector_load %arg22[%get3A_676] {strides = array<i32>} : memref<128xf32, #tpu.memory_space<vmem>>, vector<16xf32>,
      %get3A_678 = vector.shape_cast %get3A_677 : vector<16xf32> to vector<16xf32>
      %min3A_679 = arith.minimumf %get3A_675, %get3A_678 : vector<16xf32>
      %get3A_680 = arith.constant 96 : index
      %get3A_681 = tpu.vector_load %arg22[%get3A_680] {strides = array<i32>} : memref<128xf32, #tpu.memory_space<vmem>>, vector<16xf32>,
      %get3A_682 = vector.shape_cast %get3A_681 : vector<16xf32> to vector<16xf32>
      %get3A_683 = arith.constant 104 : index
      %get3A_684 = tpu.vector_load %arg22[%get3A_683] {strides = array<i32>} : memref<128xf32, #tpu.memory_space<vmem>>, vector<16xf32>,
      %get3A_685 = vector.shape_cast %get3A_684 : vector<16xf32> to vector<16xf32>
      %min3A_686 = arith.minimumf %get3A_682, %get3A_685 : vector<16xf32>
      %swap3A_687 = arith.constant 0 : index
      %swap3A_688 = tpu.vector_load %arg22[%swap3A_687] {strides = array<i32>} : memref<128xf32, #tpu.memory_space<vmem>>, vector<16xf32>,
      %swap3A_689 = vector.shape_cast %swap3A_688 : vector<16xf32> to vector<16xf32>
      %swap3A_690 = vector.shape_cast %min3A_665 : vector<16xf32> to vector<16xf32>
      tpu.vector_store %arg22[%swap3A_687], %swap3A_690 {strides = array<i32>} : memref<128xf32, #tpu.memory_space<vmem>>, vector<16xf32>,
      %swap3A_691 = arith.constant 32 : index
      %swap3A_692 = tpu.vector_load %arg22[%swap3A_691] {strides = array<i32>} : memref<128xf32, #tpu.memory_space<vmem>>, vector<16xf32>,
      %swap3A_693 = vector.shape_cast %swap3A_692 : vector<16xf32> to vector<16xf32>
      %swap3A_694 = vector.shape_cast %min3A_672 : vector<16xf32> to vector<16xf32>
      tpu.vector_store %arg22[%swap3A_691], %swap3A_694 {strides = array<i32>} : memref<128xf32, #tpu.memory_space<vmem>>, vector<16xf32>,
      %swap3A_695 = arith.constant 64 : index
      %swap3A_696 = tpu.vector_load %arg22[%swap3A_695] {strides = array<i32>} : memref<128xf32, #tpu.memory_space<vmem>>, vector<16xf32>,
      %swap3A_697 = vector.shape_cast %swap3A_696 : vector<16xf32> to vector<16xf32>
      %swap3A_698 = vector.shape_cast %min3A_679 : vector<16xf32> to vector<16xf32>
      tpu.vector_store %arg22[%swap3A_695], %swap3A_698 {strides = array<i32>} : memref<128xf32, #tpu.memory_space<vmem>>, vector<16xf32>,
      %swap3A_699 = arith.constant 96 : index
      %swap3A_700 = tpu.vector_load %arg22[%swap3A_699] {strides = array<i32>} : memref<128xf32, #tpu.memory_space<vmem>>, vector<16xf32>,
      %swap3A_701 = vector.shape_cast %swap3A_700 : vector<16xf32> to vector<16xf32>
      %swap3A_702 = vector.shape_cast %min3A_686 : vector<16xf32> to vector<16xf32>
      tpu.vector_store %arg22[%swap3A_699], %swap3A_702 {strides = array<i32>} : memref<128xf32, #tpu.memory_space<vmem>>, vector<16xf32>,
      %get3A_703 = arith.constant 0 : index
      %get3A_704 = tpu.vector_load %arg22[%get3A_703] {strides = array<i32>} : memref<128xf32, #tpu.memory_space<vmem>>, vector<16xf32>,
      %get3A_705 = vector.shape_cast %get3A_704 : vector<16xf32> to vector<16xf32>
      %get3A_706 = arith.constant 4 : index
      %get3A_707 = tpu.vector_load %arg22[%get3A_706] {strides = array<i32>} : memref<128xf32, #tpu.memory_space<vmem>>, vector<16xf32>,
      %get3A_708 = vector.shape_cast %get3A_707 : vector<16xf32> to vector<16xf32>
      %min3A_709 = arith.minimumf %get3A_705, %get3A_708 : vector<16xf32>
      %get3A_710 = arith.constant 32 : index
      %get3A_711 = tpu.vector_load %arg22[%get3A_710] {strides = array<i32>} : memref<128xf32, #tpu.memory_space<vmem>>, vector<16xf32>,
      %get3A_712 = vector.shape_cast %get3A_711 : vector<16xf32> to vector<16xf32>
      %get3A_713 = arith.constant 36 : index
      %get3A_714 = tpu.vector_load %arg22[%get3A_713] {strides = array<i32>} : memref<128xf32, #tpu.memory_space<vmem>>, vector<16xf32>,
      %get3A_715 = vector.shape_cast %get3A_714 : vector<16xf32> to vector<16xf32>
      %min3A_716 = arith.minimumf %get3A_712, %get3A_715 : vector<16xf32>
      %get3A_717 = arith.constant 64 : index
      %get3A_718 = tpu.vector_load %arg22[%get3A_717] {strides = array<i32>} : memref<128xf32, #tpu.memory_space<vmem>>, vector<16xf32>,
      %get3A_719 = vector.shape_cast %get3A_718 : vector<16xf32> to vector<16xf32>
      %get3A_720 = arith.constant 68 : index
      %get3A_721 = tpu.vector_load %arg22[%get3A_720] {strides = array<i32>} : memref<128xf32, #tpu.memory_space<vmem>>, vector<16xf32>,
      %get3A_722 = vector.shape_cast %get3A_721 : vector<16xf32> to vector<16xf32>
      %min3A_723 = arith.minimumf %get3A_719, %get3A_722 : vector<16xf32>
      %get3A_724 = arith.constant 96 : index
      %get3A_725 = tpu.vector_load %arg22[%get3A_724] {strides = array<i32>} : memref<128xf32, #tpu.memory_space<vmem>>, vector<16xf32>,
      %get3A_726 = vector.shape_cast %get3A_725 : vector<16xf32> to vector<16xf32>
      %get3A_727 = arith.constant 100 : index
      %get3A_728 = tpu.vector_load %arg22[%get3A_727] {strides = array<i32>} : memref<128xf32, #tpu.memory_space<vmem>>, vector<16xf32>,
      %get3A_729 = vector.shape_cast %get3A_728 : vector<16xf32> to vector<16xf32>
      %min3A_730 = arith.minimumf %get3A_726, %get3A_729 : vector<16xf32>
      %swap3A_731 = arith.constant 0 : index
      %swap3A_732 = tpu.vector_load %arg22[%swap3A_731] {strides = array<i32>} : memref<128xf32, #tpu.memory_space<vmem>>, vector<16xf32>,
      %swap3A_733 = vector.shape_cast %swap3A_732 : vector<16xf32> to vector<16xf32>
      %swap3A_734 = vector.shape_cast %min3A_709 : vector<16xf32> to vector<16xf32>
      tpu.vector_store %arg22[%swap3A_731], %swap3A_734 {strides = array<i32>} : memref<128xf32, #tpu.memory_space<vmem>>, vector<16xf32>,
      %swap3A_735 = arith.constant 32 : index
      %swap3A_736 = tpu.vector_load %arg22[%swap3A_735] {strides = array<i32>} : memref<128xf32, #tpu.memory_space<vmem>>, vector<16xf32>,
      %swap3A_737 = vector.shape_cast %swap3A_736 : vector<16xf32> to vector<16xf32>
      %swap3A_738 = vector.shape_cast %min3A_716 : vector<16xf32> to vector<16xf32>
      tpu.vector_store %arg22[%swap3A_735], %swap3A_738 {strides = array<i32>} : memref<128xf32, #tpu.memory_space<vmem>>, vector<16xf32>,
      %swap3A_739 = arith.constant 64 : index
      %swap3A_740 = tpu.vector_load %arg22[%swap3A_739] {strides = array<i32>} : memref<128xf32, #tpu.memory_space<vmem>>, vector<16xf32>,
      %swap3A_741 = vector.shape_cast %swap3A_740 : vector<16xf32> to vector<16xf32>
      %swap3A_742 = vector.shape_cast %min3A_723 : vector<16xf32> to vector<16xf32>
      tpu.vector_store %arg22[%swap3A_739], %swap3A_742 {strides = array<i32>} : memref<128xf32, #tpu.memory_space<vmem>>, vector<16xf32>,
      %swap3A_743 = arith.constant 96 : index
      %swap3A_744 = tpu.vector_load %arg22[%swap3A_743] {strides = array<i32>} : memref<128xf32, #tpu.memory_space<vmem>>, vector<16xf32>,
      %swap3A_745 = vector.shape_cast %swap3A_744 : vector<16xf32> to vector<16xf32>
      %swap3A_746 = vector.shape_cast %min3A_730 : vector<16xf32> to vector<16xf32>
      tpu.vector_store %arg22[%swap3A_743], %swap3A_746 {strides = array<i32>} : memref<128xf32, #tpu.memory_space<vmem>>, vector<16xf32>,
      %get3A_747 = arith.constant 0 : index
      %get3A_748 = tpu.vector_load %arg22[%get3A_747] {strides = array<i32>} : memref<128xf32, #tpu.memory_space<vmem>>, vector<16xf32>,
      %get3A_749 = vector.shape_cast %get3A_748 : vector<16xf32> to vector<16xf32>
      %get3A_750 = arith.constant 2 : index
      %get3A_751 = tpu.vector_load %arg22[%get3A_750] {strides = array<i32>} : memref<128xf32, #tpu.memory_space<vmem>>, vector<16xf32>,
      %get3A_752 = vector.shape_cast %get3A_751 : vector<16xf32> to vector<16xf32>
      %min3A_753 = arith.minimumf %get3A_749, %get3A_752 : vector<16xf32>
      %get3A_754 = arith.constant 32 : index
      %get3A_755 = tpu.vector_load %arg22[%get3A_754] {strides = array<i32>} : memref<128xf32, #tpu.memory_space<vmem>>, vector<16xf32>,
      %get3A_756 = vector.shape_cast %get3A_755 : vector<16xf32> to vector<16xf32>
      %get3A_757 = arith.constant 34 : index
      %get3A_758 = tpu.vector_load %arg22[%get3A_757] {strides = array<i32>} : memref<128xf32, #tpu.memory_space<vmem>>, vector<16xf32>,
      %get3A_759 = vector.shape_cast %get3A_758 : vector<16xf32> to vector<16xf32>
      %min3A_760 = arith.minimumf %get3A_756, %get3A_759 : vector<16xf32>
      %get3A_761 = arith.constant 64 : index
      %get3A_762 = tpu.vector_load %arg22[%get3A_761] {strides = array<i32>} : memref<128xf32, #tpu.memory_space<vmem>>, vector<16xf32>,
      %get3A_763 = vector.shape_cast %get3A_762 : vector<16xf32> to vector<16xf32>
      %get3A_764 = arith.constant 66 : index
      %get3A_765 = tpu.vector_load %arg22[%get3A_764] {strides = array<i32>} : memref<128xf32, #tpu.memory_space<vmem>>, vector<16xf32>,
      %get3A_766 = vector.shape_cast %get3A_765 : vector<16xf32> to vector<16xf32>
      %min3A_767 = arith.minimumf %get3A_763, %get3A_766 : vector<16xf32>
      %get3A_768 = arith.constant 96 : index
      %get3A_769 = tpu.vector_load %arg22[%get3A_768] {strides = array<i32>} : memref<128xf32, #tpu.memory_space<vmem>>, vector<16xf32>,
      %get3A_770 = vector.shape_cast %get3A_769 : vector<16xf32> to vector<16xf32>
      %get3A_771 = arith.constant 98 : index
      %get3A_772 = tpu.vector_load %arg22[%get3A_771] {strides = array<i32>} : memref<128xf32, #tpu.memory_space<vmem>>, vector<16xf32>,
      %get3A_773 = vector.shape_cast %get3A_772 : vector<16xf32> to vector<16xf32>
      %min3A_774 = arith.minimumf %get3A_770, %get3A_773 : vector<16xf32>
      %swap3A_775 = arith.constant 0 : index
      %swap3A_776 = tpu.vector_load %arg22[%swap3A_775] {strides = array<i32>} : memref<128xf32, #tpu.memory_space<vmem>>, vector<16xf32>,
      %swap3A_777 = vector.shape_cast %swap3A_776 : vector<16xf32> to vector<16xf32>
      %swap3A_778 = vector.shape_cast %min3A_753 : vector<16xf32> to vector<16xf32>
      tpu.vector_store %arg22[%swap3A_775], %swap3A_778 {strides = array<i32>} : memref<128xf32, #tpu.memory_space<vmem>>, vector<16xf32>,
      %swap3A_779 = arith.constant 32 : index
      %swap3A_780 = tpu.vector_load %arg22[%swap3A_779] {strides = array<i32>} : memref<128xf32, #tpu.memory_space<vmem>>, vector<16xf32>,
      %swap3A_781 = vector.shape_cast %swap3A_780 : vector<16xf32> to vector<16xf32>
      %swap3A_782 = vector.shape_cast %min3A_760 : vector<16xf32> to vector<16xf32>
      tpu.vector_store %arg22[%swap3A_779], %swap3A_782 {strides = array<i32>} : memref<128xf32, #tpu.memory_space<vmem>>, vector<16xf32>,
      %swap3A_783 = arith.constant 64 : index
      %swap3A_784 = tpu.vector_load %arg22[%swap3A_783] {strides = array<i32>} : memref<128xf32, #tpu.memory_space<vmem>>, vector<16xf32>,
      %swap3A_785 = vector.shape_cast %swap3A_784 : vector<16xf32> to vector<16xf32>
      %swap3A_786 = vector.shape_cast %min3A_767 : vector<16xf32> to vector<16xf32>
      tpu.vector_store %arg22[%swap3A_783], %swap3A_786 {strides = array<i32>} : memref<128xf32, #tpu.memory_space<vmem>>, vector<16xf32>,
      %swap3A_787 = arith.constant 96 : index
      %swap3A_788 = tpu.vector_load %arg22[%swap3A_787] {strides = array<i32>} : memref<128xf32, #tpu.memory_space<vmem>>, vector<16xf32>,
      %swap3A_789 = vector.shape_cast %swap3A_788 : vector<16xf32> to vector<16xf32>
      %swap3A_790 = vector.shape_cast %min3A_774 : vector<16xf32> to vector<16xf32>
      tpu.vector_store %arg22[%swap3A_787], %swap3A_790 {strides = array<i32>} : memref<128xf32, #tpu.memory_space<vmem>>, vector<16xf32>,
      %get3A_791 = arith.constant 0 : index
      %get3A_792 = tpu.vector_load %arg22[%get3A_791] {strides = array<i32>} : memref<128xf32, #tpu.memory_space<vmem>>, vector<16xf32>,
      %get3A_793 = vector.shape_cast %get3A_792 : vector<16xf32> to vector<16xf32>
      %get3A_794 = arith.constant 1 : index
      %get3A_795 = tpu.vector_load %arg22[%get3A_794] {strides = array<i32>} : memref<128xf32, #tpu.memory_space<vmem>>, vector<16xf32>,
      %get3A_796 = vector.shape_cast %get3A_795 : vector<16xf32> to vector<16xf32>
      %min3A_797 = arith.minimumf %get3A_793, %get3A_796 : vector<16xf32>
      %get3A_798 = arith.constant 32 : index
      %get3A_799 = tpu.vector_load %arg22[%get3A_798] {strides = array<i32>} : memref<128xf32, #tpu.memory_space<vmem>>, vector<16xf32>,
      %get3A_800 = vector.shape_cast %get3A_799 : vector<16xf32> to vector<16xf32>
      %get3A_801 = arith.constant 33 : index
      %get3A_802 = tpu.vector_load %arg22[%get3A_801] {strides = array<i32>} : memref<128xf32, #tpu.memory_space<vmem>>, vector<16xf32>,
      %get3A_803 = vector.shape_cast %get3A_802 : vector<16xf32> to vector<16xf32>
      %min3A_804 = arith.minimumf %get3A_800, %get3A_803 : vector<16xf32>
      %get3A_805 = arith.constant 64 : index
      %get3A_806 = tpu.vector_load %arg22[%get3A_805] {strides = array<i32>} : memref<128xf32, #tpu.memory_space<vmem>>, vector<16xf32>,
      %get3A_807 = vector.shape_cast %get3A_806 : vector<16xf32> to vector<16xf32>
      %get3A_808 = arith.constant 65 : index
      %get3A_809 = tpu.vector_load %arg22[%get3A_808] {strides = array<i32>} : memref<128xf32, #tpu.memory_space<vmem>>, vector<16xf32>,
      %get3A_810 = vector.shape_cast %get3A_809 : vector<16xf32> to vector<16xf32>
      %min3A_811 = arith.minimumf %get3A_807, %get3A_810 : vector<16xf32>
      %get3A_812 = arith.constant 96 : index
      %get3A_813 = tpu.vector_load %arg22[%get3A_812] {strides = array<i32>} : memref<128xf32, #tpu.memory_space<vmem>>, vector<16xf32>,
      %get3A_814 = vector.shape_cast %get3A_813 : vector<16xf32> to vector<16xf32>
      %get3A_815 = arith.constant 97 : index
      %get3A_816 = tpu.vector_load %arg22[%get3A_815] {strides = array<i32>} : memref<128xf32, #tpu.memory_space<vmem>>, vector<16xf32>,
      %get3A_817 = vector.shape_cast %get3A_816 : vector<16xf32> to vector<16xf32>
      %min3A_818 = arith.minimumf %get3A_814, %get3A_817 : vector<16xf32>
      %swap3A_819 = arith.constant 0 : index
      %swap3A_820 = tpu.vector_load %arg22[%swap3A_819] {strides = array<i32>} : memref<128xf32, #tpu.memory_space<vmem>>, vector<16xf32>,
      %swap3A_821 = vector.shape_cast %swap3A_820 : vector<16xf32> to vector<16xf32>
      %swap3A_822 = vector.shape_cast %min3A_797 : vector<16xf32> to vector<16xf32>
      tpu.vector_store %arg22[%swap3A_819], %swap3A_822 {strides = array<i32>} : memref<128xf32, #tpu.memory_space<vmem>>, vector<16xf32>,
      %swap3A_823 = arith.constant 32 : index
      %swap3A_824 = tpu.vector_load %arg22[%swap3A_823] {strides = array<i32>} : memref<128xf32, #tpu.memory_space<vmem>>, vector<16xf32>,
      %swap3A_825 = vector.shape_cast %swap3A_824 : vector<16xf32> to vector<16xf32>
      %swap3A_826 = vector.shape_cast %min3A_804 : vector<16xf32> to vector<16xf32>
      tpu.vector_store %arg22[%swap3A_823], %swap3A_826 {strides = array<i32>} : memref<128xf32, #tpu.memory_space<vmem>>, vector<16xf32>,
      %swap3A_827 = arith.constant 64 : index
      %swap3A_828 = tpu.vector_load %arg22[%swap3A_827] {strides = array<i32>} : memref<128xf32, #tpu.memory_space<vmem>>, vector<16xf32>,
      %swap3A_829 = vector.shape_cast %swap3A_828 : vector<16xf32> to vector<16xf32>
      %swap3A_830 = vector.shape_cast %min3A_811 : vector<16xf32> to vector<16xf32>
      tpu.vector_store %arg22[%swap3A_827], %swap3A_830 {strides = array<i32>} : memref<128xf32, #tpu.memory_space<vmem>>, vector<16xf32>,
      %swap3A_831 = arith.constant 96 : index
      %swap3A_832 = tpu.vector_load %arg22[%swap3A_831] {strides = array<i32>} : memref<128xf32, #tpu.memory_space<vmem>>, vector<16xf32>,
      %swap3A_833 = vector.shape_cast %swap3A_832 : vector<16xf32> to vector<16xf32>
      %swap3A_834 = vector.shape_cast %min3A_818 : vector<16xf32> to vector<16xf32>
      tpu.vector_store %arg22[%swap3A_831], %swap3A_834 {strides = array<i32>} : memref<128xf32, #tpu.memory_space<vmem>>, vector<16xf32>,
      %get3A_835 = arith.constant 0 : index
      %get3A_836 = tpu.vector_load %arg22[%get3A_835] {strides = array<i32>} : memref<128xf32, #tpu.memory_space<vmem>>, vector<16xf32>,
      %get3A_837 = vector.shape_cast %get3A_836 : vector<16xf32> to vector<16xf32>
      %eq3A_838 = arith.constant 0 : i32
      %eq3A_839 = vector.broadcast %eq3A_838 : i32 to vector<16xi32>
      %eq3A_840 = arith.cmpi eq, %iota3A, %eq3A_839 : vector<16xi32>
      %jit3A_841 = arith.constant 0.000000e+00 : f32
      %broadcast_in_dim3A_842 = vector.broadcast %jit3A_841 : f32 to vector<16xf32>
      %select_n3A_843 = arith.select %eq3A_840, %get3A_837, %broadcast_in_dim3A_842 : vector<16xi1>, vector<16xf32>
      %add3A_844 = arith.addf %add3A_544, %select_n3A_843 : vector<16xf32>
      %get3A_845 = arith.constant 32 : index
      %get3A_846 = tpu.vector_load %arg22[%get3A_845] {strides = array<i32>} : memref<128xf32, #tpu.memory_space<vmem>>, vector<16xf32>,
      %get3A_847 = vector.shape_cast %get3A_846 : vector<16xf32> to vector<16xf32>
      %eq3A_848 = arith.constant 0 : i32
      %eq3A_849 = vector.broadcast %eq3A_848 : i32 to vector<16xi32>
      %eq3A_850 = arith.cmpi eq, %iota3A, %eq3A_849 : vector<16xi32>
      %jit3A_851 = arith.constant 0.000000e+00 : f32
      %broadcast_in_dim3A_852 = vector.broadcast %jit3A_851 : f32 to vector<16xf32>
      %select_n3A_853 = arith.select %eq3A_850, %get3A_847, %broadcast_in_dim3A_852 : vector<16xi1>, vector<16xf32>
      %add3A_854 = arith.addf %add3A_844, %select_n3A_853 : vector<16xf32>
      %get3A_855 = arith.constant 64 : index
      %get3A_856 = tpu.vector_load %arg22[%get3A_855] {strides = array<i32>} : memref<128xf32, #tpu.memory_space<vmem>>, vector<16xf32>,
      %get3A_857 = vector.shape_cast %get3A_856 : vector<16xf32> to vector<16xf32>
      %eq3A_858 = arith.constant 0 : i32
      %eq3A_859 = vector.broadcast %eq3A_858 : i32 to vector<16xi32>
      %eq3A_860 = arith.cmpi eq, %iota3A, %eq3A_859 : vector<16xi32>
      %jit3A_861 = arith.constant 0.000000e+00 : f32
      %broadcast_in_dim3A_862 = vector.broadcast %jit3A_861 : f32 to vector<16xf32>
      %select_n3A_863 = arith.select %eq3A_860, %get3A_857, %broadcast_in_dim3A_862 : vector<16xi1>, vector<16xf32>
      %add3A_864 = arith.addf %add3A_854, %select_n3A_863 : vector<16xf32>
      %get3A_865 = arith.constant 96 : index
      %get3A_866 = tpu.vector_load %arg22[%get3A_865] {strides = array<i32>} : memref<128xf32, #tpu.memory_space<vmem>>, vector<16xf32>,
      %get3A_867 = vector.shape_cast %get3A_866 : vector<16xf32> to vector<16xf32>
      %eq3A_868 = arith.constant 0 : i32
      %eq3A_869 = vector.broadcast %eq3A_868 : i32 to vector<16xi32>
      %eq3A_870 = arith.cmpi eq, %iota3A, %eq3A_869 : vector<16xi32>
      %jit3A_871 = arith.constant 0.000000e+00 : f32
      %broadcast_in_dim3A_872 = vector.broadcast %jit3A_871 : f32 to vector<16xf32>
      %select_n3A_873 = arith.select %eq3A_870, %get3A_867, %broadcast_in_dim3A_872 : vector<16xi1>, vector<16xf32>
      %add3A_874 = arith.addf %add3A_864, %select_n3A_873 : vector<16xf32>
      %slice3A_875 = vector.extract_strided_slice %get3A_202 {offsets = [8], sizes = [1], strides = [1]} : vector<16xf32> to vector<1xf32>
      %squeeze3A_876 = vector.extract %slice3A_875[0] : f32 from vector<1xf32>
      %slice3A_877 = vector.extract_strided_slice %get3A_205 {offsets = [8], sizes = [1], strides = [1]} : vector<16xf32> to vector<1xf32>
      %squeeze3A_878 = vector.extract %slice3A_877[0] : f32 from vector<1xf32>
      %slice3A_879 = vector.extract_strided_slice %get3A_208 {offsets = [8], sizes = [1], strides = [1]} : vector<16xf32> to vector<1xf32>
      %squeeze3A_880 = vector.extract %slice3A_879[0] : f32 from vector<1xf32>
      %mul3A_881 = arith.mulf %squeeze3A_876, %squeeze3A_876 : f32
      %mul3A_882 = arith.mulf %squeeze3A_878, %squeeze3A_878 : f32
      %add3A_883 = arith.addf %mul3A_881, %mul3A_882 : f32
      %mul3A_884 = arith.mulf %squeeze3A_880, %squeeze3A_880 : f32
      %add3A_885 = arith.addf %add3A_883, %mul3A_884 : f32
      %broadcast_in_dim3A_886 = vector.broadcast %add3A_885 : f32 to vector<16xf32>
      %slice3A_887 = vector.extract_strided_slice %get3A_211 {offsets = [8], sizes = [1], strides = [1]} : vector<16xf32> to vector<1xf32>
      %squeeze3A_888 = vector.extract %slice3A_887[0] : f32 from vector<1xf32>
      %broadcast_in_dim3A_889 = vector.broadcast %squeeze3A_888 : f32 to vector<16xf32>
      %slice3A_890 = vector.extract_strided_slice %get3A_214 {offsets = [8], sizes = [1], strides = [1]} : vector<16xf32> to vector<1xf32>
      %squeeze3A_891 = vector.extract %slice3A_890[0] : f32 from vector<1xf32>
      %broadcast_in_dim3A_892 = vector.broadcast %squeeze3A_891 : f32 to vector<16xf32>
      %slice3A_893 = vector.extract_strided_slice %get3A_217 {offsets = [8], sizes = [1], strides = [1]} : vector<16xf32> to vector<1xf32>
      %squeeze3A_894 = vector.extract %slice3A_893[0] : f32 from vector<1xf32>
      %broadcast_in_dim3A_895 = vector.broadcast %squeeze3A_894 : f32 to vector<16xf32>
      %slice3A_896 = vector.extract_strided_slice %get3A_202 {offsets = [9], sizes = [1], strides = [1]} : vector<16xf32> to vector<1xf32>
      %squeeze3A_897 = vector.extract %slice3A_896[0] : f32 from vector<1xf32>
      %slice3A_898 = vector.extract_strided_slice %get3A_205 {offsets = [9], sizes = [1], strides = [1]} : vector<16xf32> to vector<1xf32>
      %squeeze3A_899 = vector.extract %slice3A_898[0] : f32 from vector<1xf32>
      %slice3A_900 = vector.extract_strided_slice %get3A_208 {offsets = [9], sizes = [1], strides = [1]} : vector<16xf32> to vector<1xf32>
      %squeeze3A_901 = vector.extract %slice3A_900[0] : f32 from vector<1xf32>
      %mul3A_902 = arith.mulf %squeeze3A_897, %squeeze3A_897 : f32
      %mul3A_903 = arith.mulf %squeeze3A_899, %squeeze3A_899 : f32
      %add3A_904 = arith.addf %mul3A_902, %mul3A_903 : f32
      %mul3A_905 = arith.mulf %squeeze3A_901, %squeeze3A_901 : f32
      %add3A_906 = arith.addf %add3A_904, %mul3A_905 : f32
      %broadcast_in_dim3A_907 = vector.broadcast %add3A_906 : f32 to vector<16xf32>
      %slice3A_908 = vector.extract_strided_slice %get3A_211 {offsets = [9], sizes = [1], strides = [1]} : vector<16xf32> to vector<1xf32>
      %squeeze3A_909 = vector.extract %slice3A_908[0] : f32 from vector<1xf32>
      %broadcast_in_dim3A_910 = vector.broadcast %squeeze3A_909 : f32 to vector<16xf32>
      %slice3A_911 = vector.extract_strided_slice %get3A_214 {offsets = [9], sizes = [1], strides = [1]} : vector<16xf32> to vector<1xf32>
      %squeeze3A_912 = vector.extract %slice3A_911[0] : f32 from vector<1xf32>
      %broadcast_in_dim3A_913 = vector.broadcast %squeeze3A_912 : f32 to vector<16xf32>
      %slice3A_914 = vector.extract_strided_slice %get3A_217 {offsets = [9], sizes = [1], strides = [1]} : vector<16xf32> to vector<1xf32>
      %squeeze3A_915 = vector.extract %slice3A_914[0] : f32 from vector<1xf32>
      %broadcast_in_dim3A_916 = vector.broadcast %squeeze3A_915 : f32 to vector<16xf32>
      %slice3A_917 = vector.extract_strided_slice %get3A_202 {offsets = [10], sizes = [1], strides = [1]} : vector<16xf32> to vector<1xf32>
      %squeeze3A_918 = vector.extract %slice3A_917[0] : f32 from vector<1xf32>
      %slice3A_919 = vector.extract_strided_slice %get3A_205 {offsets = [10], sizes = [1], strides = [1]} : vector<16xf32> to vector<1xf32>
      %squeeze3A_920 = vector.extract %slice3A_919[0] : f32 from vector<1xf32>
      %slice3A_921 = vector.extract_strided_slice %get3A_208 {offsets = [10], sizes = [1], strides = [1]} : vector<16xf32> to vector<1xf32>
      %squeeze3A_922 = vector.extract %slice3A_921[0] : f32 from vector<1xf32>
      %mul3A_923 = arith.mulf %squeeze3A_918, %squeeze3A_918 : f32
      %mul3A_924 = arith.mulf %squeeze3A_920, %squeeze3A_920 : f32
      %add3A_925 = arith.addf %mul3A_923, %mul3A_924 : f32
      %mul3A_926 = arith.mulf %squeeze3A_922, %squeeze3A_922 : f32
      %add3A_927 = arith.addf %add3A_925, %mul3A_926 : f32
      %broadcast_in_dim3A_928 = vector.broadcast %add3A_927 : f32 to vector<16xf32>
      %slice3A_929 = vector.extract_strided_slice %get3A_211 {offsets = [10], sizes = [1], strides = [1]} : vector<16xf32> to vector<1xf32>
      %squeeze3A_930 = vector.extract %slice3A_929[0] : f32 from vector<1xf32>
      %broadcast_in_dim3A_931 = vector.broadcast %squeeze3A_930 : f32 to vector<16xf32>
      %slice3A_932 = vector.extract_strided_slice %get3A_214 {offsets = [10], sizes = [1], strides = [1]} : vector<16xf32> to vector<1xf32>
      %squeeze3A_933 = vector.extract %slice3A_932[0] : f32 from vector<1xf32>
      %broadcast_in_dim3A_934 = vector.broadcast %squeeze3A_933 : f32 to vector<16xf32>
      %slice3A_935 = vector.extract_strided_slice %get3A_217 {offsets = [10], sizes = [1], strides = [1]} : vector<16xf32> to vector<1xf32>
      %squeeze3A_936 = vector.extract %slice3A_935[0] : f32 from vector<1xf32>
      %broadcast_in_dim3A_937 = vector.broadcast %squeeze3A_936 : f32 to vector<16xf32>
      %slice3A_938 = vector.extract_strided_slice %get3A_202 {offsets = [11], sizes = [1], strides = [1]} : vector<16xf32> to vector<1xf32>
      %squeeze3A_939 = vector.extract %slice3A_938[0] : f32 from vector<1xf32>
      %slice3A_940 = vector.extract_strided_slice %get3A_205 {offsets = [11], sizes = [1], strides = [1]} : vector<16xf32> to vector<1xf32>
      %squeeze3A_941 = vector.extract %slice3A_940[0] : f32 from vector<1xf32>
      %slice3A_942 = vector.extract_strided_slice %get3A_208 {offsets = [11], sizes = [1], strides = [1]} : vector<16xf32> to vector<1xf32>
      %squeeze3A_943 = vector.extract %slice3A_942[0] : f32 from vector<1xf32>
      %mul3A_944 = arith.mulf %squeeze3A_939, %squeeze3A_939 : f32
      %mul3A_945 = arith.mulf %squeeze3A_941, %squeeze3A_941 : f32
      %add3A_946 = arith.addf %mul3A_944, %mul3A_945 : f32
      %mul3A_947 = arith.mulf %squeeze3A_943, %squeeze3A_943 : f32
      %add3A_948 = arith.addf %add3A_946, %mul3A_947 : f32
      %broadcast_in_dim3A_949 = vector.broadcast %add3A_948 : f32 to vector<16xf32>
      %slice3A_950 = vector.extract_strided_slice %get3A_211 {offsets = [11], sizes = [1], strides = [1]} : vector<16xf32> to vector<1xf32>
      %squeeze3A_951 = vector.extract %slice3A_950[0] : f32 from vector<1xf32>
      %broadcast_in_dim3A_952 = vector.broadcast %squeeze3A_951 : f32 to vector<16xf32>
      %slice3A_953 = vector.extract_strided_slice %get3A_214 {offsets = [11], sizes = [1], strides = [1]} : vector<16xf32> to vector<1xf32>
      %squeeze3A_954 = vector.extract %slice3A_953[0] : f32 from vector<1xf32>
      %broadcast_in_dim3A_955 = vector.broadcast %squeeze3A_954 : f32 to vector<16xf32>
      %slice3A_956 = vector.extract_strided_slice %get3A_217 {offsets = [11], sizes = [1], strides = [1]} : vector<16xf32> to vector<1xf32>
      %squeeze3A_957 = vector.extract %slice3A_956[0] : f32 from vector<1xf32>
      %broadcast_in_dim3A_958 = vector.broadcast %squeeze3A_957 : f32 to vector<16xf32>
      %broadcast_in_dim3A_959 = arith.constant 3.000000e+38 : f32
      %broadcast_in_dim3A_960 = vector.broadcast %broadcast_in_dim3A_959 : f32 to vector<16xf32>
      %broadcast_in_dim3A_961 = arith.constant 3.000000e+38 : f32
      %broadcast_in_dim3A_962 = vector.broadcast %broadcast_in_dim3A_961 : f32 to vector<16xf32>
      %broadcast_in_dim3A_963 = arith.constant 3.000000e+38 : f32
      %broadcast_in_dim3A_964 = vector.broadcast %broadcast_in_dim3A_963 : f32 to vector<16xf32>
      %broadcast_in_dim3A_965 = arith.constant 3.000000e+38 : f32
      %broadcast_in_dim3A_966 = vector.broadcast %broadcast_in_dim3A_965 : f32 to vector<16xf32>
      %scan3A_967 = arith.constant 0 : i32
      %scan3A_968 = arith.constant 256 : i32
      %scan3A_969 = arith.addi %scan3A_967, %scan3A_968 : i32
      %scan3A_970 = arith.constant 1 : i32
      %scan3A_971:4 = scf.for %scan3A_1535 = %scan3A_967 to %scan3A_969 step %scan3A_970 iter_args(%scan3A_1536 = %broadcast_in_dim3A_960, %scan3A_1537 = %broadcast_in_dim3A_962, %scan3A_1538 = %broadcast_in_dim3A_964, %scan3A_1539 = %broadcast_in_dim3A_966) -> (vector<16xf32>, vector<16xf32>, vector<16xf32>, vector<16xf32>)  : i32 {
        %mul3A_1540 = arith.constant 16 : i32
        %mul3A_1541 = arith.muli %scan3A_1535, %mul3A_1540 : i32
        %get3A_1542 = arith.index_cast %mul3A_1541 : i32 to index
        %get3A_1543 = tpu.vector_load %arg16[%get3A_1542] {strides = array<i32>} : memref<4096xf32, #tpu.memory_space<vmem>>, vector<16xf32>,
        %get3A_1544 = vector.shape_cast %get3A_1543 : vector<16xf32> to vector<16xf32>
        %get3A_1545 = arith.index_cast %mul3A_1541 : i32 to index
        %get3A_1546 = tpu.vector_load %arg17[%get3A_1545] {strides = array<i32>} : memref<4096xf32, #tpu.memory_space<vmem>>, vector<16xf32>,
        %get3A_1547 = vector.shape_cast %get3A_1546 : vector<16xf32> to vector<16xf32>
        %get3A_1548 = arith.index_cast %mul3A_1541 : i32 to index
        %get3A_1549 = tpu.vector_load %arg18[%get3A_1548] {strides = array<i32>} : memref<4096xf32, #tpu.memory_space<vmem>>, vector<16xf32>,
        %get3A_1550 = vector.shape_cast %get3A_1549 : vector<16xf32> to vector<16xf32>
        %get3A_1551 = arith.index_cast %mul3A_1541 : i32 to index
        %get3A_1552 = tpu.vector_load %arg19[%get3A_1551] {strides = array<i32>} : memref<4096xf32, #tpu.memory_space<vmem>>, vector<16xf32>,
        %get3A_1553 = vector.shape_cast %get3A_1552 : vector<16xf32> to vector<16xf32>
        %get3A_1554 = arith.index_cast %mul3A_1541 : i32 to index
        %get3A_1555 = tpu.vector_load %arg20[%get3A_1554] {strides = array<i32>} : memref<4096xf32, #tpu.memory_space<vmem>>, vector<16xf32>,
        %get3A_1556 = vector.shape_cast %get3A_1555 : vector<16xf32> to vector<16xf32>
        %mul3A_1557 = arith.mulf %broadcast_in_dim3A_889, %get3A_1544 : vector<16xf32>
        %mul3A_1558 = arith.mulf %broadcast_in_dim3A_892, %get3A_1547 : vector<16xf32>
        %add3A_1559 = arith.addf %mul3A_1557, %mul3A_1558 : vector<16xf32>
        %mul3A_1560 = arith.mulf %broadcast_in_dim3A_895, %get3A_1550 : vector<16xf32>
        %add3A_1561 = arith.addf %add3A_1559, %mul3A_1560 : vector<16xf32>
        %add3A_1562 = arith.addf %broadcast_in_dim3A_886, %get3A_1553 : vector<16xf32>
        %mul3A_1563 = arith.constant 2.000000e+00 : f32
        %mul3A_1564 = vector.broadcast %mul3A_1563 : f32 to vector<16xf32>
        %mul3A_1565 = arith.mulf %mul3A_1564, %add3A_1561 : vector<16xf32>
        %sub3A_1566 = arith.subf %add3A_1562, %mul3A_1565 : vector<16xf32>
        %min3A_1567 = arith.minimumf %scan3A_1536, %sub3A_1566 : vector<16xf32>
        %min3A_1568 = arith.minimumf %get3A_1556, %sub3A_1566 : vector<16xf32>
        %mul3A_1569 = arith.mulf %broadcast_in_dim3A_910, %get3A_1544 : vector<16xf32>
        %mul3A_1570 = arith.mulf %broadcast_in_dim3A_913, %get3A_1547 : vector<16xf32>
        %add3A_1571 = arith.addf %mul3A_1569, %mul3A_1570 : vector<16xf32>
        %mul3A_1572 = arith.mulf %broadcast_in_dim3A_916, %get3A_1550 : vector<16xf32>
        %add3A_1573 = arith.addf %add3A_1571, %mul3A_1572 : vector<16xf32>
        %add3A_1574 = arith.addf %broadcast_in_dim3A_907, %get3A_1553 : vector<16xf32>
        %mul3A_1575 = arith.constant 2.000000e+00 : f32
        %mul3A_1576 = vector.broadcast %mul3A_1575 : f32 to vector<16xf32>
        %mul3A_1577 = arith.mulf %mul3A_1576, %add3A_1573 : vector<16xf32>
        %sub3A_1578 = arith.subf %add3A_1574, %mul3A_1577 : vector<16xf32>
        %min3A_1579 = arith.minimumf %scan3A_1537, %sub3A_1578 : vector<16xf32>
        %min3A_1580 = arith.minimumf %min3A_1568, %sub3A_1578 : vector<16xf32>
        %mul3A_1581 = arith.mulf %broadcast_in_dim3A_931, %get3A_1544 : vector<16xf32>
        %mul3A_1582 = arith.mulf %broadcast_in_dim3A_934, %get3A_1547 : vector<16xf32>
        %add3A_1583 = arith.addf %mul3A_1581, %mul3A_1582 : vector<16xf32>
        %mul3A_1584 = arith.mulf %broadcast_in_dim3A_937, %get3A_1550 : vector<16xf32>
        %add3A_1585 = arith.addf %add3A_1583, %mul3A_1584 : vector<16xf32>
        %add3A_1586 = arith.addf %broadcast_in_dim3A_928, %get3A_1553 : vector<16xf32>
        %mul3A_1587 = arith.constant 2.000000e+00 : f32
        %mul3A_1588 = vector.broadcast %mul3A_1587 : f32 to vector<16xf32>
        %mul3A_1589 = arith.mulf %mul3A_1588, %add3A_1585 : vector<16xf32>
        %sub3A_1590 = arith.subf %add3A_1586, %mul3A_1589 : vector<16xf32>
        %min3A_1591 = arith.minimumf %scan3A_1538, %sub3A_1590 : vector<16xf32>
        %min3A_1592 = arith.minimumf %min3A_1580, %sub3A_1590 : vector<16xf32>
        %mul3A_1593 = arith.mulf %broadcast_in_dim3A_952, %get3A_1544 : vector<16xf32>
        %mul3A_1594 = arith.mulf %broadcast_in_dim3A_955, %get3A_1547 : vector<16xf32>
        %add3A_1595 = arith.addf %mul3A_1593, %mul3A_1594 : vector<16xf32>
        %mul3A_1596 = arith.mulf %broadcast_in_dim3A_958, %get3A_1550 : vector<16xf32>
        %add3A_1597 = arith.addf %add3A_1595, %mul3A_1596 : vector<16xf32>
        %add3A_1598 = arith.addf %broadcast_in_dim3A_949, %get3A_1553 : vector<16xf32>
        %mul3A_1599 = arith.constant 2.000000e+00 : f32
        %mul3A_1600 = vector.broadcast %mul3A_1599 : f32 to vector<16xf32>
        %mul3A_1601 = arith.mulf %mul3A_1600, %add3A_1597 : vector<16xf32>
        %sub3A_1602 = arith.subf %add3A_1598, %mul3A_1601 : vector<16xf32>
        %min3A_1603 = arith.minimumf %scan3A_1539, %sub3A_1602 : vector<16xf32>
        %min3A_1604 = arith.minimumf %min3A_1592, %sub3A_1602 : vector<16xf32>
        %swap3A_1605 = arith.index_cast %mul3A_1541 : i32 to index
        %swap3A_1606 = tpu.vector_load %arg20[%swap3A_1605] {strides = array<i32>} : memref<4096xf32, #tpu.memory_space<vmem>>, vector<16xf32>,
        %swap3A_1607 = vector.shape_cast %swap3A_1606 : vector<16xf32> to vector<16xf32>
        %swap3A_1608 = vector.shape_cast %min3A_1604 : vector<16xf32> to vector<16xf32>
        tpu.vector_store %arg20[%swap3A_1605], %swap3A_1608 {strides = array<i32>} : memref<4096xf32, #tpu.memory_space<vmem>>, vector<16xf32>,
        scf.yield %min3A_1567, %min3A_1579, %min3A_1591, %min3A_1603 : vector<16xf32>, vector<16xf32>, vector<16xf32>, vector<16xf32>
      }
      %scan3A_972 = arith.constant 256 : i32
      %swap3A_973 = arith.constant 0 : index
      %swap3A_974 = tpu.vector_load %arg22[%swap3A_973] {strides = array<i32>} : memref<128xf32, #tpu.memory_space<vmem>>, vector<16xf32>,
      %swap3A_975 = vector.shape_cast %swap3A_974 : vector<16xf32> to vector<16xf32>
      %swap3A_976 = vector.shape_cast %scan3A_971#0 : vector<16xf32> to vector<16xf32>
      tpu.vector_store %arg22[%swap3A_973], %swap3A_976 {strides = array<i32>} : memref<128xf32, #tpu.memory_space<vmem>>, vector<16xf32>,
      %swap3A_977 = arith.constant 32 : index
      %swap3A_978 = tpu.vector_load %arg22[%swap3A_977] {strides = array<i32>} : memref<128xf32, #tpu.memory_space<vmem>>, vector<16xf32>,
      %swap3A_979 = vector.shape_cast %swap3A_978 : vector<16xf32> to vector<16xf32>
      %swap3A_980 = vector.shape_cast %scan3A_971#1 : vector<16xf32> to vector<16xf32>
      tpu.vector_store %arg22[%swap3A_977], %swap3A_980 {strides = array<i32>} : memref<128xf32, #tpu.memory_space<vmem>>, vector<16xf32>,
      %swap3A_981 = arith.constant 64 : index
      %swap3A_982 = tpu.vector_load %arg22[%swap3A_981] {strides = array<i32>} : memref<128xf32, #tpu.memory_space<vmem>>, vector<16xf32>,
      %swap3A_983 = vector.shape_cast %swap3A_982 : vector<16xf32> to vector<16xf32>
      %swap3A_984 = vector.shape_cast %scan3A_971#2 : vector<16xf32> to vector<16xf32>
      tpu.vector_store %arg22[%swap3A_981], %swap3A_984 {strides = array<i32>} : memref<128xf32, #tpu.memory_space<vmem>>, vector<16xf32>,
      %swap3A_985 = arith.constant 96 : index
      %swap3A_986 = tpu.vector_load %arg22[%swap3A_985] {strides = array<i32>} : memref<128xf32, #tpu.memory_space<vmem>>, vector<16xf32>,
      %swap3A_987 = vector.shape_cast %swap3A_986 : vector<16xf32> to vector<16xf32>
      %swap3A_988 = vector.shape_cast %scan3A_971#3 : vector<16xf32> to vector<16xf32>
      tpu.vector_store %arg22[%swap3A_985], %swap3A_988 {strides = array<i32>} : memref<128xf32, #tpu.memory_space<vmem>>, vector<16xf32>,
      %get3A_989 = arith.constant 0 : index
      %get3A_990 = tpu.vector_load %arg22[%get3A_989] {strides = array<i32>} : memref<128xf32, #tpu.memory_space<vmem>>, vector<16xf32>,
      %get3A_991 = vector.shape_cast %get3A_990 : vector<16xf32> to vector<16xf32>
      %get3A_992 = arith.constant 8 : index
      %get3A_993 = tpu.vector_load %arg22[%get3A_992] {strides = array<i32>} : memref<128xf32, #tpu.memory_space<vmem>>, vector<16xf32>,
      %get3A_994 = vector.shape_cast %get3A_993 : vector<16xf32> to vector<16xf32>
      %min3A_995 = arith.minimumf %get3A_991, %get3A_994 : vector<16xf32>
      %get3A_996 = arith.constant 32 : index
      %get3A_997 = tpu.vector_load %arg22[%get3A_996] {strides = array<i32>} : memref<128xf32, #tpu.memory_space<vmem>>, vector<16xf32>,
      %get3A_998 = vector.shape_cast %get3A_997 : vector<16xf32> to vector<16xf32>
      %get3A_999 = arith.constant 40 : index
      %get3A_1000 = tpu.vector_load %arg22[%get3A_999] {strides = array<i32>} : memref<128xf32, #tpu.memory_space<vmem>>, vector<16xf32>,
      %get3A_1001 = vector.shape_cast %get3A_1000 : vector<16xf32> to vector<16xf32>
      %min3A_1002 = arith.minimumf %get3A_998, %get3A_1001 : vector<16xf32>
      %get3A_1003 = arith.constant 64 : index
      %get3A_1004 = tpu.vector_load %arg22[%get3A_1003] {strides = array<i32>} : memref<128xf32, #tpu.memory_space<vmem>>, vector<16xf32>,
      %get3A_1005 = vector.shape_cast %get3A_1004 : vector<16xf32> to vector<16xf32>
      %get3A_1006 = arith.constant 72 : index
      %get3A_1007 = tpu.vector_load %arg22[%get3A_1006] {strides = array<i32>} : memref<128xf32, #tpu.memory_space<vmem>>, vector<16xf32>,
      %get3A_1008 = vector.shape_cast %get3A_1007 : vector<16xf32> to vector<16xf32>
      %min3A_1009 = arith.minimumf %get3A_1005, %get3A_1008 : vector<16xf32>
      %get3A_1010 = arith.constant 96 : index
      %get3A_1011 = tpu.vector_load %arg22[%get3A_1010] {strides = array<i32>} : memref<128xf32, #tpu.memory_space<vmem>>, vector<16xf32>,
      %get3A_1012 = vector.shape_cast %get3A_1011 : vector<16xf32> to vector<16xf32>
      %get3A_1013 = arith.constant 104 : index
      %get3A_1014 = tpu.vector_load %arg22[%get3A_1013] {strides = array<i32>} : memref<128xf32, #tpu.memory_space<vmem>>, vector<16xf32>,
      %get3A_1015 = vector.shape_cast %get3A_1014 : vector<16xf32> to vector<16xf32>
      %min3A_1016 = arith.minimumf %get3A_1012, %get3A_1015 : vector<16xf32>
      %swap3A_1017 = arith.constant 0 : index
      %swap3A_1018 = tpu.vector_load %arg22[%swap3A_1017] {strides = array<i32>} : memref<128xf32, #tpu.memory_space<vmem>>, vector<16xf32>,
      %swap3A_1019 = vector.shape_cast %swap3A_1018 : vector<16xf32> to vector<16xf32>
      %swap3A_1020 = vector.shape_cast %min3A_995 : vector<16xf32> to vector<16xf32>
      tpu.vector_store %arg22[%swap3A_1017], %swap3A_1020 {strides = array<i32>} : memref<128xf32, #tpu.memory_space<vmem>>, vector<16xf32>,
      %swap3A_1021 = arith.constant 32 : index
      %swap3A_1022 = tpu.vector_load %arg22[%swap3A_1021] {strides = array<i32>} : memref<128xf32, #tpu.memory_space<vmem>>, vector<16xf32>,
      %swap3A_1023 = vector.shape_cast %swap3A_1022 : vector<16xf32> to vector<16xf32>
      %swap3A_1024 = vector.shape_cast %min3A_1002 : vector<16xf32> to vector<16xf32>
      tpu.vector_store %arg22[%swap3A_1021], %swap3A_1024 {strides = array<i32>} : memref<128xf32, #tpu.memory_space<vmem>>, vector<16xf32>,
      %swap3A_1025 = arith.constant 64 : index
      %swap3A_1026 = tpu.vector_load %arg22[%swap3A_1025] {strides = array<i32>} : memref<128xf32, #tpu.memory_space<vmem>>, vector<16xf32>,
      %swap3A_1027 = vector.shape_cast %swap3A_1026 : vector<16xf32> to vector<16xf32>
      %swap3A_1028 = vector.shape_cast %min3A_1009 : vector<16xf32> to vector<16xf32>
      tpu.vector_store %arg22[%swap3A_1025], %swap3A_1028 {strides = array<i32>} : memref<128xf32, #tpu.memory_space<vmem>>, vector<16xf32>,
      %swap3A_1029 = arith.constant 96 : index
      %swap3A_1030 = tpu.vector_load %arg22[%swap3A_1029] {strides = array<i32>} : memref<128xf32, #tpu.memory_space<vmem>>, vector<16xf32>,
      %swap3A_1031 = vector.shape_cast %swap3A_1030 : vector<16xf32> to vector<16xf32>
      %swap3A_1032 = vector.shape_cast %min3A_1016 : vector<16xf32> to vector<16xf32>
      tpu.vector_store %arg22[%swap3A_1029], %swap3A_1032 {strides = array<i32>} : memref<128xf32, #tpu.memory_space<vmem>>, vector<16xf32>,
      %get3A_1033 = arith.constant 0 : index
      %get3A_1034 = tpu.vector_load %arg22[%get3A_1033] {strides = array<i32>} : memref<128xf32, #tpu.memory_space<vmem>>, vector<16xf32>,
      %get3A_1035 = vector.shape_cast %get3A_1034 : vector<16xf32> to vector<16xf32>
      %get3A_1036 = arith.constant 4 : index
      %get3A_1037 = tpu.vector_load %arg22[%get3A_1036] {strides = array<i32>} : memref<128xf32, #tpu.memory_space<vmem>>, vector<16xf32>,
      %get3A_1038 = vector.shape_cast %get3A_1037 : vector<16xf32> to vector<16xf32>
      %min3A_1039 = arith.minimumf %get3A_1035, %get3A_1038 : vector<16xf32>
      %get3A_1040 = arith.constant 32 : index
      %get3A_1041 = tpu.vector_load %arg22[%get3A_1040] {strides = array<i32>} : memref<128xf32, #tpu.memory_space<vmem>>, vector<16xf32>,
      %get3A_1042 = vector.shape_cast %get3A_1041 : vector<16xf32> to vector<16xf32>
      %get3A_1043 = arith.constant 36 : index
      %get3A_1044 = tpu.vector_load %arg22[%get3A_1043] {strides = array<i32>} : memref<128xf32, #tpu.memory_space<vmem>>, vector<16xf32>,
      %get3A_1045 = vector.shape_cast %get3A_1044 : vector<16xf32> to vector<16xf32>
      %min3A_1046 = arith.minimumf %get3A_1042, %get3A_1045 : vector<16xf32>
      %get3A_1047 = arith.constant 64 : index
      %get3A_1048 = tpu.vector_load %arg22[%get3A_1047] {strides = array<i32>} : memref<128xf32, #tpu.memory_space<vmem>>, vector<16xf32>,
      %get3A_1049 = vector.shape_cast %get3A_1048 : vector<16xf32> to vector<16xf32>
      %get3A_1050 = arith.constant 68 : index
      %get3A_1051 = tpu.vector_load %arg22[%get3A_1050] {strides = array<i32>} : memref<128xf32, #tpu.memory_space<vmem>>, vector<16xf32>,
      %get3A_1052 = vector.shape_cast %get3A_1051 : vector<16xf32> to vector<16xf32>
      %min3A_1053 = arith.minimumf %get3A_1049, %get3A_1052 : vector<16xf32>
      %get3A_1054 = arith.constant 96 : index
      %get3A_1055 = tpu.vector_load %arg22[%get3A_1054] {strides = array<i32>} : memref<128xf32, #tpu.memory_space<vmem>>, vector<16xf32>,
      %get3A_1056 = vector.shape_cast %get3A_1055 : vector<16xf32> to vector<16xf32>
      %get3A_1057 = arith.constant 100 : index
      %get3A_1058 = tpu.vector_load %arg22[%get3A_1057] {strides = array<i32>} : memref<128xf32, #tpu.memory_space<vmem>>, vector<16xf32>,
      %get3A_1059 = vector.shape_cast %get3A_1058 : vector<16xf32> to vector<16xf32>
      %min3A_1060 = arith.minimumf %get3A_1056, %get3A_1059 : vector<16xf32>
      %swap3A_1061 = arith.constant 0 : index
      %swap3A_1062 = tpu.vector_load %arg22[%swap3A_1061] {strides = array<i32>} : memref<128xf32, #tpu.memory_space<vmem>>, vector<16xf32>,
      %swap3A_1063 = vector.shape_cast %swap3A_1062 : vector<16xf32> to vector<16xf32>
      %swap3A_1064 = vector.shape_cast %min3A_1039 : vector<16xf32> to vector<16xf32>
      tpu.vector_store %arg22[%swap3A_1061], %swap3A_1064 {strides = array<i32>} : memref<128xf32, #tpu.memory_space<vmem>>, vector<16xf32>,
      %swap3A_1065 = arith.constant 32 : index
      %swap3A_1066 = tpu.vector_load %arg22[%swap3A_1065] {strides = array<i32>} : memref<128xf32, #tpu.memory_space<vmem>>, vector<16xf32>,
      %swap3A_1067 = vector.shape_cast %swap3A_1066 : vector<16xf32> to vector<16xf32>
      %swap3A_1068 = vector.shape_cast %min3A_1046 : vector<16xf32> to vector<16xf32>
      tpu.vector_store %arg22[%swap3A_1065], %swap3A_1068 {strides = array<i32>} : memref<128xf32, #tpu.memory_space<vmem>>, vector<16xf32>,
      %swap3A_1069 = arith.constant 64 : index
      %swap3A_1070 = tpu.vector_load %arg22[%swap3A_1069] {strides = array<i32>} : memref<128xf32, #tpu.memory_space<vmem>>, vector<16xf32>,
      %swap3A_1071 = vector.shape_cast %swap3A_1070 : vector<16xf32> to vector<16xf32>
      %swap3A_1072 = vector.shape_cast %min3A_1053 : vector<16xf32> to vector<16xf32>
      tpu.vector_store %arg22[%swap3A_1069], %swap3A_1072 {strides = array<i32>} : memref<128xf32, #tpu.memory_space<vmem>>, vector<16xf32>,
      %swap3A_1073 = arith.constant 96 : index
      %swap3A_1074 = tpu.vector_load %arg22[%swap3A_1073] {strides = array<i32>} : memref<128xf32, #tpu.memory_space<vmem>>, vector<16xf32>,
      %swap3A_1075 = vector.shape_cast %swap3A_1074 : vector<16xf32> to vector<16xf32>
      %swap3A_1076 = vector.shape_cast %min3A_1060 : vector<16xf32> to vector<16xf32>
      tpu.vector_store %arg22[%swap3A_1073], %swap3A_1076 {strides = array<i32>} : memref<128xf32, #tpu.memory_space<vmem>>, vector<16xf32>,
      %get3A_1077 = arith.constant 0 : index
      %get3A_1078 = tpu.vector_load %arg22[%get3A_1077] {strides = array<i32>} : memref<128xf32, #tpu.memory_space<vmem>>, vector<16xf32>,
      %get3A_1079 = vector.shape_cast %get3A_1078 : vector<16xf32> to vector<16xf32>
      %get3A_1080 = arith.constant 2 : index
      %get3A_1081 = tpu.vector_load %arg22[%get3A_1080] {strides = array<i32>} : memref<128xf32, #tpu.memory_space<vmem>>, vector<16xf32>,
      %get3A_1082 = vector.shape_cast %get3A_1081 : vector<16xf32> to vector<16xf32>
      %min3A_1083 = arith.minimumf %get3A_1079, %get3A_1082 : vector<16xf32>
      %get3A_1084 = arith.constant 32 : index
      %get3A_1085 = tpu.vector_load %arg22[%get3A_1084] {strides = array<i32>} : memref<128xf32, #tpu.memory_space<vmem>>, vector<16xf32>,
      %get3A_1086 = vector.shape_cast %get3A_1085 : vector<16xf32> to vector<16xf32>
      %get3A_1087 = arith.constant 34 : index
      %get3A_1088 = tpu.vector_load %arg22[%get3A_1087] {strides = array<i32>} : memref<128xf32, #tpu.memory_space<vmem>>, vector<16xf32>,
      %get3A_1089 = vector.shape_cast %get3A_1088 : vector<16xf32> to vector<16xf32>
      %min3A_1090 = arith.minimumf %get3A_1086, %get3A_1089 : vector<16xf32>
      %get3A_1091 = arith.constant 64 : index
      %get3A_1092 = tpu.vector_load %arg22[%get3A_1091] {strides = array<i32>} : memref<128xf32, #tpu.memory_space<vmem>>, vector<16xf32>,
      %get3A_1093 = vector.shape_cast %get3A_1092 : vector<16xf32> to vector<16xf32>
      %get3A_1094 = arith.constant 66 : index
      %get3A_1095 = tpu.vector_load %arg22[%get3A_1094] {strides = array<i32>} : memref<128xf32, #tpu.memory_space<vmem>>, vector<16xf32>,
      %get3A_1096 = vector.shape_cast %get3A_1095 : vector<16xf32> to vector<16xf32>
      %min3A_1097 = arith.minimumf %get3A_1093, %get3A_1096 : vector<16xf32>
      %get3A_1098 = arith.constant 96 : index
      %get3A_1099 = tpu.vector_load %arg22[%get3A_1098] {strides = array<i32>} : memref<128xf32, #tpu.memory_space<vmem>>, vector<16xf32>,
      %get3A_1100 = vector.shape_cast %get3A_1099 : vector<16xf32> to vector<16xf32>
      %get3A_1101 = arith.constant 98 : index
      %get3A_1102 = tpu.vector_load %arg22[%get3A_1101] {strides = array<i32>} : memref<128xf32, #tpu.memory_space<vmem>>, vector<16xf32>,
      %get3A_1103 = vector.shape_cast %get3A_1102 : vector<16xf32> to vector<16xf32>
      %min3A_1104 = arith.minimumf %get3A_1100, %get3A_1103 : vector<16xf32>
      %swap3A_1105 = arith.constant 0 : index
      %swap3A_1106 = tpu.vector_load %arg22[%swap3A_1105] {strides = array<i32>} : memref<128xf32, #tpu.memory_space<vmem>>, vector<16xf32>,
      %swap3A_1107 = vector.shape_cast %swap3A_1106 : vector<16xf32> to vector<16xf32>
      %swap3A_1108 = vector.shape_cast %min3A_1083 : vector<16xf32> to vector<16xf32>
      tpu.vector_store %arg22[%swap3A_1105], %swap3A_1108 {strides = array<i32>} : memref<128xf32, #tpu.memory_space<vmem>>, vector<16xf32>,
      %swap3A_1109 = arith.constant 32 : index
      %swap3A_1110 = tpu.vector_load %arg22[%swap3A_1109] {strides = array<i32>} : memref<128xf32, #tpu.memory_space<vmem>>, vector<16xf32>,
      %swap3A_1111 = vector.shape_cast %swap3A_1110 : vector<16xf32> to vector<16xf32>
      %swap3A_1112 = vector.shape_cast %min3A_1090 : vector<16xf32> to vector<16xf32>
      tpu.vector_store %arg22[%swap3A_1109], %swap3A_1112 {strides = array<i32>} : memref<128xf32, #tpu.memory_space<vmem>>, vector<16xf32>,
      %swap3A_1113 = arith.constant 64 : index
      %swap3A_1114 = tpu.vector_load %arg22[%swap3A_1113] {strides = array<i32>} : memref<128xf32, #tpu.memory_space<vmem>>, vector<16xf32>,
      %swap3A_1115 = vector.shape_cast %swap3A_1114 : vector<16xf32> to vector<16xf32>
      %swap3A_1116 = vector.shape_cast %min3A_1097 : vector<16xf32> to vector<16xf32>
      tpu.vector_store %arg22[%swap3A_1113], %swap3A_1116 {strides = array<i32>} : memref<128xf32, #tpu.memory_space<vmem>>, vector<16xf32>,
      %swap3A_1117 = arith.constant 96 : index
      %swap3A_1118 = tpu.vector_load %arg22[%swap3A_1117] {strides = array<i32>} : memref<128xf32, #tpu.memory_space<vmem>>, vector<16xf32>,
      %swap3A_1119 = vector.shape_cast %swap3A_1118 : vector<16xf32> to vector<16xf32>
      %swap3A_1120 = vector.shape_cast %min3A_1104 : vector<16xf32> to vector<16xf32>
      tpu.vector_store %arg22[%swap3A_1117], %swap3A_1120 {strides = array<i32>} : memref<128xf32, #tpu.memory_space<vmem>>, vector<16xf32>,
      %get3A_1121 = arith.constant 0 : index
      %get3A_1122 = tpu.vector_load %arg22[%get3A_1121] {strides = array<i32>} : memref<128xf32, #tpu.memory_space<vmem>>, vector<16xf32>,
      %get3A_1123 = vector.shape_cast %get3A_1122 : vector<16xf32> to vector<16xf32>
      %get3A_1124 = arith.constant 1 : index
      %get3A_1125 = tpu.vector_load %arg22[%get3A_1124] {strides = array<i32>} : memref<128xf32, #tpu.memory_space<vmem>>, vector<16xf32>,
      %get3A_1126 = vector.shape_cast %get3A_1125 : vector<16xf32> to vector<16xf32>
      %min3A_1127 = arith.minimumf %get3A_1123, %get3A_1126 : vector<16xf32>
      %get3A_1128 = arith.constant 32 : index
      %get3A_1129 = tpu.vector_load %arg22[%get3A_1128] {strides = array<i32>} : memref<128xf32, #tpu.memory_space<vmem>>, vector<16xf32>,
      %get3A_1130 = vector.shape_cast %get3A_1129 : vector<16xf32> to vector<16xf32>
      %get3A_1131 = arith.constant 33 : index
      %get3A_1132 = tpu.vector_load %arg22[%get3A_1131] {strides = array<i32>} : memref<128xf32, #tpu.memory_space<vmem>>, vector<16xf32>,
      %get3A_1133 = vector.shape_cast %get3A_1132 : vector<16xf32> to vector<16xf32>
      %min3A_1134 = arith.minimumf %get3A_1130, %get3A_1133 : vector<16xf32>
      %get3A_1135 = arith.constant 64 : index
      %get3A_1136 = tpu.vector_load %arg22[%get3A_1135] {strides = array<i32>} : memref<128xf32, #tpu.memory_space<vmem>>, vector<16xf32>,
      %get3A_1137 = vector.shape_cast %get3A_1136 : vector<16xf32> to vector<16xf32>
      %get3A_1138 = arith.constant 65 : index
      %get3A_1139 = tpu.vector_load %arg22[%get3A_1138] {strides = array<i32>} : memref<128xf32, #tpu.memory_space<vmem>>, vector<16xf32>,
      %get3A_1140 = vector.shape_cast %get3A_1139 : vector<16xf32> to vector<16xf32>
      %min3A_1141 = arith.minimumf %get3A_1137, %get3A_1140 : vector<16xf32>
      %get3A_1142 = arith.constant 96 : index
      %get3A_1143 = tpu.vector_load %arg22[%get3A_1142] {strides = array<i32>} : memref<128xf32, #tpu.memory_space<vmem>>, vector<16xf32>,
      %get3A_1144 = vector.shape_cast %get3A_1143 : vector<16xf32> to vector<16xf32>
      %get3A_1145 = arith.constant 97 : index
      %get3A_1146 = tpu.vector_load %arg22[%get3A_1145] {strides = array<i32>} : memref<128xf32, #tpu.memory_space<vmem>>, vector<16xf32>,
      %get3A_1147 = vector.shape_cast %get3A_1146 : vector<16xf32> to vector<16xf32>
      %min3A_1148 = arith.minimumf %get3A_1144, %get3A_1147 : vector<16xf32>
      %swap3A_1149 = arith.constant 0 : index
      %swap3A_1150 = tpu.vector_load %arg22[%swap3A_1149] {strides = array<i32>} : memref<128xf32, #tpu.memory_space<vmem>>, vector<16xf32>,
      %swap3A_1151 = vector.shape_cast %swap3A_1150 : vector<16xf32> to vector<16xf32>
      %swap3A_1152 = vector.shape_cast %min3A_1127 : vector<16xf32> to vector<16xf32>
      tpu.vector_store %arg22[%swap3A_1149], %swap3A_1152 {strides = array<i32>} : memref<128xf32, #tpu.memory_space<vmem>>, vector<16xf32>,
      %swap3A_1153 = arith.constant 32 : index
      %swap3A_1154 = tpu.vector_load %arg22[%swap3A_1153] {strides = array<i32>} : memref<128xf32, #tpu.memory_space<vmem>>, vector<16xf32>,
      %swap3A_1155 = vector.shape_cast %swap3A_1154 : vector<16xf32> to vector<16xf32>
      %swap3A_1156 = vector.shape_cast %min3A_1134 : vector<16xf32> to vector<16xf32>
      tpu.vector_store %arg22[%swap3A_1153], %swap3A_1156 {strides = array<i32>} : memref<128xf32, #tpu.memory_space<vmem>>, vector<16xf32>,
      %swap3A_1157 = arith.constant 64 : index
      %swap3A_1158 = tpu.vector_load %arg22[%swap3A_1157] {strides = array<i32>} : memref<128xf32, #tpu.memory_space<vmem>>, vector<16xf32>,
      %swap3A_1159 = vector.shape_cast %swap3A_1158 : vector<16xf32> to vector<16xf32>
      %swap3A_1160 = vector.shape_cast %min3A_1141 : vector<16xf32> to vector<16xf32>
      tpu.vector_store %arg22[%swap3A_1157], %swap3A_1160 {strides = array<i32>} : memref<128xf32, #tpu.memory_space<vmem>>, vector<16xf32>,
      %swap3A_1161 = arith.constant 96 : index
      %swap3A_1162 = tpu.vector_load %arg22[%swap3A_1161] {strides = array<i32>} : memref<128xf32, #tpu.memory_space<vmem>>, vector<16xf32>,
      %swap3A_1163 = vector.shape_cast %swap3A_1162 : vector<16xf32> to vector<16xf32>
      %swap3A_1164 = vector.shape_cast %min3A_1148 : vector<16xf32> to vector<16xf32>
      tpu.vector_store %arg22[%swap3A_1161], %swap3A_1164 {strides = array<i32>} : memref<128xf32, #tpu.memory_space<vmem>>, vector<16xf32>,
      %get3A_1165 = arith.constant 0 : index
      %get3A_1166 = tpu.vector_load %arg22[%get3A_1165] {strides = array<i32>} : memref<128xf32, #tpu.memory_space<vmem>>, vector<16xf32>,
      %get3A_1167 = vector.shape_cast %get3A_1166 : vector<16xf32> to vector<16xf32>
      %eq3A_1168 = arith.constant 0 : i32
      %eq3A_1169 = vector.broadcast %eq3A_1168 : i32 to vector<16xi32>
      %eq3A_1170 = arith.cmpi eq, %iota3A, %eq3A_1169 : vector<16xi32>
      %jit3A_1171 = arith.constant 0.000000e+00 : f32
      %broadcast_in_dim3A_1172 = vector.broadcast %jit3A_1171 : f32 to vector<16xf32>
      %select_n3A_1173 = arith.select %eq3A_1170, %get3A_1167, %broadcast_in_dim3A_1172 : vector<16xi1>, vector<16xf32>
      %add3A_1174 = arith.addf %add3A_874, %select_n3A_1173 : vector<16xf32>
      %get3A_1175 = arith.constant 32 : index
      %get3A_1176 = tpu.vector_load %arg22[%get3A_1175] {strides = array<i32>} : memref<128xf32, #tpu.memory_space<vmem>>, vector<16xf32>,
      %get3A_1177 = vector.shape_cast %get3A_1176 : vector<16xf32> to vector<16xf32>
      %eq3A_1178 = arith.constant 0 : i32
      %eq3A_1179 = vector.broadcast %eq3A_1178 : i32 to vector<16xi32>
      %eq3A_1180 = arith.cmpi eq, %iota3A, %eq3A_1179 : vector<16xi32>
      %jit3A_1181 = arith.constant 0.000000e+00 : f32
      %broadcast_in_dim3A_1182 = vector.broadcast %jit3A_1181 : f32 to vector<16xf32>
      %select_n3A_1183 = arith.select %eq3A_1180, %get3A_1177, %broadcast_in_dim3A_1182 : vector<16xi1>, vector<16xf32>
      %add3A_1184 = arith.addf %add3A_1174, %select_n3A_1183 : vector<16xf32>
      %get3A_1185 = arith.constant 64 : index
      %get3A_1186 = tpu.vector_load %arg22[%get3A_1185] {strides = array<i32>} : memref<128xf32, #tpu.memory_space<vmem>>, vector<16xf32>,
      %get3A_1187 = vector.shape_cast %get3A_1186 : vector<16xf32> to vector<16xf32>
      %eq3A_1188 = arith.constant 0 : i32
      %eq3A_1189 = vector.broadcast %eq3A_1188 : i32 to vector<16xi32>
      %eq3A_1190 = arith.cmpi eq, %iota3A, %eq3A_1189 : vector<16xi32>
      %jit3A_1191 = arith.constant 0.000000e+00 : f32
      %broadcast_in_dim3A_1192 = vector.broadcast %jit3A_1191 : f32 to vector<16xf32>
      %select_n3A_1193 = arith.select %eq3A_1190, %get3A_1187, %broadcast_in_dim3A_1192 : vector<16xi1>, vector<16xf32>
      %add3A_1194 = arith.addf %add3A_1184, %select_n3A_1193 : vector<16xf32>
      %get3A_1195 = arith.constant 96 : index
      %get3A_1196 = tpu.vector_load %arg22[%get3A_1195] {strides = array<i32>} : memref<128xf32, #tpu.memory_space<vmem>>, vector<16xf32>,
      %get3A_1197 = vector.shape_cast %get3A_1196 : vector<16xf32> to vector<16xf32>
      %eq3A_1198 = arith.constant 0 : i32
      %eq3A_1199 = vector.broadcast %eq3A_1198 : i32 to vector<16xi32>
      %eq3A_1200 = arith.cmpi eq, %iota3A, %eq3A_1199 : vector<16xi32>
      %jit3A_1201 = arith.constant 0.000000e+00 : f32
      %broadcast_in_dim3A_1202 = vector.broadcast %jit3A_1201 : f32 to vector<16xf32>
      %select_n3A_1203 = arith.select %eq3A_1200, %get3A_1197, %broadcast_in_dim3A_1202 : vector<16xi1>, vector<16xf32>
      %add3A_1204 = arith.addf %add3A_1194, %select_n3A_1203 : vector<16xf32>
      %slice3A_1205 = vector.extract_strided_slice %get3A_202 {offsets = [12], sizes = [1], strides = [1]} : vector<16xf32> to vector<1xf32>
      %squeeze3A_1206 = vector.extract %slice3A_1205[0] : f32 from vector<1xf32>
      %slice3A_1207 = vector.extract_strided_slice %get3A_205 {offsets = [12], sizes = [1], strides = [1]} : vector<16xf32> to vector<1xf32>
      %squeeze3A_1208 = vector.extract %slice3A_1207[0] : f32 from vector<1xf32>
      %slice3A_1209 = vector.extract_strided_slice %get3A_208 {offsets = [12], sizes = [1], strides = [1]} : vector<16xf32> to vector<1xf32>
      %squeeze3A_1210 = vector.extract %slice3A_1209[0] : f32 from vector<1xf32>
      %mul3A_1211 = arith.mulf %squeeze3A_1206, %squeeze3A_1206 : f32
      %mul3A_1212 = arith.mulf %squeeze3A_1208, %squeeze3A_1208 : f32
      %add3A_1213 = arith.addf %mul3A_1211, %mul3A_1212 : f32
      %mul3A_1214 = arith.mulf %squeeze3A_1210, %squeeze3A_1210 : f32
      %add3A_1215 = arith.addf %add3A_1213, %mul3A_1214 : f32
      %broadcast_in_dim3A_1216 = vector.broadcast %add3A_1215 : f32 to vector<16xf32>
      %slice3A_1217 = vector.extract_strided_slice %get3A_211 {offsets = [12], sizes = [1], strides = [1]} : vector<16xf32> to vector<1xf32>
      %squeeze3A_1218 = vector.extract %slice3A_1217[0] : f32 from vector<1xf32>
      %broadcast_in_dim3A_1219 = vector.broadcast %squeeze3A_1218 : f32 to vector<16xf32>
      %slice3A_1220 = vector.extract_strided_slice %get3A_214 {offsets = [12], sizes = [1], strides = [1]} : vector<16xf32> to vector<1xf32>
      %squeeze3A_1221 = vector.extract %slice3A_1220[0] : f32 from vector<1xf32>
      %broadcast_in_dim3A_1222 = vector.broadcast %squeeze3A_1221 : f32 to vector<16xf32>
      %slice3A_1223 = vector.extract_strided_slice %get3A_217 {offsets = [12], sizes = [1], strides = [1]} : vector<16xf32> to vector<1xf32>
      %squeeze3A_1224 = vector.extract %slice3A_1223[0] : f32 from vector<1xf32>
      %broadcast_in_dim3A_1225 = vector.broadcast %squeeze3A_1224 : f32 to vector<16xf32>
      %slice3A_1226 = vector.extract_strided_slice %get3A_202 {offsets = [13], sizes = [1], strides = [1]} : vector<16xf32> to vector<1xf32>
      %squeeze3A_1227 = vector.extract %slice3A_1226[0] : f32 from vector<1xf32>
      %slice3A_1228 = vector.extract_strided_slice %get3A_205 {offsets = [13], sizes = [1], strides = [1]} : vector<16xf32> to vector<1xf32>
      %squeeze3A_1229 = vector.extract %slice3A_1228[0] : f32 from vector<1xf32>
      %slice3A_1230 = vector.extract_strided_slice %get3A_208 {offsets = [13], sizes = [1], strides = [1]} : vector<16xf32> to vector<1xf32>
      %squeeze3A_1231 = vector.extract %slice3A_1230[0] : f32 from vector<1xf32>
      %mul3A_1232 = arith.mulf %squeeze3A_1227, %squeeze3A_1227 : f32
      %mul3A_1233 = arith.mulf %squeeze3A_1229, %squeeze3A_1229 : f32
      %add3A_1234 = arith.addf %mul3A_1232, %mul3A_1233 : f32
      %mul3A_1235 = arith.mulf %squeeze3A_1231, %squeeze3A_1231 : f32
      %add3A_1236 = arith.addf %add3A_1234, %mul3A_1235 : f32
      %broadcast_in_dim3A_1237 = vector.broadcast %add3A_1236 : f32 to vector<16xf32>
      %slice3A_1238 = vector.extract_strided_slice %get3A_211 {offsets = [13], sizes = [1], strides = [1]} : vector<16xf32> to vector<1xf32>
      %squeeze3A_1239 = vector.extract %slice3A_1238[0] : f32 from vector<1xf32>
      %broadcast_in_dim3A_1240 = vector.broadcast %squeeze3A_1239 : f32 to vector<16xf32>
      %slice3A_1241 = vector.extract_strided_slice %get3A_214 {offsets = [13], sizes = [1], strides = [1]} : vector<16xf32> to vector<1xf32>
      %squeeze3A_1242 = vector.extract %slice3A_1241[0] : f32 from vector<1xf32>
      %broadcast_in_dim3A_1243 = vector.broadcast %squeeze3A_1242 : f32 to vector<16xf32>
      %slice3A_1244 = vector.extract_strided_slice %get3A_217 {offsets = [13], sizes = [1], strides = [1]} : vector<16xf32> to vector<1xf32>
      %squeeze3A_1245 = vector.extract %slice3A_1244[0] : f32 from vector<1xf32>
      %broadcast_in_dim3A_1246 = vector.broadcast %squeeze3A_1245 : f32 to vector<16xf32>
      %slice3A_1247 = vector.extract_strided_slice %get3A_202 {offsets = [14], sizes = [1], strides = [1]} : vector<16xf32> to vector<1xf32>
      %squeeze3A_1248 = vector.extract %slice3A_1247[0] : f32 from vector<1xf32>
      %slice3A_1249 = vector.extract_strided_slice %get3A_205 {offsets = [14], sizes = [1], strides = [1]} : vector<16xf32> to vector<1xf32>
      %squeeze3A_1250 = vector.extract %slice3A_1249[0] : f32 from vector<1xf32>
      %slice3A_1251 = vector.extract_strided_slice %get3A_208 {offsets = [14], sizes = [1], strides = [1]} : vector<16xf32> to vector<1xf32>
      %squeeze3A_1252 = vector.extract %slice3A_1251[0] : f32 from vector<1xf32>
      %mul3A_1253 = arith.mulf %squeeze3A_1248, %squeeze3A_1248 : f32
      %mul3A_1254 = arith.mulf %squeeze3A_1250, %squeeze3A_1250 : f32
      %add3A_1255 = arith.addf %mul3A_1253, %mul3A_1254 : f32
      %mul3A_1256 = arith.mulf %squeeze3A_1252, %squeeze3A_1252 : f32
      %add3A_1257 = arith.addf %add3A_1255, %mul3A_1256 : f32
      %broadcast_in_dim3A_1258 = vector.broadcast %add3A_1257 : f32 to vector<16xf32>
      %slice3A_1259 = vector.extract_strided_slice %get3A_211 {offsets = [14], sizes = [1], strides = [1]} : vector<16xf32> to vector<1xf32>
      %squeeze3A_1260 = vector.extract %slice3A_1259[0] : f32 from vector<1xf32>
      %broadcast_in_dim3A_1261 = vector.broadcast %squeeze3A_1260 : f32 to vector<16xf32>
      %slice3A_1262 = vector.extract_strided_slice %get3A_214 {offsets = [14], sizes = [1], strides = [1]} : vector<16xf32> to vector<1xf32>
      %squeeze3A_1263 = vector.extract %slice3A_1262[0] : f32 from vector<1xf32>
      %broadcast_in_dim3A_1264 = vector.broadcast %squeeze3A_1263 : f32 to vector<16xf32>
      %slice3A_1265 = vector.extract_strided_slice %get3A_217 {offsets = [14], sizes = [1], strides = [1]} : vector<16xf32> to vector<1xf32>
      %squeeze3A_1266 = vector.extract %slice3A_1265[0] : f32 from vector<1xf32>
      %broadcast_in_dim3A_1267 = vector.broadcast %squeeze3A_1266 : f32 to vector<16xf32>
      %slice3A_1268 = vector.extract_strided_slice %get3A_202 {offsets = [15], sizes = [1], strides = [1]} : vector<16xf32> to vector<1xf32>
      %squeeze3A_1269 = vector.extract %slice3A_1268[0] : f32 from vector<1xf32>
      %slice3A_1270 = vector.extract_strided_slice %get3A_205 {offsets = [15], sizes = [1], strides = [1]} : vector<16xf32> to vector<1xf32>
      %squeeze3A_1271 = vector.extract %slice3A_1270[0] : f32 from vector<1xf32>
      %slice3A_1272 = vector.extract_strided_slice %get3A_208 {offsets = [15], sizes = [1], strides = [1]} : vector<16xf32> to vector<1xf32>
      %squeeze3A_1273 = vector.extract %slice3A_1272[0] : f32 from vector<1xf32>
      %mul3A_1274 = arith.mulf %squeeze3A_1269, %squeeze3A_1269 : f32
      %mul3A_1275 = arith.mulf %squeeze3A_1271, %squeeze3A_1271 : f32
      %add3A_1276 = arith.addf %mul3A_1274, %mul3A_1275 : f32
      %mul3A_1277 = arith.mulf %squeeze3A_1273, %squeeze3A_1273 : f32
      %add3A_1278 = arith.addf %add3A_1276, %mul3A_1277 : f32
      %broadcast_in_dim3A_1279 = vector.broadcast %add3A_1278 : f32 to vector<16xf32>
      %slice3A_1280 = vector.extract_strided_slice %get3A_211 {offsets = [15], sizes = [1], strides = [1]} : vector<16xf32> to vector<1xf32>
      %squeeze3A_1281 = vector.extract %slice3A_1280[0] : f32 from vector<1xf32>
      %broadcast_in_dim3A_1282 = vector.broadcast %squeeze3A_1281 : f32 to vector<16xf32>
      %slice3A_1283 = vector.extract_strided_slice %get3A_214 {offsets = [15], sizes = [1], strides = [1]} : vector<16xf32> to vector<1xf32>
      %squeeze3A_1284 = vector.extract %slice3A_1283[0] : f32 from vector<1xf32>
      %broadcast_in_dim3A_1285 = vector.broadcast %squeeze3A_1284 : f32 to vector<16xf32>
      %slice3A_1286 = vector.extract_strided_slice %get3A_217 {offsets = [15], sizes = [1], strides = [1]} : vector<16xf32> to vector<1xf32>
      %squeeze3A_1287 = vector.extract %slice3A_1286[0] : f32 from vector<1xf32>
      %broadcast_in_dim3A_1288 = vector.broadcast %squeeze3A_1287 : f32 to vector<16xf32>
      %broadcast_in_dim3A_1289 = arith.constant 3.000000e+38 : f32
      %broadcast_in_dim3A_1290 = vector.broadcast %broadcast_in_dim3A_1289 : f32 to vector<16xf32>
      %broadcast_in_dim3A_1291 = arith.constant 3.000000e+38 : f32
      %broadcast_in_dim3A_1292 = vector.broadcast %broadcast_in_dim3A_1291 : f32 to vector<16xf32>
      %broadcast_in_dim3A_1293 = arith.constant 3.000000e+38 : f32
      %broadcast_in_dim3A_1294 = vector.broadcast %broadcast_in_dim3A_1293 : f32 to vector<16xf32>
      %broadcast_in_dim3A_1295 = arith.constant 3.000000e+38 : f32
      %broadcast_in_dim3A_1296 = vector.broadcast %broadcast_in_dim3A_1295 : f32 to vector<16xf32>
      %scan3A_1297 = arith.constant 0 : i32
      %scan3A_1298 = arith.constant 256 : i32
      %scan3A_1299 = arith.addi %scan3A_1297, %scan3A_1298 : i32
      %scan3A_1300 = arith.constant 1 : i32
      %scan3A_1301:4 = scf.for %scan3A_1535 = %scan3A_1297 to %scan3A_1299 step %scan3A_1300 iter_args(%scan3A_1536 = %broadcast_in_dim3A_1290, %scan3A_1537 = %broadcast_in_dim3A_1292, %scan3A_1538 = %broadcast_in_dim3A_1294, %scan3A_1539 = %broadcast_in_dim3A_1296) -> (vector<16xf32>, vector<16xf32>, vector<16xf32>, vector<16xf32>)  : i32 {
        %mul3A_1540 = arith.constant 16 : i32
        %mul3A_1541 = arith.muli %scan3A_1535, %mul3A_1540 : i32
        %get3A_1542 = arith.index_cast %mul3A_1541 : i32 to index
        %get3A_1543 = tpu.vector_load %arg16[%get3A_1542] {strides = array<i32>} : memref<4096xf32, #tpu.memory_space<vmem>>, vector<16xf32>,
        %get3A_1544 = vector.shape_cast %get3A_1543 : vector<16xf32> to vector<16xf32>
        %get3A_1545 = arith.index_cast %mul3A_1541 : i32 to index
        %get3A_1546 = tpu.vector_load %arg17[%get3A_1545] {strides = array<i32>} : memref<4096xf32, #tpu.memory_space<vmem>>, vector<16xf32>,
        %get3A_1547 = vector.shape_cast %get3A_1546 : vector<16xf32> to vector<16xf32>
        %get3A_1548 = arith.index_cast %mul3A_1541 : i32 to index
        %get3A_1549 = tpu.vector_load %arg18[%get3A_1548] {strides = array<i32>} : memref<4096xf32, #tpu.memory_space<vmem>>, vector<16xf32>,
        %get3A_1550 = vector.shape_cast %get3A_1549 : vector<16xf32> to vector<16xf32>
        %get3A_1551 = arith.index_cast %mul3A_1541 : i32 to index
        %get3A_1552 = tpu.vector_load %arg19[%get3A_1551] {strides = array<i32>} : memref<4096xf32, #tpu.memory_space<vmem>>, vector<16xf32>,
        %get3A_1553 = vector.shape_cast %get3A_1552 : vector<16xf32> to vector<16xf32>
        %get3A_1554 = arith.index_cast %mul3A_1541 : i32 to index
        %get3A_1555 = tpu.vector_load %arg20[%get3A_1554] {strides = array<i32>} : memref<4096xf32, #tpu.memory_space<vmem>>, vector<16xf32>,
        %get3A_1556 = vector.shape_cast %get3A_1555 : vector<16xf32> to vector<16xf32>
        %mul3A_1557 = arith.mulf %broadcast_in_dim3A_1219, %get3A_1544 : vector<16xf32>
        %mul3A_1558 = arith.mulf %broadcast_in_dim3A_1222, %get3A_1547 : vector<16xf32>
        %add3A_1559 = arith.addf %mul3A_1557, %mul3A_1558 : vector<16xf32>
        %mul3A_1560 = arith.mulf %broadcast_in_dim3A_1225, %get3A_1550 : vector<16xf32>
        %add3A_1561 = arith.addf %add3A_1559, %mul3A_1560 : vector<16xf32>
        %add3A_1562 = arith.addf %broadcast_in_dim3A_1216, %get3A_1553 : vector<16xf32>
        %mul3A_1563 = arith.constant 2.000000e+00 : f32
        %mul3A_1564 = vector.broadcast %mul3A_1563 : f32 to vector<16xf32>
        %mul3A_1565 = arith.mulf %mul3A_1564, %add3A_1561 : vector<16xf32>
        %sub3A_1566 = arith.subf %add3A_1562, %mul3A_1565 : vector<16xf32>
        %min3A_1567 = arith.minimumf %scan3A_1536, %sub3A_1566 : vector<16xf32>
        %min3A_1568 = arith.minimumf %get3A_1556, %sub3A_1566 : vector<16xf32>
        %mul3A_1569 = arith.mulf %broadcast_in_dim3A_1240, %get3A_1544 : vector<16xf32>
        %mul3A_1570 = arith.mulf %broadcast_in_dim3A_1243, %get3A_1547 : vector<16xf32>
        %add3A_1571 = arith.addf %mul3A_1569, %mul3A_1570 : vector<16xf32>
        %mul3A_1572 = arith.mulf %broadcast_in_dim3A_1246, %get3A_1550 : vector<16xf32>
        %add3A_1573 = arith.addf %add3A_1571, %mul3A_1572 : vector<16xf32>
        %add3A_1574 = arith.addf %broadcast_in_dim3A_1237, %get3A_1553 : vector<16xf32>
        %mul3A_1575 = arith.constant 2.000000e+00 : f32
        %mul3A_1576 = vector.broadcast %mul3A_1575 : f32 to vector<16xf32>
        %mul3A_1577 = arith.mulf %mul3A_1576, %add3A_1573 : vector<16xf32>
        %sub3A_1578 = arith.subf %add3A_1574, %mul3A_1577 : vector<16xf32>
        %min3A_1579 = arith.minimumf %scan3A_1537, %sub3A_1578 : vector<16xf32>
        %min3A_1580 = arith.minimumf %min3A_1568, %sub3A_1578 : vector<16xf32>
        %mul3A_1581 = arith.mulf %broadcast_in_dim3A_1261, %get3A_1544 : vector<16xf32>
        %mul3A_1582 = arith.mulf %broadcast_in_dim3A_1264, %get3A_1547 : vector<16xf32>
        %add3A_1583 = arith.addf %mul3A_1581, %mul3A_1582 : vector<16xf32>
        %mul3A_1584 = arith.mulf %broadcast_in_dim3A_1267, %get3A_1550 : vector<16xf32>
        %add3A_1585 = arith.addf %add3A_1583, %mul3A_1584 : vector<16xf32>
        %add3A_1586 = arith.addf %broadcast_in_dim3A_1258, %get3A_1553 : vector<16xf32>
        %mul3A_1587 = arith.constant 2.000000e+00 : f32
        %mul3A_1588 = vector.broadcast %mul3A_1587 : f32 to vector<16xf32>
        %mul3A_1589 = arith.mulf %mul3A_1588, %add3A_1585 : vector<16xf32>
        %sub3A_1590 = arith.subf %add3A_1586, %mul3A_1589 : vector<16xf32>
        %min3A_1591 = arith.minimumf %scan3A_1538, %sub3A_1590 : vector<16xf32>
        %min3A_1592 = arith.minimumf %min3A_1580, %sub3A_1590 : vector<16xf32>
        %mul3A_1593 = arith.mulf %broadcast_in_dim3A_1282, %get3A_1544 : vector<16xf32>
        %mul3A_1594 = arith.mulf %broadcast_in_dim3A_1285, %get3A_1547 : vector<16xf32>
        %add3A_1595 = arith.addf %mul3A_1593, %mul3A_1594 : vector<16xf32>
        %mul3A_1596 = arith.mulf %broadcast_in_dim3A_1288, %get3A_1550 : vector<16xf32>
        %add3A_1597 = arith.addf %add3A_1595, %mul3A_1596 : vector<16xf32>
        %add3A_1598 = arith.addf %broadcast_in_dim3A_1279, %get3A_1553 : vector<16xf32>
        %mul3A_1599 = arith.constant 2.000000e+00 : f32
        %mul3A_1600 = vector.broadcast %mul3A_1599 : f32 to vector<16xf32>
        %mul3A_1601 = arith.mulf %mul3A_1600, %add3A_1597 : vector<16xf32>
        %sub3A_1602 = arith.subf %add3A_1598, %mul3A_1601 : vector<16xf32>
        %min3A_1603 = arith.minimumf %scan3A_1539, %sub3A_1602 : vector<16xf32>
        %min3A_1604 = arith.minimumf %min3A_1592, %sub3A_1602 : vector<16xf32>
        %swap3A_1605 = arith.index_cast %mul3A_1541 : i32 to index
        %swap3A_1606 = tpu.vector_load %arg20[%swap3A_1605] {strides = array<i32>} : memref<4096xf32, #tpu.memory_space<vmem>>, vector<16xf32>,
        %swap3A_1607 = vector.shape_cast %swap3A_1606 : vector<16xf32> to vector<16xf32>
        %swap3A_1608 = vector.shape_cast %min3A_1604 : vector<16xf32> to vector<16xf32>
        tpu.vector_store %arg20[%swap3A_1605], %swap3A_1608 {strides = array<i32>} : memref<4096xf32, #tpu.memory_space<vmem>>, vector<16xf32>,
        scf.yield %min3A_1567, %min3A_1579, %min3A_1591, %min3A_1603 : vector<16xf32>, vector<16xf32>, vector<16xf32>, vector<16xf32>
      }
      %scan3A_1302 = arith.constant 256 : i32
      %swap3A_1303 = arith.constant 0 : index
      %swap3A_1304 = tpu.vector_load %arg22[%swap3A_1303] {strides = array<i32>} : memref<128xf32, #tpu.memory_space<vmem>>, vector<16xf32>,
      %swap3A_1305 = vector.shape_cast %swap3A_1304 : vector<16xf32> to vector<16xf32>
      %swap3A_1306 = vector.shape_cast %scan3A_1301#0 : vector<16xf32> to vector<16xf32>
      tpu.vector_store %arg22[%swap3A_1303], %swap3A_1306 {strides = array<i32>} : memref<128xf32, #tpu.memory_space<vmem>>, vector<16xf32>,
      %swap3A_1307 = arith.constant 32 : index
      %swap3A_1308 = tpu.vector_load %arg22[%swap3A_1307] {strides = array<i32>} : memref<128xf32, #tpu.memory_space<vmem>>, vector<16xf32>,
      %swap3A_1309 = vector.shape_cast %swap3A_1308 : vector<16xf32> to vector<16xf32>
      %swap3A_1310 = vector.shape_cast %scan3A_1301#1 : vector<16xf32> to vector<16xf32>
      tpu.vector_store %arg22[%swap3A_1307], %swap3A_1310 {strides = array<i32>} : memref<128xf32, #tpu.memory_space<vmem>>, vector<16xf32>,
      %swap3A_1311 = arith.constant 64 : index
      %swap3A_1312 = tpu.vector_load %arg22[%swap3A_1311] {strides = array<i32>} : memref<128xf32, #tpu.memory_space<vmem>>, vector<16xf32>,
      %swap3A_1313 = vector.shape_cast %swap3A_1312 : vector<16xf32> to vector<16xf32>
      %swap3A_1314 = vector.shape_cast %scan3A_1301#2 : vector<16xf32> to vector<16xf32>
      tpu.vector_store %arg22[%swap3A_1311], %swap3A_1314 {strides = array<i32>} : memref<128xf32, #tpu.memory_space<vmem>>, vector<16xf32>,
      %swap3A_1315 = arith.constant 96 : index
      %swap3A_1316 = tpu.vector_load %arg22[%swap3A_1315] {strides = array<i32>} : memref<128xf32, #tpu.memory_space<vmem>>, vector<16xf32>,
      %swap3A_1317 = vector.shape_cast %swap3A_1316 : vector<16xf32> to vector<16xf32>
      %swap3A_1318 = vector.shape_cast %scan3A_1301#3 : vector<16xf32> to vector<16xf32>
      tpu.vector_store %arg22[%swap3A_1315], %swap3A_1318 {strides = array<i32>} : memref<128xf32, #tpu.memory_space<vmem>>, vector<16xf32>,
      %get3A_1319 = arith.constant 0 : index
      %get3A_1320 = tpu.vector_load %arg22[%get3A_1319] {strides = array<i32>} : memref<128xf32, #tpu.memory_space<vmem>>, vector<16xf32>,
      %get3A_1321 = vector.shape_cast %get3A_1320 : vector<16xf32> to vector<16xf32>
      %get3A_1322 = arith.constant 8 : index
      %get3A_1323 = tpu.vector_load %arg22[%get3A_1322] {strides = array<i32>} : memref<128xf32, #tpu.memory_space<vmem>>, vector<16xf32>,
      %get3A_1324 = vector.shape_cast %get3A_1323 : vector<16xf32> to vector<16xf32>
      %min3A_1325 = arith.minimumf %get3A_1321, %get3A_1324 : vector<16xf32>
      %get3A_1326 = arith.constant 32 : index
      %get3A_1327 = tpu.vector_load %arg22[%get3A_1326] {strides = array<i32>} : memref<128xf32, #tpu.memory_space<vmem>>, vector<16xf32>,
      %get3A_1328 = vector.shape_cast %get3A_1327 : vector<16xf32> to vector<16xf32>
      %get3A_1329 = arith.constant 40 : index
      %get3A_1330 = tpu.vector_load %arg22[%get3A_1329] {strides = array<i32>} : memref<128xf32, #tpu.memory_space<vmem>>, vector<16xf32>,
      %get3A_1331 = vector.shape_cast %get3A_1330 : vector<16xf32> to vector<16xf32>
      %min3A_1332 = arith.minimumf %get3A_1328, %get3A_1331 : vector<16xf32>
      %get3A_1333 = arith.constant 64 : index
      %get3A_1334 = tpu.vector_load %arg22[%get3A_1333] {strides = array<i32>} : memref<128xf32, #tpu.memory_space<vmem>>, vector<16xf32>,
      %get3A_1335 = vector.shape_cast %get3A_1334 : vector<16xf32> to vector<16xf32>
      %get3A_1336 = arith.constant 72 : index
      %get3A_1337 = tpu.vector_load %arg22[%get3A_1336] {strides = array<i32>} : memref<128xf32, #tpu.memory_space<vmem>>, vector<16xf32>,
      %get3A_1338 = vector.shape_cast %get3A_1337 : vector<16xf32> to vector<16xf32>
      %min3A_1339 = arith.minimumf %get3A_1335, %get3A_1338 : vector<16xf32>
      %get3A_1340 = arith.constant 96 : index
      %get3A_1341 = tpu.vector_load %arg22[%get3A_1340] {strides = array<i32>} : memref<128xf32, #tpu.memory_space<vmem>>, vector<16xf32>,
      %get3A_1342 = vector.shape_cast %get3A_1341 : vector<16xf32> to vector<16xf32>
      %get3A_1343 = arith.constant 104 : index
      %get3A_1344 = tpu.vector_load %arg22[%get3A_1343] {strides = array<i32>} : memref<128xf32, #tpu.memory_space<vmem>>, vector<16xf32>,
      %get3A_1345 = vector.shape_cast %get3A_1344 : vector<16xf32> to vector<16xf32>
      %min3A_1346 = arith.minimumf %get3A_1342, %get3A_1345 : vector<16xf32>
      %swap3A_1347 = arith.constant 0 : index
      %swap3A_1348 = tpu.vector_load %arg22[%swap3A_1347] {strides = array<i32>} : memref<128xf32, #tpu.memory_space<vmem>>, vector<16xf32>,
      %swap3A_1349 = vector.shape_cast %swap3A_1348 : vector<16xf32> to vector<16xf32>
      %swap3A_1350 = vector.shape_cast %min3A_1325 : vector<16xf32> to vector<16xf32>
      tpu.vector_store %arg22[%swap3A_1347], %swap3A_1350 {strides = array<i32>} : memref<128xf32, #tpu.memory_space<vmem>>, vector<16xf32>,
      %swap3A_1351 = arith.constant 32 : index
      %swap3A_1352 = tpu.vector_load %arg22[%swap3A_1351] {strides = array<i32>} : memref<128xf32, #tpu.memory_space<vmem>>, vector<16xf32>,
      %swap3A_1353 = vector.shape_cast %swap3A_1352 : vector<16xf32> to vector<16xf32>
      %swap3A_1354 = vector.shape_cast %min3A_1332 : vector<16xf32> to vector<16xf32>
      tpu.vector_store %arg22[%swap3A_1351], %swap3A_1354 {strides = array<i32>} : memref<128xf32, #tpu.memory_space<vmem>>, vector<16xf32>,
      %swap3A_1355 = arith.constant 64 : index
      %swap3A_1356 = tpu.vector_load %arg22[%swap3A_1355] {strides = array<i32>} : memref<128xf32, #tpu.memory_space<vmem>>, vector<16xf32>,
      %swap3A_1357 = vector.shape_cast %swap3A_1356 : vector<16xf32> to vector<16xf32>
      %swap3A_1358 = vector.shape_cast %min3A_1339 : vector<16xf32> to vector<16xf32>
      tpu.vector_store %arg22[%swap3A_1355], %swap3A_1358 {strides = array<i32>} : memref<128xf32, #tpu.memory_space<vmem>>, vector<16xf32>,
      %swap3A_1359 = arith.constant 96 : index
      %swap3A_1360 = tpu.vector_load %arg22[%swap3A_1359] {strides = array<i32>} : memref<128xf32, #tpu.memory_space<vmem>>, vector<16xf32>,
      %swap3A_1361 = vector.shape_cast %swap3A_1360 : vector<16xf32> to vector<16xf32>
      %swap3A_1362 = vector.shape_cast %min3A_1346 : vector<16xf32> to vector<16xf32>
      tpu.vector_store %arg22[%swap3A_1359], %swap3A_1362 {strides = array<i32>} : memref<128xf32, #tpu.memory_space<vmem>>, vector<16xf32>,
      %get3A_1363 = arith.constant 0 : index
      %get3A_1364 = tpu.vector_load %arg22[%get3A_1363] {strides = array<i32>} : memref<128xf32, #tpu.memory_space<vmem>>, vector<16xf32>,
      %get3A_1365 = vector.shape_cast %get3A_1364 : vector<16xf32> to vector<16xf32>
      %get3A_1366 = arith.constant 4 : index
      %get3A_1367 = tpu.vector_load %arg22[%get3A_1366] {strides = array<i32>} : memref<128xf32, #tpu.memory_space<vmem>>, vector<16xf32>,
      %get3A_1368 = vector.shape_cast %get3A_1367 : vector<16xf32> to vector<16xf32>
      %min3A_1369 = arith.minimumf %get3A_1365, %get3A_1368 : vector<16xf32>
      %get3A_1370 = arith.constant 32 : index
      %get3A_1371 = tpu.vector_load %arg22[%get3A_1370] {strides = array<i32>} : memref<128xf32, #tpu.memory_space<vmem>>, vector<16xf32>,
      %get3A_1372 = vector.shape_cast %get3A_1371 : vector<16xf32> to vector<16xf32>
      %get3A_1373 = arith.constant 36 : index
      %get3A_1374 = tpu.vector_load %arg22[%get3A_1373] {strides = array<i32>} : memref<128xf32, #tpu.memory_space<vmem>>, vector<16xf32>,
      %get3A_1375 = vector.shape_cast %get3A_1374 : vector<16xf32> to vector<16xf32>
      %min3A_1376 = arith.minimumf %get3A_1372, %get3A_1375 : vector<16xf32>
      %get3A_1377 = arith.constant 64 : index
      %get3A_1378 = tpu.vector_load %arg22[%get3A_1377] {strides = array<i32>} : memref<128xf32, #tpu.memory_space<vmem>>, vector<16xf32>,
      %get3A_1379 = vector.shape_cast %get3A_1378 : vector<16xf32> to vector<16xf32>
      %get3A_1380 = arith.constant 68 : index
      %get3A_1381 = tpu.vector_load %arg22[%get3A_1380] {strides = array<i32>} : memref<128xf32, #tpu.memory_space<vmem>>, vector<16xf32>,
      %get3A_1382 = vector.shape_cast %get3A_1381 : vector<16xf32> to vector<16xf32>
      %min3A_1383 = arith.minimumf %get3A_1379, %get3A_1382 : vector<16xf32>
      %get3A_1384 = arith.constant 96 : index
      %get3A_1385 = tpu.vector_load %arg22[%get3A_1384] {strides = array<i32>} : memref<128xf32, #tpu.memory_space<vmem>>, vector<16xf32>,
      %get3A_1386 = vector.shape_cast %get3A_1385 : vector<16xf32> to vector<16xf32>
      %get3A_1387 = arith.constant 100 : index
      %get3A_1388 = tpu.vector_load %arg22[%get3A_1387] {strides = array<i32>} : memref<128xf32, #tpu.memory_space<vmem>>, vector<16xf32>,
      %get3A_1389 = vector.shape_cast %get3A_1388 : vector<16xf32> to vector<16xf32>
      %min3A_1390 = arith.minimumf %get3A_1386, %get3A_1389 : vector<16xf32>
      %swap3A_1391 = arith.constant 0 : index
      %swap3A_1392 = tpu.vector_load %arg22[%swap3A_1391] {strides = array<i32>} : memref<128xf32, #tpu.memory_space<vmem>>, vector<16xf32>,
      %swap3A_1393 = vector.shape_cast %swap3A_1392 : vector<16xf32> to vector<16xf32>
      %swap3A_1394 = vector.shape_cast %min3A_1369 : vector<16xf32> to vector<16xf32>
      tpu.vector_store %arg22[%swap3A_1391], %swap3A_1394 {strides = array<i32>} : memref<128xf32, #tpu.memory_space<vmem>>, vector<16xf32>,
      %swap3A_1395 = arith.constant 32 : index
      %swap3A_1396 = tpu.vector_load %arg22[%swap3A_1395] {strides = array<i32>} : memref<128xf32, #tpu.memory_space<vmem>>, vector<16xf32>,
      %swap3A_1397 = vector.shape_cast %swap3A_1396 : vector<16xf32> to vector<16xf32>
      %swap3A_1398 = vector.shape_cast %min3A_1376 : vector<16xf32> to vector<16xf32>
      tpu.vector_store %arg22[%swap3A_1395], %swap3A_1398 {strides = array<i32>} : memref<128xf32, #tpu.memory_space<vmem>>, vector<16xf32>,
      %swap3A_1399 = arith.constant 64 : index
      %swap3A_1400 = tpu.vector_load %arg22[%swap3A_1399] {strides = array<i32>} : memref<128xf32, #tpu.memory_space<vmem>>, vector<16xf32>,
      %swap3A_1401 = vector.shape_cast %swap3A_1400 : vector<16xf32> to vector<16xf32>
      %swap3A_1402 = vector.shape_cast %min3A_1383 : vector<16xf32> to vector<16xf32>
      tpu.vector_store %arg22[%swap3A_1399], %swap3A_1402 {strides = array<i32>} : memref<128xf32, #tpu.memory_space<vmem>>, vector<16xf32>,
      %swap3A_1403 = arith.constant 96 : index
      %swap3A_1404 = tpu.vector_load %arg22[%swap3A_1403] {strides = array<i32>} : memref<128xf32, #tpu.memory_space<vmem>>, vector<16xf32>,
      %swap3A_1405 = vector.shape_cast %swap3A_1404 : vector<16xf32> to vector<16xf32>
      %swap3A_1406 = vector.shape_cast %min3A_1390 : vector<16xf32> to vector<16xf32>
      tpu.vector_store %arg22[%swap3A_1403], %swap3A_1406 {strides = array<i32>} : memref<128xf32, #tpu.memory_space<vmem>>, vector<16xf32>,
      %get3A_1407 = arith.constant 0 : index
      %get3A_1408 = tpu.vector_load %arg22[%get3A_1407] {strides = array<i32>} : memref<128xf32, #tpu.memory_space<vmem>>, vector<16xf32>,
      %get3A_1409 = vector.shape_cast %get3A_1408 : vector<16xf32> to vector<16xf32>
      %get3A_1410 = arith.constant 2 : index
      %get3A_1411 = tpu.vector_load %arg22[%get3A_1410] {strides = array<i32>} : memref<128xf32, #tpu.memory_space<vmem>>, vector<16xf32>,
      %get3A_1412 = vector.shape_cast %get3A_1411 : vector<16xf32> to vector<16xf32>
      %min3A_1413 = arith.minimumf %get3A_1409, %get3A_1412 : vector<16xf32>
      %get3A_1414 = arith.constant 32 : index
      %get3A_1415 = tpu.vector_load %arg22[%get3A_1414] {strides = array<i32>} : memref<128xf32, #tpu.memory_space<vmem>>, vector<16xf32>,
      %get3A_1416 = vector.shape_cast %get3A_1415 : vector<16xf32> to vector<16xf32>
      %get3A_1417 = arith.constant 34 : index
      %get3A_1418 = tpu.vector_load %arg22[%get3A_1417] {strides = array<i32>} : memref<128xf32, #tpu.memory_space<vmem>>, vector<16xf32>,
      %get3A_1419 = vector.shape_cast %get3A_1418 : vector<16xf32> to vector<16xf32>
      %min3A_1420 = arith.minimumf %get3A_1416, %get3A_1419 : vector<16xf32>
      %get3A_1421 = arith.constant 64 : index
      %get3A_1422 = tpu.vector_load %arg22[%get3A_1421] {strides = array<i32>} : memref<128xf32, #tpu.memory_space<vmem>>, vector<16xf32>,
      %get3A_1423 = vector.shape_cast %get3A_1422 : vector<16xf32> to vector<16xf32>
      %get3A_1424 = arith.constant 66 : index
      %get3A_1425 = tpu.vector_load %arg22[%get3A_1424] {strides = array<i32>} : memref<128xf32, #tpu.memory_space<vmem>>, vector<16xf32>,
      %get3A_1426 = vector.shape_cast %get3A_1425 : vector<16xf32> to vector<16xf32>
      %min3A_1427 = arith.minimumf %get3A_1423, %get3A_1426 : vector<16xf32>
      %get3A_1428 = arith.constant 96 : index
      %get3A_1429 = tpu.vector_load %arg22[%get3A_1428] {strides = array<i32>} : memref<128xf32, #tpu.memory_space<vmem>>, vector<16xf32>,
      %get3A_1430 = vector.shape_cast %get3A_1429 : vector<16xf32> to vector<16xf32>
      %get3A_1431 = arith.constant 98 : index
      %get3A_1432 = tpu.vector_load %arg22[%get3A_1431] {strides = array<i32>} : memref<128xf32, #tpu.memory_space<vmem>>, vector<16xf32>,
      %get3A_1433 = vector.shape_cast %get3A_1432 : vector<16xf32> to vector<16xf32>
      %min3A_1434 = arith.minimumf %get3A_1430, %get3A_1433 : vector<16xf32>
      %swap3A_1435 = arith.constant 0 : index
      %swap3A_1436 = tpu.vector_load %arg22[%swap3A_1435] {strides = array<i32>} : memref<128xf32, #tpu.memory_space<vmem>>, vector<16xf32>,
      %swap3A_1437 = vector.shape_cast %swap3A_1436 : vector<16xf32> to vector<16xf32>
      %swap3A_1438 = vector.shape_cast %min3A_1413 : vector<16xf32> to vector<16xf32>
      tpu.vector_store %arg22[%swap3A_1435], %swap3A_1438 {strides = array<i32>} : memref<128xf32, #tpu.memory_space<vmem>>, vector<16xf32>,
      %swap3A_1439 = arith.constant 32 : index
      %swap3A_1440 = tpu.vector_load %arg22[%swap3A_1439] {strides = array<i32>} : memref<128xf32, #tpu.memory_space<vmem>>, vector<16xf32>,
      %swap3A_1441 = vector.shape_cast %swap3A_1440 : vector<16xf32> to vector<16xf32>
      %swap3A_1442 = vector.shape_cast %min3A_1420 : vector<16xf32> to vector<16xf32>
      tpu.vector_store %arg22[%swap3A_1439], %swap3A_1442 {strides = array<i32>} : memref<128xf32, #tpu.memory_space<vmem>>, vector<16xf32>,
      %swap3A_1443 = arith.constant 64 : index
      %swap3A_1444 = tpu.vector_load %arg22[%swap3A_1443] {strides = array<i32>} : memref<128xf32, #tpu.memory_space<vmem>>, vector<16xf32>,
      %swap3A_1445 = vector.shape_cast %swap3A_1444 : vector<16xf32> to vector<16xf32>
      %swap3A_1446 = vector.shape_cast %min3A_1427 : vector<16xf32> to vector<16xf32>
      tpu.vector_store %arg22[%swap3A_1443], %swap3A_1446 {strides = array<i32>} : memref<128xf32, #tpu.memory_space<vmem>>, vector<16xf32>,
      %swap3A_1447 = arith.constant 96 : index
      %swap3A_1448 = tpu.vector_load %arg22[%swap3A_1447] {strides = array<i32>} : memref<128xf32, #tpu.memory_space<vmem>>, vector<16xf32>,
      %swap3A_1449 = vector.shape_cast %swap3A_1448 : vector<16xf32> to vector<16xf32>
      %swap3A_1450 = vector.shape_cast %min3A_1434 : vector<16xf32> to vector<16xf32>
      tpu.vector_store %arg22[%swap3A_1447], %swap3A_1450 {strides = array<i32>} : memref<128xf32, #tpu.memory_space<vmem>>, vector<16xf32>,
      %get3A_1451 = arith.constant 0 : index
      %get3A_1452 = tpu.vector_load %arg22[%get3A_1451] {strides = array<i32>} : memref<128xf32, #tpu.memory_space<vmem>>, vector<16xf32>,
      %get3A_1453 = vector.shape_cast %get3A_1452 : vector<16xf32> to vector<16xf32>
      %get3A_1454 = arith.constant 1 : index
      %get3A_1455 = tpu.vector_load %arg22[%get3A_1454] {strides = array<i32>} : memref<128xf32, #tpu.memory_space<vmem>>, vector<16xf32>,
      %get3A_1456 = vector.shape_cast %get3A_1455 : vector<16xf32> to vector<16xf32>
      %min3A_1457 = arith.minimumf %get3A_1453, %get3A_1456 : vector<16xf32>
      %get3A_1458 = arith.constant 32 : index
      %get3A_1459 = tpu.vector_load %arg22[%get3A_1458] {strides = array<i32>} : memref<128xf32, #tpu.memory_space<vmem>>, vector<16xf32>,
      %get3A_1460 = vector.shape_cast %get3A_1459 : vector<16xf32> to vector<16xf32>
      %get3A_1461 = arith.constant 33 : index
      %get3A_1462 = tpu.vector_load %arg22[%get3A_1461] {strides = array<i32>} : memref<128xf32, #tpu.memory_space<vmem>>, vector<16xf32>,
      %get3A_1463 = vector.shape_cast %get3A_1462 : vector<16xf32> to vector<16xf32>
      %min3A_1464 = arith.minimumf %get3A_1460, %get3A_1463 : vector<16xf32>
      %get3A_1465 = arith.constant 64 : index
      %get3A_1466 = tpu.vector_load %arg22[%get3A_1465] {strides = array<i32>} : memref<128xf32, #tpu.memory_space<vmem>>, vector<16xf32>,
      %get3A_1467 = vector.shape_cast %get3A_1466 : vector<16xf32> to vector<16xf32>
      %get3A_1468 = arith.constant 65 : index
      %get3A_1469 = tpu.vector_load %arg22[%get3A_1468] {strides = array<i32>} : memref<128xf32, #tpu.memory_space<vmem>>, vector<16xf32>,
      %get3A_1470 = vector.shape_cast %get3A_1469 : vector<16xf32> to vector<16xf32>
      %min3A_1471 = arith.minimumf %get3A_1467, %get3A_1470 : vector<16xf32>
      %get3A_1472 = arith.constant 96 : index
      %get3A_1473 = tpu.vector_load %arg22[%get3A_1472] {strides = array<i32>} : memref<128xf32, #tpu.memory_space<vmem>>, vector<16xf32>,
      %get3A_1474 = vector.shape_cast %get3A_1473 : vector<16xf32> to vector<16xf32>
      %get3A_1475 = arith.constant 97 : index
      %get3A_1476 = tpu.vector_load %arg22[%get3A_1475] {strides = array<i32>} : memref<128xf32, #tpu.memory_space<vmem>>, vector<16xf32>,
      %get3A_1477 = vector.shape_cast %get3A_1476 : vector<16xf32> to vector<16xf32>
      %min3A_1478 = arith.minimumf %get3A_1474, %get3A_1477 : vector<16xf32>
      %swap3A_1479 = arith.constant 0 : index
      %swap3A_1480 = tpu.vector_load %arg22[%swap3A_1479] {strides = array<i32>} : memref<128xf32, #tpu.memory_space<vmem>>, vector<16xf32>,
      %swap3A_1481 = vector.shape_cast %swap3A_1480 : vector<16xf32> to vector<16xf32>
      %swap3A_1482 = vector.shape_cast %min3A_1457 : vector<16xf32> to vector<16xf32>
      tpu.vector_store %arg22[%swap3A_1479], %swap3A_1482 {strides = array<i32>} : memref<128xf32, #tpu.memory_space<vmem>>, vector<16xf32>,
      %swap3A_1483 = arith.constant 32 : index
      %swap3A_1484 = tpu.vector_load %arg22[%swap3A_1483] {strides = array<i32>} : memref<128xf32, #tpu.memory_space<vmem>>, vector<16xf32>,
      %swap3A_1485 = vector.shape_cast %swap3A_1484 : vector<16xf32> to vector<16xf32>
      %swap3A_1486 = vector.shape_cast %min3A_1464 : vector<16xf32> to vector<16xf32>
      tpu.vector_store %arg22[%swap3A_1483], %swap3A_1486 {strides = array<i32>} : memref<128xf32, #tpu.memory_space<vmem>>, vector<16xf32>,
      %swap3A_1487 = arith.constant 64 : index
      %swap3A_1488 = tpu.vector_load %arg22[%swap3A_1487] {strides = array<i32>} : memref<128xf32, #tpu.memory_space<vmem>>, vector<16xf32>,
      %swap3A_1489 = vector.shape_cast %swap3A_1488 : vector<16xf32> to vector<16xf32>
      %swap3A_1490 = vector.shape_cast %min3A_1471 : vector<16xf32> to vector<16xf32>
      tpu.vector_store %arg22[%swap3A_1487], %swap3A_1490 {strides = array<i32>} : memref<128xf32, #tpu.memory_space<vmem>>, vector<16xf32>,
      %swap3A_1491 = arith.constant 96 : index
      %swap3A_1492 = tpu.vector_load %arg22[%swap3A_1491] {strides = array<i32>} : memref<128xf32, #tpu.memory_space<vmem>>, vector<16xf32>,
      %swap3A_1493 = vector.shape_cast %swap3A_1492 : vector<16xf32> to vector<16xf32>
      %swap3A_1494 = vector.shape_cast %min3A_1478 : vector<16xf32> to vector<16xf32>
      tpu.vector_store %arg22[%swap3A_1491], %swap3A_1494 {strides = array<i32>} : memref<128xf32, #tpu.memory_space<vmem>>, vector<16xf32>,
      %get3A_1495 = arith.constant 0 : index
      %get3A_1496 = tpu.vector_load %arg22[%get3A_1495] {strides = array<i32>} : memref<128xf32, #tpu.memory_space<vmem>>, vector<16xf32>,
      %get3A_1497 = vector.shape_cast %get3A_1496 : vector<16xf32> to vector<16xf32>
      %eq3A_1498 = arith.constant 0 : i32
      %eq3A_1499 = vector.broadcast %eq3A_1498 : i32 to vector<16xi32>
      %eq3A_1500 = arith.cmpi eq, %iota3A, %eq3A_1499 : vector<16xi32>
      %jit3A_1501 = arith.constant 0.000000e+00 : f32
      %broadcast_in_dim3A_1502 = vector.broadcast %jit3A_1501 : f32 to vector<16xf32>
      %select_n3A_1503 = arith.select %eq3A_1500, %get3A_1497, %broadcast_in_dim3A_1502 : vector<16xi1>, vector<16xf32>
      %add3A_1504 = arith.addf %add3A_1204, %select_n3A_1503 : vector<16xf32>
      %get3A_1505 = arith.constant 32 : index
      %get3A_1506 = tpu.vector_load %arg22[%get3A_1505] {strides = array<i32>} : memref<128xf32, #tpu.memory_space<vmem>>, vector<16xf32>,
      %get3A_1507 = vector.shape_cast %get3A_1506 : vector<16xf32> to vector<16xf32>
      %eq3A_1508 = arith.constant 0 : i32
      %eq3A_1509 = vector.broadcast %eq3A_1508 : i32 to vector<16xi32>
      %eq3A_1510 = arith.cmpi eq, %iota3A, %eq3A_1509 : vector<16xi32>
      %jit3A_1511 = arith.constant 0.000000e+00 : f32
      %broadcast_in_dim3A_1512 = vector.broadcast %jit3A_1511 : f32 to vector<16xf32>
      %select_n3A_1513 = arith.select %eq3A_1510, %get3A_1507, %broadcast_in_dim3A_1512 : vector<16xi1>, vector<16xf32>
      %add3A_1514 = arith.addf %add3A_1504, %select_n3A_1513 : vector<16xf32>
      %get3A_1515 = arith.constant 64 : index
      %get3A_1516 = tpu.vector_load %arg22[%get3A_1515] {strides = array<i32>} : memref<128xf32, #tpu.memory_space<vmem>>, vector<16xf32>,
      %get3A_1517 = vector.shape_cast %get3A_1516 : vector<16xf32> to vector<16xf32>
      %eq3A_1518 = arith.constant 0 : i32
      %eq3A_1519 = vector.broadcast %eq3A_1518 : i32 to vector<16xi32>
      %eq3A_1520 = arith.cmpi eq, %iota3A, %eq3A_1519 : vector<16xi32>
      %jit3A_1521 = arith.constant 0.000000e+00 : f32
      %broadcast_in_dim3A_1522 = vector.broadcast %jit3A_1521 : f32 to vector<16xf32>
      %select_n3A_1523 = arith.select %eq3A_1520, %get3A_1517, %broadcast_in_dim3A_1522 : vector<16xi1>, vector<16xf32>
      %add3A_1524 = arith.addf %add3A_1514, %select_n3A_1523 : vector<16xf32>
      %get3A_1525 = arith.constant 96 : index
      %get3A_1526 = tpu.vector_load %arg22[%get3A_1525] {strides = array<i32>} : memref<128xf32, #tpu.memory_space<vmem>>, vector<16xf32>,
      %get3A_1527 = vector.shape_cast %get3A_1526 : vector<16xf32> to vector<16xf32>
      %eq3A_1528 = arith.constant 0 : i32
      %eq3A_1529 = vector.broadcast %eq3A_1528 : i32 to vector<16xi32>
      %eq3A_1530 = arith.cmpi eq, %iota3A, %eq3A_1529 : vector<16xi32>
      %jit3A_1531 = arith.constant 0.000000e+00 : f32
      %broadcast_in_dim3A_1532 = vector.broadcast %jit3A_1531 : f32 to vector<16xf32>
      %select_n3A_1533 = arith.select %eq3A_1530, %get3A_1527, %broadcast_in_dim3A_1532 : vector<16xi1>, vector<16xf32>
      %add3A_1534 = arith.addf %add3A_1524, %select_n3A_1533 : vector<16xf32>
      scf.yield %add3A_1534 : vector<16xf32>
    }
    %scan3A_90 = arith.constant 6 : i32
    %mul3A_91 = arith.constant 4096 : i32
    %mul3A_92 = arith.muli %arg1, %mul3A_91 : i32
    "tpu.region"() ({
      %run_scoped3A = tpu.sem_alloc : memref<!tpu.dma_semaphore, #tpu.memory_space<semaphore_mem>>
      %dma_start3A = tpu.memref_slice %arg24[%mul3A_92] : memref<65536xf32, #tpu.memory_space<vmem_shared>> -> memref<4096xf32, #tpu.memory_space<vmem_shared>>
      %dma_start3A_197 = tpu.memref_slice %arg24[%mul3A_92] : memref<65536xf32, #tpu.memory_space<vmem_shared>> -> memref<4096xf32, #tpu.memory_space<vmem_shared>>
      tpu.enqueue_dma source(%arg20 : memref<4096xf32, #tpu.memory_space<vmem>>) target(%dma_start3A_197 : memref<4096xf32, #tpu.memory_space<vmem_shared>>) target_semaphore(%run_scoped3A : memref<!tpu.dma_semaphore, #tpu.memory_space<semaphore_mem>>)
      %dma_wait3A = tpu.memref_slice %arg24[%mul3A_92] : memref<65536xf32, #tpu.memory_space<vmem_shared>> -> memref<4096xf32, #tpu.memory_space<vmem_shared>>
      %dma_wait3A_198 = tpu.memref_slice %arg24[%mul3A_92] : memref<65536xf32, #tpu.memory_space<vmem_shared>> -> memref<4096xf32, #tpu.memory_space<vmem_shared>>
      tpu.wait_dma2 semaphore(%run_scoped3A : memref<!tpu.dma_semaphore, #tpu.memory_space<semaphore_mem>>) src(%arg20 : memref<4096xf32, #tpu.memory_space<vmem>>) dst(%dma_wait3A_198 : memref<4096xf32, #tpu.memory_space<vmem_shared>>)
      tpu.yield
    }) : () -> ()
    %barrier3A = arith.constant 0 : index
    tpu.barrier barrier_id(%barrier3A)
    %jit3A_93 = arith.constant 8 : i32
    %div3A_94 = arith.divsi %arg1, %jit3A_93 : i32
    %sign3A_95 = arith.constant 0 : i32
    %sign3A_96 = arith.cmpi sgt, %arg1, %sign3A_95 : i32
    %sign3A_97 = arith.extui %sign3A_96 : i1 to i32
    %sign3A_98 = arith.constant 0 : i32
    %sign3A_99 = arith.cmpi slt, %arg1, %sign3A_98 : i32
    %sign3A_100 = arith.extui %sign3A_99 : i1 to i32
    %sign3A_101 = arith.subi %sign3A_97, %sign3A_100 : i32
    %sign3A_102 = arith.constant 0 : i32
    %sign3A_103 = arith.cmpi sgt, %jit3A_93, %sign3A_102 : i32
    %sign3A_104 = arith.extui %sign3A_103 : i1 to i32
    %sign3A_105 = arith.constant 0 : i32
    %sign3A_106 = arith.cmpi slt, %jit3A_93, %sign3A_105 : i32
    %sign3A_107 = arith.extui %sign3A_106 : i1 to i32
    %sign3A_108 = arith.subi %sign3A_104, %sign3A_107 : i32
    %ne3A_109 = arith.cmpi ne, %sign3A_101, %sign3A_108 : i32
    %rem3A_110 = arith.remsi %arg1, %jit3A_93 : i32
    %ne3A_111 = arith.constant 0 : i32
    %ne3A_112 = arith.cmpi ne, %rem3A_110, %ne3A_111 : i32
    %and3A_113 = arith.andi %ne3A_109, %ne3A_112 : i1
    %sub3A_114 = arith.constant 1 : i32
    %sub3A_115 = arith.subi %div3A_94, %sub3A_114 : i32
    %select_n3A_116 = arith.select %and3A_113, %sub3A_115, %div3A_94 : i32
    %mul3A_117 = arith.constant 8 : i32
    %mul3A_118 = arith.muli %select_n3A_116, %mul3A_117 : i32
    %jit3A_119 = arith.constant 8 : i32
    %eq3A_120 = arith.constant 0 : i32
    %eq3A_121 = arith.cmpi eq, %jit3A_119, %eq3A_120 : i32
    %jit3A_122 = arith.constant 1 : i32
    %select_n3A_123 = arith.select %eq3A_121, %jit3A_122, %jit3A_119 : i32
    %rem3A_124 = arith.remsi %arg1, %select_n3A_123 : i32
    %ne3A_125 = arith.constant 0 : i32
    %ne3A_126 = arith.cmpi ne, %rem3A_124, %ne3A_125 : i32
    %lt3A_127 = arith.constant 0 : i32
    %lt3A_128 = arith.cmpi slt, %rem3A_124, %lt3A_127 : i32
    %lt3A_129 = arith.constant 0 : i32
    %lt3A_130 = arith.cmpi slt, %select_n3A_123, %lt3A_129 : i32
    %ne3A_131 = arith.xori %lt3A_128, %lt3A_130 : i1
    %and3A_132 = arith.andi %ne3A_131, %ne3A_126 : i1
    %add3A_133 = arith.addi %rem3A_124, %select_n3A_123 : i32
    %select_n3A_134 = arith.select %and3A_132, %add3A_133, %rem3A_124 : i32
    %mul3A_135 = arith.constant 512 : i32
    %mul3A_136 = arith.muli %select_n3A_134, %mul3A_135 : i32
    %add3A_137 = arith.constant 0 : i32
    %add3A_138 = arith.addi %mul3A_118, %add3A_137 : i32
    %mul3A_139 = arith.constant 4096 : i32
    %mul3A_140 = arith.muli %add3A_138, %mul3A_139 : i32
    %add3A_141 = arith.addi %mul3A_140, %mul3A_136 : i32
    "tpu.region"() ({
      %run_scoped3A = tpu.sem_alloc : memref<!tpu.dma_semaphore, #tpu.memory_space<semaphore_mem>>
      %dma_start3A = arith.constant 0 : i32
      %dma_start3A_197 = tpu.memref_slice %arg21[%dma_start3A] : memref<4096xf32, #tpu.memory_space<vmem>> -> memref<512xf32, #tpu.memory_space<vmem>>
      %dma_start3A_198 = tpu.memref_slice %arg24[%add3A_141] : memref<65536xf32, #tpu.memory_space<vmem_shared>> -> memref<512xf32, #tpu.memory_space<vmem_shared>>
      %dma_start3A_199 = arith.constant 0 : i32
      %dma_start3A_200 = tpu.memref_slice %arg21[%dma_start3A_199] : memref<4096xf32, #tpu.memory_space<vmem>> -> memref<512xf32, #tpu.memory_space<vmem>>
      %dma_start3A_201 = tpu.memref_slice %arg24[%add3A_141] : memref<65536xf32, #tpu.memory_space<vmem_shared>> -> memref<512xf32, #tpu.memory_space<vmem_shared>>
      tpu.enqueue_dma source(%dma_start3A_201 : memref<512xf32, #tpu.memory_space<vmem_shared>>) target(%dma_start3A_200 : memref<512xf32, #tpu.memory_space<vmem>>) target_semaphore(%run_scoped3A : memref<!tpu.dma_semaphore, #tpu.memory_space<semaphore_mem>>)
      %dma_wait3A = arith.constant 0 : i32
      %dma_wait3A_202 = tpu.memref_slice %arg21[%dma_wait3A] : memref<4096xf32, #tpu.memory_space<vmem>> -> memref<512xf32, #tpu.memory_space<vmem>>
      %dma_wait3A_203 = tpu.memref_slice %arg24[%add3A_141] : memref<65536xf32, #tpu.memory_space<vmem_shared>> -> memref<512xf32, #tpu.memory_space<vmem_shared>>
      %dma_wait3A_204 = arith.constant 0 : i32
      %dma_wait3A_205 = tpu.memref_slice %arg21[%dma_wait3A_204] : memref<4096xf32, #tpu.memory_space<vmem>> -> memref<512xf32, #tpu.memory_space<vmem>>
      %dma_wait3A_206 = tpu.memref_slice %arg24[%add3A_141] : memref<65536xf32, #tpu.memory_space<vmem_shared>> -> memref<512xf32, #tpu.memory_space<vmem_shared>>
      tpu.wait_dma2 semaphore(%run_scoped3A : memref<!tpu.dma_semaphore, #tpu.memory_space<semaphore_mem>>) src(%dma_wait3A_206 : memref<512xf32, #tpu.memory_space<vmem_shared>>) dst(%dma_wait3A_205 : memref<512xf32, #tpu.memory_space<vmem>>)
      tpu.yield
    }) : () -> ()
    %add3A_142 = arith.constant 1 : i32
    %add3A_143 = arith.addi %mul3A_118, %add3A_142 : i32
    %mul3A_144 = arith.constant 4096 : i32
    %mul3A_145 = arith.muli %add3A_143, %mul3A_144 : i32
    %add3A_146 = arith.addi %mul3A_145, %mul3A_136 : i32
    "tpu.region"() ({
      %run_scoped3A = tpu.sem_alloc : memref<!tpu.dma_semaphore, #tpu.memory_space<semaphore_mem>>
      %dma_start3A = arith.constant 512 : i32
      %dma_start3A_197 = tpu.memref_slice %arg21[%dma_start3A] : memref<4096xf32, #tpu.memory_space<vmem>> -> memref<512xf32, #tpu.memory_space<vmem>>
      %dma_start3A_198 = tpu.memref_slice %arg24[%add3A_146] : memref<65536xf32, #tpu.memory_space<vmem_shared>> -> memref<512xf32, #tpu.memory_space<vmem_shared>>
      %dma_start3A_199 = arith.constant 512 : i32
      %dma_start3A_200 = tpu.memref_slice %arg21[%dma_start3A_199] : memref<4096xf32, #tpu.memory_space<vmem>> -> memref<512xf32, #tpu.memory_space<vmem>>
      %dma_start3A_201 = tpu.memref_slice %arg24[%add3A_146] : memref<65536xf32, #tpu.memory_space<vmem_shared>> -> memref<512xf32, #tpu.memory_space<vmem_shared>>
      tpu.enqueue_dma source(%dma_start3A_201 : memref<512xf32, #tpu.memory_space<vmem_shared>>) target(%dma_start3A_200 : memref<512xf32, #tpu.memory_space<vmem>>) target_semaphore(%run_scoped3A : memref<!tpu.dma_semaphore, #tpu.memory_space<semaphore_mem>>)
      %dma_wait3A = arith.constant 512 : i32
      %dma_wait3A_202 = tpu.memref_slice %arg21[%dma_wait3A] : memref<4096xf32, #tpu.memory_space<vmem>> -> memref<512xf32, #tpu.memory_space<vmem>>
      %dma_wait3A_203 = tpu.memref_slice %arg24[%add3A_146] : memref<65536xf32, #tpu.memory_space<vmem_shared>> -> memref<512xf32, #tpu.memory_space<vmem_shared>>
      %dma_wait3A_204 = arith.constant 512 : i32
      %dma_wait3A_205 = tpu.memref_slice %arg21[%dma_wait3A_204] : memref<4096xf32, #tpu.memory_space<vmem>> -> memref<512xf32, #tpu.memory_space<vmem>>
      %dma_wait3A_206 = tpu.memref_slice %arg24[%add3A_146] : memref<65536xf32, #tpu.memory_space<vmem_shared>> -> memref<512xf32, #tpu.memory_space<vmem_shared>>
      tpu.wait_dma2 semaphore(%run_scoped3A : memref<!tpu.dma_semaphore, #tpu.memory_space<semaphore_mem>>) src(%dma_wait3A_206 : memref<512xf32, #tpu.memory_space<vmem_shared>>) dst(%dma_wait3A_205 : memref<512xf32, #tpu.memory_space<vmem>>)
      tpu.yield
    }) : () -> ()
    %add3A_147 = arith.constant 2 : i32
    %add3A_148 = arith.addi %mul3A_118, %add3A_147 : i32
    %mul3A_149 = arith.constant 4096 : i32
    %mul3A_150 = arith.muli %add3A_148, %mul3A_149 : i32
    %add3A_151 = arith.addi %mul3A_150, %mul3A_136 : i32
    "tpu.region"() ({
      %run_scoped3A = tpu.sem_alloc : memref<!tpu.dma_semaphore, #tpu.memory_space<semaphore_mem>>
      %dma_start3A = arith.constant 1024 : i32
      %dma_start3A_197 = tpu.memref_slice %arg21[%dma_start3A] : memref<4096xf32, #tpu.memory_space<vmem>> -> memref<512xf32, #tpu.memory_space<vmem>>
      %dma_start3A_198 = tpu.memref_slice %arg24[%add3A_151] : memref<65536xf32, #tpu.memory_space<vmem_shared>> -> memref<512xf32, #tpu.memory_space<vmem_shared>>
      %dma_start3A_199 = arith.constant 1024 : i32
      %dma_start3A_200 = tpu.memref_slice %arg21[%dma_start3A_199] : memref<4096xf32, #tpu.memory_space<vmem>> -> memref<512xf32, #tpu.memory_space<vmem>>
      %dma_start3A_201 = tpu.memref_slice %arg24[%add3A_151] : memref<65536xf32, #tpu.memory_space<vmem_shared>> -> memref<512xf32, #tpu.memory_space<vmem_shared>>
      tpu.enqueue_dma source(%dma_start3A_201 : memref<512xf32, #tpu.memory_space<vmem_shared>>) target(%dma_start3A_200 : memref<512xf32, #tpu.memory_space<vmem>>) target_semaphore(%run_scoped3A : memref<!tpu.dma_semaphore, #tpu.memory_space<semaphore_mem>>)
      %dma_wait3A = arith.constant 1024 : i32
      %dma_wait3A_202 = tpu.memref_slice %arg21[%dma_wait3A] : memref<4096xf32, #tpu.memory_space<vmem>> -> memref<512xf32, #tpu.memory_space<vmem>>
      %dma_wait3A_203 = tpu.memref_slice %arg24[%add3A_151] : memref<65536xf32, #tpu.memory_space<vmem_shared>> -> memref<512xf32, #tpu.memory_space<vmem_shared>>
      %dma_wait3A_204 = arith.constant 1024 : i32
      %dma_wait3A_205 = tpu.memref_slice %arg21[%dma_wait3A_204] : memref<4096xf32, #tpu.memory_space<vmem>> -> memref<512xf32, #tpu.memory_space<vmem>>
      %dma_wait3A_206 = tpu.memref_slice %arg24[%add3A_151] : memref<65536xf32, #tpu.memory_space<vmem_shared>> -> memref<512xf32, #tpu.memory_space<vmem_shared>>
      tpu.wait_dma2 semaphore(%run_scoped3A : memref<!tpu.dma_semaphore, #tpu.memory_space<semaphore_mem>>) src(%dma_wait3A_206 : memref<512xf32, #tpu.memory_space<vmem_shared>>) dst(%dma_wait3A_205 : memref<512xf32, #tpu.memory_space<vmem>>)
      tpu.yield
    }) : () -> ()
    %add3A_152 = arith.constant 3 : i32
    %add3A_153 = arith.addi %mul3A_118, %add3A_152 : i32
    %mul3A_154 = arith.constant 4096 : i32
    %mul3A_155 = arith.muli %add3A_153, %mul3A_154 : i32
    %add3A_156 = arith.addi %mul3A_155, %mul3A_136 : i32
    "tpu.region"() ({
      %run_scoped3A = tpu.sem_alloc : memref<!tpu.dma_semaphore, #tpu.memory_space<semaphore_mem>>
      %dma_start3A = arith.constant 1536 : i32
      %dma_start3A_197 = tpu.memref_slice %arg21[%dma_start3A] : memref<4096xf32, #tpu.memory_space<vmem>> -> memref<512xf32, #tpu.memory_space<vmem>>
      %dma_start3A_198 = tpu.memref_slice %arg24[%add3A_156] : memref<65536xf32, #tpu.memory_space<vmem_shared>> -> memref<512xf32, #tpu.memory_space<vmem_shared>>
      %dma_start3A_199 = arith.constant 1536 : i32
      %dma_start3A_200 = tpu.memref_slice %arg21[%dma_start3A_199] : memref<4096xf32, #tpu.memory_space<vmem>> -> memref<512xf32, #tpu.memory_space<vmem>>
      %dma_start3A_201 = tpu.memref_slice %arg24[%add3A_156] : memref<65536xf32, #tpu.memory_space<vmem_shared>> -> memref<512xf32, #tpu.memory_space<vmem_shared>>
      tpu.enqueue_dma source(%dma_start3A_201 : memref<512xf32, #tpu.memory_space<vmem_shared>>) target(%dma_start3A_200 : memref<512xf32, #tpu.memory_space<vmem>>) target_semaphore(%run_scoped3A : memref<!tpu.dma_semaphore, #tpu.memory_space<semaphore_mem>>)
      %dma_wait3A = arith.constant 1536 : i32
      %dma_wait3A_202 = tpu.memref_slice %arg21[%dma_wait3A] : memref<4096xf32, #tpu.memory_space<vmem>> -> memref<512xf32, #tpu.memory_space<vmem>>
      %dma_wait3A_203 = tpu.memref_slice %arg24[%add3A_156] : memref<65536xf32, #tpu.memory_space<vmem_shared>> -> memref<512xf32, #tpu.memory_space<vmem_shared>>
      %dma_wait3A_204 = arith.constant 1536 : i32
      %dma_wait3A_205 = tpu.memref_slice %arg21[%dma_wait3A_204] : memref<4096xf32, #tpu.memory_space<vmem>> -> memref<512xf32, #tpu.memory_space<vmem>>
      %dma_wait3A_206 = tpu.memref_slice %arg24[%add3A_156] : memref<65536xf32, #tpu.memory_space<vmem_shared>> -> memref<512xf32, #tpu.memory_space<vmem_shared>>
      tpu.wait_dma2 semaphore(%run_scoped3A : memref<!tpu.dma_semaphore, #tpu.memory_space<semaphore_mem>>) src(%dma_wait3A_206 : memref<512xf32, #tpu.memory_space<vmem_shared>>) dst(%dma_wait3A_205 : memref<512xf32, #tpu.memory_space<vmem>>)
      tpu.yield
    }) : () -> ()
    %add3A_157 = arith.constant 4 : i32
    %add3A_158 = arith.addi %mul3A_118, %add3A_157 : i32
    %mul3A_159 = arith.constant 4096 : i32
    %mul3A_160 = arith.muli %add3A_158, %mul3A_159 : i32
    %add3A_161 = arith.addi %mul3A_160, %mul3A_136 : i32
    "tpu.region"() ({
      %run_scoped3A = tpu.sem_alloc : memref<!tpu.dma_semaphore, #tpu.memory_space<semaphore_mem>>
      %dma_start3A = arith.constant 2048 : i32
      %dma_start3A_197 = tpu.memref_slice %arg21[%dma_start3A] : memref<4096xf32, #tpu.memory_space<vmem>> -> memref<512xf32, #tpu.memory_space<vmem>>
      %dma_start3A_198 = tpu.memref_slice %arg24[%add3A_161] : memref<65536xf32, #tpu.memory_space<vmem_shared>> -> memref<512xf32, #tpu.memory_space<vmem_shared>>
      %dma_start3A_199 = arith.constant 2048 : i32
      %dma_start3A_200 = tpu.memref_slice %arg21[%dma_start3A_199] : memref<4096xf32, #tpu.memory_space<vmem>> -> memref<512xf32, #tpu.memory_space<vmem>>
      %dma_start3A_201 = tpu.memref_slice %arg24[%add3A_161] : memref<65536xf32, #tpu.memory_space<vmem_shared>> -> memref<512xf32, #tpu.memory_space<vmem_shared>>
      tpu.enqueue_dma source(%dma_start3A_201 : memref<512xf32, #tpu.memory_space<vmem_shared>>) target(%dma_start3A_200 : memref<512xf32, #tpu.memory_space<vmem>>) target_semaphore(%run_scoped3A : memref<!tpu.dma_semaphore, #tpu.memory_space<semaphore_mem>>)
      %dma_wait3A = arith.constant 2048 : i32
      %dma_wait3A_202 = tpu.memref_slice %arg21[%dma_wait3A] : memref<4096xf32, #tpu.memory_space<vmem>> -> memref<512xf32, #tpu.memory_space<vmem>>
      %dma_wait3A_203 = tpu.memref_slice %arg24[%add3A_161] : memref<65536xf32, #tpu.memory_space<vmem_shared>> -> memref<512xf32, #tpu.memory_space<vmem_shared>>
      %dma_wait3A_204 = arith.constant 2048 : i32
      %dma_wait3A_205 = tpu.memref_slice %arg21[%dma_wait3A_204] : memref<4096xf32, #tpu.memory_space<vmem>> -> memref<512xf32, #tpu.memory_space<vmem>>
      %dma_wait3A_206 = tpu.memref_slice %arg24[%add3A_161] : memref<65536xf32, #tpu.memory_space<vmem_shared>> -> memref<512xf32, #tpu.memory_space<vmem_shared>>
      tpu.wait_dma2 semaphore(%run_scoped3A : memref<!tpu.dma_semaphore, #tpu.memory_space<semaphore_mem>>) src(%dma_wait3A_206 : memref<512xf32, #tpu.memory_space<vmem_shared>>) dst(%dma_wait3A_205 : memref<512xf32, #tpu.memory_space<vmem>>)
      tpu.yield
    }) : () -> ()
    %add3A_162 = arith.constant 5 : i32
    %add3A_163 = arith.addi %mul3A_118, %add3A_162 : i32
    %mul3A_164 = arith.constant 4096 : i32
    %mul3A_165 = arith.muli %add3A_163, %mul3A_164 : i32
    %add3A_166 = arith.addi %mul3A_165, %mul3A_136 : i32
    "tpu.region"() ({
      %run_scoped3A = tpu.sem_alloc : memref<!tpu.dma_semaphore, #tpu.memory_space<semaphore_mem>>
      %dma_start3A = arith.constant 2560 : i32
      %dma_start3A_197 = tpu.memref_slice %arg21[%dma_start3A] : memref<4096xf32, #tpu.memory_space<vmem>> -> memref<512xf32, #tpu.memory_space<vmem>>
      %dma_start3A_198 = tpu.memref_slice %arg24[%add3A_166] : memref<65536xf32, #tpu.memory_space<vmem_shared>> -> memref<512xf32, #tpu.memory_space<vmem_shared>>
      %dma_start3A_199 = arith.constant 2560 : i32
      %dma_start3A_200 = tpu.memref_slice %arg21[%dma_start3A_199] : memref<4096xf32, #tpu.memory_space<vmem>> -> memref<512xf32, #tpu.memory_space<vmem>>
      %dma_start3A_201 = tpu.memref_slice %arg24[%add3A_166] : memref<65536xf32, #tpu.memory_space<vmem_shared>> -> memref<512xf32, #tpu.memory_space<vmem_shared>>
      tpu.enqueue_dma source(%dma_start3A_201 : memref<512xf32, #tpu.memory_space<vmem_shared>>) target(%dma_start3A_200 : memref<512xf32, #tpu.memory_space<vmem>>) target_semaphore(%run_scoped3A : memref<!tpu.dma_semaphore, #tpu.memory_space<semaphore_mem>>)
      %dma_wait3A = arith.constant 2560 : i32
      %dma_wait3A_202 = tpu.memref_slice %arg21[%dma_wait3A] : memref<4096xf32, #tpu.memory_space<vmem>> -> memref<512xf32, #tpu.memory_space<vmem>>
      %dma_wait3A_203 = tpu.memref_slice %arg24[%add3A_166] : memref<65536xf32, #tpu.memory_space<vmem_shared>> -> memref<512xf32, #tpu.memory_space<vmem_shared>>
      %dma_wait3A_204 = arith.constant 2560 : i32
      %dma_wait3A_205 = tpu.memref_slice %arg21[%dma_wait3A_204] : memref<4096xf32, #tpu.memory_space<vmem>> -> memref<512xf32, #tpu.memory_space<vmem>>
      %dma_wait3A_206 = tpu.memref_slice %arg24[%add3A_166] : memref<65536xf32, #tpu.memory_space<vmem_shared>> -> memref<512xf32, #tpu.memory_space<vmem_shared>>
      tpu.wait_dma2 semaphore(%run_scoped3A : memref<!tpu.dma_semaphore, #tpu.memory_space<semaphore_mem>>) src(%dma_wait3A_206 : memref<512xf32, #tpu.memory_space<vmem_shared>>) dst(%dma_wait3A_205 : memref<512xf32, #tpu.memory_space<vmem>>)
      tpu.yield
    }) : () -> ()
    %add3A_167 = arith.constant 6 : i32
    %add3A_168 = arith.addi %mul3A_118, %add3A_167 : i32
    %mul3A_169 = arith.constant 4096 : i32
    %mul3A_170 = arith.muli %add3A_168, %mul3A_169 : i32
    %add3A_171 = arith.addi %mul3A_170, %mul3A_136 : i32
    "tpu.region"() ({
      %run_scoped3A = tpu.sem_alloc : memref<!tpu.dma_semaphore, #tpu.memory_space<semaphore_mem>>
      %dma_start3A = arith.constant 3072 : i32
      %dma_start3A_197 = tpu.memref_slice %arg21[%dma_start3A] : memref<4096xf32, #tpu.memory_space<vmem>> -> memref<512xf32, #tpu.memory_space<vmem>>
      %dma_start3A_198 = tpu.memref_slice %arg24[%add3A_171] : memref<65536xf32, #tpu.memory_space<vmem_shared>> -> memref<512xf32, #tpu.memory_space<vmem_shared>>
      %dma_start3A_199 = arith.constant 3072 : i32
      %dma_start3A_200 = tpu.memref_slice %arg21[%dma_start3A_199] : memref<4096xf32, #tpu.memory_space<vmem>> -> memref<512xf32, #tpu.memory_space<vmem>>
      %dma_start3A_201 = tpu.memref_slice %arg24[%add3A_171] : memref<65536xf32, #tpu.memory_space<vmem_shared>> -> memref<512xf32, #tpu.memory_space<vmem_shared>>
      tpu.enqueue_dma source(%dma_start3A_201 : memref<512xf32, #tpu.memory_space<vmem_shared>>) target(%dma_start3A_200 : memref<512xf32, #tpu.memory_space<vmem>>) target_semaphore(%run_scoped3A : memref<!tpu.dma_semaphore, #tpu.memory_space<semaphore_mem>>)
      %dma_wait3A = arith.constant 3072 : i32
      %dma_wait3A_202 = tpu.memref_slice %arg21[%dma_wait3A] : memref<4096xf32, #tpu.memory_space<vmem>> -> memref<512xf32, #tpu.memory_space<vmem>>
      %dma_wait3A_203 = tpu.memref_slice %arg24[%add3A_171] : memref<65536xf32, #tpu.memory_space<vmem_shared>> -> memref<512xf32, #tpu.memory_space<vmem_shared>>
      %dma_wait3A_204 = arith.constant 3072 : i32
      %dma_wait3A_205 = tpu.memref_slice %arg21[%dma_wait3A_204] : memref<4096xf32, #tpu.memory_space<vmem>> -> memref<512xf32, #tpu.memory_space<vmem>>
      %dma_wait3A_206 = tpu.memref_slice %arg24[%add3A_171] : memref<65536xf32, #tpu.memory_space<vmem_shared>> -> memref<512xf32, #tpu.memory_space<vmem_shared>>
      tpu.wait_dma2 semaphore(%run_scoped3A : memref<!tpu.dma_semaphore, #tpu.memory_space<semaphore_mem>>) src(%dma_wait3A_206 : memref<512xf32, #tpu.memory_space<vmem_shared>>) dst(%dma_wait3A_205 : memref<512xf32, #tpu.memory_space<vmem>>)
      tpu.yield
    }) : () -> ()
    %add3A_172 = arith.constant 7 : i32
    %add3A_173 = arith.addi %mul3A_118, %add3A_172 : i32
    %mul3A_174 = arith.constant 4096 : i32
    %mul3A_175 = arith.muli %add3A_173, %mul3A_174 : i32
    %add3A_176 = arith.addi %mul3A_175, %mul3A_136 : i32
    "tpu.region"() ({
      %run_scoped3A = tpu.sem_alloc : memref<!tpu.dma_semaphore, #tpu.memory_space<semaphore_mem>>
      %dma_start3A = arith.constant 3584 : i32
      %dma_start3A_197 = tpu.memref_slice %arg21[%dma_start3A] : memref<4096xf32, #tpu.memory_space<vmem>> -> memref<512xf32, #tpu.memory_space<vmem>>
      %dma_start3A_198 = tpu.memref_slice %arg24[%add3A_176] : memref<65536xf32, #tpu.memory_space<vmem_shared>> -> memref<512xf32, #tpu.memory_space<vmem_shared>>
      %dma_start3A_199 = arith.constant 3584 : i32
      %dma_start3A_200 = tpu.memref_slice %arg21[%dma_start3A_199] : memref<4096xf32, #tpu.memory_space<vmem>> -> memref<512xf32, #tpu.memory_space<vmem>>
      %dma_start3A_201 = tpu.memref_slice %arg24[%add3A_176] : memref<65536xf32, #tpu.memory_space<vmem_shared>> -> memref<512xf32, #tpu.memory_space<vmem_shared>>
      tpu.enqueue_dma source(%dma_start3A_201 : memref<512xf32, #tpu.memory_space<vmem_shared>>) target(%dma_start3A_200 : memref<512xf32, #tpu.memory_space<vmem>>) target_semaphore(%run_scoped3A : memref<!tpu.dma_semaphore, #tpu.memory_space<semaphore_mem>>)
      %dma_wait3A = arith.constant 3584 : i32
      %dma_wait3A_202 = tpu.memref_slice %arg21[%dma_wait3A] : memref<4096xf32, #tpu.memory_space<vmem>> -> memref<512xf32, #tpu.memory_space<vmem>>
      %dma_wait3A_203 = tpu.memref_slice %arg24[%add3A_176] : memref<65536xf32, #tpu.memory_space<vmem_shared>> -> memref<512xf32, #tpu.memory_space<vmem_shared>>
      %dma_wait3A_204 = arith.constant 3584 : i32
      %dma_wait3A_205 = tpu.memref_slice %arg21[%dma_wait3A_204] : memref<4096xf32, #tpu.memory_space<vmem>> -> memref<512xf32, #tpu.memory_space<vmem>>
      %dma_wait3A_206 = tpu.memref_slice %arg24[%add3A_176] : memref<65536xf32, #tpu.memory_space<vmem_shared>> -> memref<512xf32, #tpu.memory_space<vmem_shared>>
      tpu.wait_dma2 semaphore(%run_scoped3A : memref<!tpu.dma_semaphore, #tpu.memory_space<semaphore_mem>>) src(%dma_wait3A_206 : memref<512xf32, #tpu.memory_space<vmem_shared>>) dst(%dma_wait3A_205 : memref<512xf32, #tpu.memory_space<vmem>>)
      tpu.yield
    }) : () -> ()
    %scan3A_177 = arith.constant 0 : i32
    %scan3A_178 = arith.constant 0 : i32
    %scan3A_179 = arith.constant 32 : i32
    %scan3A_180 = arith.addi %scan3A_178, %scan3A_179 : i32
    %scan3A_181 = arith.constant 1 : i32
    scf.for %scan3A_197 = %scan3A_178 to %scan3A_180 step %scan3A_181  : i32 {
      %mul3A_198 = arith.constant 16 : i32
      %mul3A_199 = arith.muli %scan3A_197, %mul3A_198 : i32
      %get3A = arith.index_cast %mul3A_199 : i32 to index
      %get3A_200 = tpu.vector_load %arg21[%get3A] {strides = array<i32>} : memref<4096xf32, #tpu.memory_space<vmem>>, vector<16xf32>,
      %get3A_201 = vector.shape_cast %get3A_200 : vector<16xf32> to vector<16xf32>
      %add3A_202 = arith.constant 512 : i32
      %add3A_203 = arith.addi %add3A_202, %mul3A_199 : i32
      %get3A_204 = arith.index_cast %add3A_203 : i32 to index
      %get3A_205 = tpu.vector_load %arg21[%get3A_204] {strides = array<i32>} : memref<4096xf32, #tpu.memory_space<vmem>>, vector<16xf32>,
      %get3A_206 = vector.shape_cast %get3A_205 : vector<16xf32> to vector<16xf32>
      %min3A = arith.minimumf %get3A_201, %get3A_206 : vector<16xf32>
      %add3A_207 = arith.constant 1024 : i32
      %add3A_208 = arith.addi %add3A_207, %mul3A_199 : i32
      %get3A_209 = arith.index_cast %add3A_208 : i32 to index
      %get3A_210 = tpu.vector_load %arg21[%get3A_209] {strides = array<i32>} : memref<4096xf32, #tpu.memory_space<vmem>>, vector<16xf32>,
      %get3A_211 = vector.shape_cast %get3A_210 : vector<16xf32> to vector<16xf32>
      %min3A_212 = arith.minimumf %min3A, %get3A_211 : vector<16xf32>
      %add3A_213 = arith.constant 1536 : i32
      %add3A_214 = arith.addi %add3A_213, %mul3A_199 : i32
      %get3A_215 = arith.index_cast %add3A_214 : i32 to index
      %get3A_216 = tpu.vector_load %arg21[%get3A_215] {strides = array<i32>} : memref<4096xf32, #tpu.memory_space<vmem>>, vector<16xf32>,
      %get3A_217 = vector.shape_cast %get3A_216 : vector<16xf32> to vector<16xf32>
      %min3A_218 = arith.minimumf %min3A_212, %get3A_217 : vector<16xf32>
      %add3A_219 = arith.constant 2048 : i32
      %add3A_220 = arith.addi %add3A_219, %mul3A_199 : i32
      %get3A_221 = arith.index_cast %add3A_220 : i32 to index
      %get3A_222 = tpu.vector_load %arg21[%get3A_221] {strides = array<i32>} : memref<4096xf32, #tpu.memory_space<vmem>>, vector<16xf32>,
      %get3A_223 = vector.shape_cast %get3A_222 : vector<16xf32> to vector<16xf32>
      %min3A_224 = arith.minimumf %min3A_218, %get3A_223 : vector<16xf32>
      %add3A_225 = arith.constant 2560 : i32
      %add3A_226 = arith.addi %add3A_225, %mul3A_199 : i32
      %get3A_227 = arith.index_cast %add3A_226 : i32 to index
      %get3A_228 = tpu.vector_load %arg21[%get3A_227] {strides = array<i32>} : memref<4096xf32, #tpu.memory_space<vmem>>, vector<16xf32>,
      %get3A_229 = vector.shape_cast %get3A_228 : vector<16xf32> to vector<16xf32>
      %min3A_230 = arith.minimumf %min3A_224, %get3A_229 : vector<16xf32>
      %add3A_231 = arith.constant 3072 : i32
      %add3A_232 = arith.addi %add3A_231, %mul3A_199 : i32
      %get3A_233 = arith.index_cast %add3A_232 : i32 to index
      %get3A_234 = tpu.vector_load %arg21[%get3A_233] {strides = array<i32>} : memref<4096xf32, #tpu.memory_space<vmem>>, vector<16xf32>,
      %get3A_235 = vector.shape_cast %get3A_234 : vector<16xf32> to vector<16xf32>
      %min3A_236 = arith.minimumf %min3A_230, %get3A_235 : vector<16xf32>
      %add3A_237 = arith.constant 3584 : i32
      %add3A_238 = arith.addi %add3A_237, %mul3A_199 : i32
      %get3A_239 = arith.index_cast %add3A_238 : i32 to index
      %get3A_240 = tpu.vector_load %arg21[%get3A_239] {strides = array<i32>} : memref<4096xf32, #tpu.memory_space<vmem>>, vector<16xf32>,
      %get3A_241 = vector.shape_cast %get3A_240 : vector<16xf32> to vector<16xf32>
      %min3A_242 = arith.minimumf %min3A_236, %get3A_241 : vector<16xf32>
      %swap3A_243 = arith.index_cast %mul3A_199 : i32 to index
      %swap3A_244 = tpu.vector_load %arg21[%swap3A_243] {strides = array<i32>} : memref<4096xf32, #tpu.memory_space<vmem>>, vector<16xf32>,
      %swap3A_245 = vector.shape_cast %swap3A_244 : vector<16xf32> to vector<16xf32>
      %swap3A_246 = vector.shape_cast %min3A_242 : vector<16xf32> to vector<16xf32>
      tpu.vector_store %arg21[%swap3A_243], %swap3A_246 {strides = array<i32>} : memref<4096xf32, #tpu.memory_space<vmem>>, vector<16xf32>,
    }
    %scan3A_182 = arith.constant 32 : i32
    %mul3A_183 = arith.constant 4096 : i32
    %mul3A_184 = arith.muli %add3A, %mul3A_183 : i32
    %add3A_185 = arith.addi %mul3A_184, %mul3A_136 : i32
    "tpu.region"() ({
      %run_scoped3A = tpu.sem_alloc : memref<!tpu.dma_semaphore, #tpu.memory_space<semaphore_mem>>
      %dma_start3A = arith.constant 0 : i32
      %dma_start3A_197 = tpu.memref_slice %arg21[%dma_start3A] : memref<4096xf32, #tpu.memory_space<vmem>> -> memref<512xf32, #tpu.memory_space<vmem>>
      %dma_start3A_198 = tpu.memref_slice %arg6[%add3A_185] : memref<16896xf32, #tpu.memory_space<hbm>> -> memref<512xf32, #tpu.memory_space<hbm>>
      %dma_start3A_199 = tpu.memref_slice %arg6[%add3A_185] : memref<16896xf32, #tpu.memory_space<hbm>> -> memref<512xf32, #tpu.memory_space<hbm>>
      %dma_start3A_200 = arith.constant 0 : i32
      %dma_start3A_201 = tpu.memref_slice %arg21[%dma_start3A_200] : memref<4096xf32, #tpu.memory_space<vmem>> -> memref<512xf32, #tpu.memory_space<vmem>>
      tpu.enqueue_dma source(%dma_start3A_201 : memref<512xf32, #tpu.memory_space<vmem>>) target(%dma_start3A_199 : memref<512xf32, #tpu.memory_space<hbm>>) target_semaphore(%run_scoped3A : memref<!tpu.dma_semaphore, #tpu.memory_space<semaphore_mem>>)
      %dma_wait3A = arith.constant 0 : i32
      %dma_wait3A_202 = tpu.memref_slice %arg21[%dma_wait3A] : memref<4096xf32, #tpu.memory_space<vmem>> -> memref<512xf32, #tpu.memory_space<vmem>>
      %dma_wait3A_203 = tpu.memref_slice %arg6[%add3A_185] : memref<16896xf32, #tpu.memory_space<hbm>> -> memref<512xf32, #tpu.memory_space<hbm>>
      %dma_wait3A_204 = tpu.memref_slice %arg6[%add3A_185] : memref<16896xf32, #tpu.memory_space<hbm>> -> memref<512xf32, #tpu.memory_space<hbm>>
      %dma_wait3A_205 = arith.constant 0 : i32
      %dma_wait3A_206 = tpu.memref_slice %arg21[%dma_wait3A_205] : memref<4096xf32, #tpu.memory_space<vmem>> -> memref<512xf32, #tpu.memory_space<vmem>>
      tpu.wait_dma2 semaphore(%run_scoped3A : memref<!tpu.dma_semaphore, #tpu.memory_space<semaphore_mem>>) src(%dma_wait3A_206 : memref<512xf32, #tpu.memory_space<vmem>>) dst(%dma_wait3A_204 : memref<512xf32, #tpu.memory_space<hbm>>)
      tpu.yield
    }) : () -> ()
    %swap3A_186 = arith.constant 0 : index
    %swap3A_187 = tpu.vector_load %arg23[%swap3A_186] {strides = array<i32>} : memref<16xf32, #tpu.memory_space<vmem>>, vector<16xf32>,
    %swap3A_188 = vector.shape_cast %swap3A_187 : vector<16xf32> to vector<16xf32>
    %swap3A_189 = vector.shape_cast %scan3A_89 : vector<16xf32> to vector<16xf32>
    tpu.vector_store %arg23[%swap3A_186], %swap3A_189 {strides = array<i32>} : memref<16xf32, #tpu.memory_space<vmem>>, vector<16xf32>,
    %mul3A_190 = arith.constant 16 : i32
    %mul3A_191 = arith.muli %arg0, %mul3A_190 : i32
    %add3A_192 = arith.addi %mul3A_191, %arg1 : i32
    %mul3A_193 = arith.constant 16 : i32
    %mul3A_194 = arith.muli %add3A_192, %mul3A_193 : i32
    %add3A_195 = arith.constant 16384 : i32
    %add3A_196 = arith.addi %add3A_195, %mul3A_194 : i32
    "tpu.region"() ({
      %run_scoped3A = tpu.sem_alloc : memref<!tpu.dma_semaphore, #tpu.memory_space<semaphore_mem>>
      %dma_start3A = tpu.memref_slice %arg6[%add3A_196] : memref<16896xf32, #tpu.memory_space<hbm>> -> memref<16xf32, #tpu.memory_space<hbm>>
      %dma_start3A_197 = tpu.memref_slice %arg6[%add3A_196] : memref<16896xf32, #tpu.memory_space<hbm>> -> memref<16xf32, #tpu.memory_space<hbm>>
      tpu.enqueue_dma source(%arg23 : memref<16xf32, #tpu.memory_space<vmem>>) target(%dma_start3A_197 : memref<16xf32, #tpu.memory_space<hbm>>) target_semaphore(%run_scoped3A : memref<!tpu.dma_semaphore, #tpu.memory_space<semaphore_mem>>)
      %dma_wait3A = tpu.memref_slice %arg6[%add3A_196] : memref<16896xf32, #tpu.memory_space<hbm>> -> memref<16xf32, #tpu.memory_space<hbm>>
      %dma_wait3A_198 = tpu.memref_slice %arg6[%add3A_196] : memref<16896xf32, #tpu.memory_space<hbm>> -> memref<16xf32, #tpu.memory_space<hbm>>
      tpu.wait_dma2 semaphore(%run_scoped3A : memref<!tpu.dma_semaphore, #tpu.memory_space<semaphore_mem>>) src(%arg23 : memref<16xf32, #tpu.memory_space<vmem>>) dst(%dma_wait3A_198 : memref<16xf32, #tpu.memory_space<hbm>>)
      tpu.yield
    }) : () -> ()
    return
  }
}

module attributes {stable_mosaic.version = 14 : i64} {
  func.func @_tc_body(%arg0: i32, %arg1: i32, %arg2: memref<1x256x3xf32, #tpu.memory_space<vmem>>, %arg3: memref<1x3x4096xf32, #tpu.memory_space<vmem>>, %arg4: memref<1x1xf32, #tpu.memory_space<smem>>, %arg5: memref<1x1x4096xf32, #tpu.memory_space<vmem>>) attributes {dimension_semantics = [#tpu.dimension_semantics<arbitrary>, #tpu.dimension_semantics<arbitrary>], iteration_bounds = array<i64: 4, 13>, scalar_prefetch = 0 : i64, scratch_operands = 0 : i64, tpu.core_type = #tpu.core_type<tc>, window_params = [{transform_indices = @transform_0, window_bounds = array<i64: 1, 256, 3>}, {transform_indices = @transform_1, window_bounds = array<i64: 1, 3, 4096>}, {transform_indices = @transform_2, window_bounds = array<i64: 1, 1>}, {transform_indices = @transform_3, window_bounds = array<i64: 1, 1, 4096>}]} {
    %get3A = arith.constant 0 : index
    %get3A_0 = arith.constant 0 : index
    %get3A_1 = arith.constant 0 : index
    %get3A_2 = vector.load %arg2[%get3A, %get3A_0, %get3A_1] : memref<1x256x3xf32, #tpu.memory_space<vmem>>, vector<1x256x3xf32>
    %get3A_3 = vector.shape_cast %get3A_2 : vector<1x256x3xf32> to vector<256x3xf32>
    %get3A_4 = arith.constant 0 : index
    %get3A_5 = arith.constant 0 : index
    %get3A_6 = arith.constant 0 : index
    %get3A_7 = vector.load %arg3[%get3A_4, %get3A_5, %get3A_6] : memref<1x3x4096xf32, #tpu.memory_space<vmem>>, vector<1x3x4096xf32>
    %get3A_8 = vector.shape_cast %get3A_7 : vector<1x3x4096xf32> to vector<3x4096xf32>
    %convert_element_type3A = arith.truncf %get3A_3 : vector<256x3xf32> to vector<256x3xbf16>
    %convert_element_type3A_9 = arith.truncf %get3A_8 : vector<3x4096xf32> to vector<3x4096xbf16>
    %dot_general3A = arith.constant dense<0.000000e+00> : vector<256x4096xf32>
    %dot_general3A_10 = tpu.matmul %convert_element_type3A, %convert_element_type3A_9, %dot_general3A {dimension_numbers = #tpu.dot_dimension_numbers<[1], [0], [0], [1], [0, 0, 1, 1], [], []>, transpose_lhs_hint = false} : vector<256x3xbf16>, vector<3x4096xbf16>, vector<256x4096xf32> -> vector<256x4096xf32>
    %slice3A = vector.extract_strided_slice %get3A_3 {offsets = [0, 0], sizes = [256, 1], strides = [1, 1]} : vector<256x3xf32> to vector<256x1xf32>
    %slice3A_11 = vector.extract_strided_slice %get3A_3 {offsets = [0, 0], sizes = [256, 1], strides = [1, 1]} : vector<256x3xf32> to vector<256x1xf32>
    %mul3A = arith.mulf %slice3A, %slice3A_11 : vector<256x1xf32>
    %slice3A_12 = vector.extract_strided_slice %get3A_3 {offsets = [0, 1], sizes = [256, 1], strides = [1, 1]} : vector<256x3xf32> to vector<256x1xf32>
    %slice3A_13 = vector.extract_strided_slice %get3A_3 {offsets = [0, 1], sizes = [256, 1], strides = [1, 1]} : vector<256x3xf32> to vector<256x1xf32>
    %mul3A_14 = arith.mulf %slice3A_12, %slice3A_13 : vector<256x1xf32>
    %add3A = arith.addf %mul3A, %mul3A_14 : vector<256x1xf32>
    %slice3A_15 = vector.extract_strided_slice %get3A_3 {offsets = [0, 2], sizes = [256, 1], strides = [1, 1]} : vector<256x3xf32> to vector<256x1xf32>
    %slice3A_16 = vector.extract_strided_slice %get3A_3 {offsets = [0, 2], sizes = [256, 1], strides = [1, 1]} : vector<256x3xf32> to vector<256x1xf32>
    %mul3A_17 = arith.mulf %slice3A_15, %slice3A_16 : vector<256x1xf32>
    %add3A_18 = arith.addf %add3A, %mul3A_17 : vector<256x1xf32>
    %slice3A_19 = vector.extract_strided_slice %get3A_8 {offsets = [0, 0], sizes = [1, 4096], strides = [1, 1]} : vector<3x4096xf32> to vector<1x4096xf32>
    %slice3A_20 = vector.extract_strided_slice %get3A_8 {offsets = [0, 0], sizes = [1, 4096], strides = [1, 1]} : vector<3x4096xf32> to vector<1x4096xf32>
    %mul3A_21 = arith.mulf %slice3A_19, %slice3A_20 : vector<1x4096xf32>
    %slice3A_22 = vector.extract_strided_slice %get3A_8 {offsets = [1, 0], sizes = [1, 4096], strides = [1, 1]} : vector<3x4096xf32> to vector<1x4096xf32>
    %slice3A_23 = vector.extract_strided_slice %get3A_8 {offsets = [1, 0], sizes = [1, 4096], strides = [1, 1]} : vector<3x4096xf32> to vector<1x4096xf32>
    %mul3A_24 = arith.mulf %slice3A_22, %slice3A_23 : vector<1x4096xf32>
    %add3A_25 = arith.addf %mul3A_21, %mul3A_24 : vector<1x4096xf32>
    %slice3A_26 = vector.extract_strided_slice %get3A_8 {offsets = [2, 0], sizes = [1, 4096], strides = [1, 1]} : vector<3x4096xf32> to vector<1x4096xf32>
    %slice3A_27 = vector.extract_strided_slice %get3A_8 {offsets = [2, 0], sizes = [1, 4096], strides = [1, 1]} : vector<3x4096xf32> to vector<1x4096xf32>
    %mul3A_28 = arith.mulf %slice3A_26, %slice3A_27 : vector<1x4096xf32>
    %add3A_29 = arith.addf %add3A_25, %mul3A_28 : vector<1x4096xf32>
    %mul3A_30 = arith.constant -2.000000e+00 : f32
    %mul3A_31 = vector.broadcast %mul3A_30 : f32 to vector<256x4096xf32>
    %mul3A_32 = arith.mulf %mul3A_31, %dot_general3A_10 : vector<256x4096xf32>
    %add3A_33 = vector.broadcast %add3A_18 : vector<256x1xf32> to vector<256x4096xf32>
    %add3A_34 = arith.addf %mul3A_32, %add3A_33 : vector<256x4096xf32>
    %add3A_35 = vector.broadcast %add3A_29 : vector<1x4096xf32> to vector<256x4096xf32>
    %add3A_36 = arith.addf %add3A_34, %add3A_35 : vector<256x4096xf32>
    %reduce_min3A = arith.constant dense<0x7F800000> : vector<256xf32>
    %reduce_min3A_37 = vector.multi_reduction <minimumf>, %add3A_36, %reduce_min3A [1] : vector<256x4096xf32> to vector<256xf32>
    %reduce_min3A_38 = arith.constant dense<0x7F800000> : vector<4096xf32>
    %reduce_min3A_39 = vector.multi_reduction <minimumf>, %add3A_36, %reduce_min3A_38 [0] : vector<256x4096xf32> to vector<4096xf32>
    %get3A_40 = arith.constant 0 : index
    %get3A_41 = arith.constant 0 : index
    %get3A_42 = arith.constant 0 : index
    %get3A_43 = vector.load %arg5[%get3A_40, %get3A_41, %get3A_42] : memref<1x1x4096xf32, #tpu.memory_space<vmem>>, vector<1x1x4096xf32>
    %get3A_44 = vector.shape_cast %get3A_43 : vector<1x1x4096xf32> to vector<4096xf32>
    %eq3A = arith.constant 0 : i32
    %eq3A_45 = arith.cmpi eq, %arg1, %eq3A : i32
    %min3A = arith.minimumf %get3A_44, %reduce_min3A_39 : vector<4096xf32>
    %select_n3A = arith.select %eq3A_45, %reduce_min3A_39, %min3A : vector<4096xf32>
    %swap3A = arith.constant 0 : index
    %swap3A_46 = arith.constant 0 : index
    %swap3A_47 = arith.constant 0 : index
    %swap3A_48 = vector.load %arg5[%swap3A, %swap3A_46, %swap3A_47] : memref<1x1x4096xf32, #tpu.memory_space<vmem>>, vector<1x1x4096xf32>
    %swap3A_49 = vector.shape_cast %swap3A_48 : vector<1x1x4096xf32> to vector<4096xf32>
    %swap3A_50 = vector.shape_cast %select_n3A : vector<4096xf32> to vector<1x1x4096xf32>
    tpu.vector_store %arg5[%swap3A, %swap3A_46, %swap3A_47], %swap3A_50 {strides = array<i32>} : memref<1x1x4096xf32, #tpu.memory_space<vmem>>, vector<1x1x4096xf32>,
    %eq3A_51 = arith.constant 0 : i32
    %eq3A_52 = arith.cmpi eq, %arg0, %eq3A_51 : i32
    %eq3A_53 = arith.constant 0 : i32
    %eq3A_54 = arith.cmpi eq, %arg1, %eq3A_53 : i32
    %and3A = arith.andi %eq3A_52, %eq3A_54 : i1
    %get3A_55 = arith.constant 0 : index
    %get3A_56 = arith.constant 0 : index
    %get3A_57 = memref.load %arg4[%get3A_55, %get3A_56] : memref<1x1xf32, #tpu.memory_space<smem>>
    %jit3A = arith.constant 0.000000e+00 : f32
    %select_n3A_58 = arith.select %and3A, %jit3A, %get3A_57 : f32
    %reduce_sum3A = vector.shape_cast %reduce_min3A_37 : vector<256xf32> to vector<1x256xf32>
    %reduce_sum3A_59 = arith.constant dense<0.000000e+00> : vector<1xf32>
    %reduce_sum3A_60 = vector.multi_reduction <add>, %reduce_sum3A, %reduce_sum3A_59 [1] : vector<1x256xf32> to vector<1xf32>
    %reduce_sum3A_61 = vector.shape_cast %reduce_sum3A_60 : vector<1xf32> to vector<1x1xf32>
    %reduce_sum3A_62 = vector.extract %reduce_sum3A_61[0, 0] : f32 from vector<1x1xf32>
    %add3A_63 = arith.addf %select_n3A_58, %reduce_sum3A_62 : f32
    %swap3A_64 = arith.constant 0 : index
    %swap3A_65 = arith.constant 0 : index
    %swap3A_66 = memref.load %arg4[%swap3A_64, %swap3A_65] : memref<1x1xf32, #tpu.memory_space<smem>>
    memref.store %add3A_63, %arg4[%swap3A_64, %swap3A_65] : memref<1x1xf32, #tpu.memory_space<smem>>
    return
  }
  func.func @transform_0(%arg0: i32, %arg1: i32) -> (i32, i32, i32) {
    %c0_i32 = arith.constant 0 : i32
    %c0_i32_0 = arith.constant 0 : i32
    return %arg0, %arg1, %c0_i32 : i32, i32, i32
  }
  func.func @transform_1(%arg0: i32, %arg1: i32) -> (i32, i32, i32) {
    %c0_i32 = arith.constant 0 : i32
    %c0_i32_0 = arith.constant 0 : i32
    %c0_i32_1 = arith.constant 0 : i32
    return %arg0, %c0_i32, %c0_i32_0 : i32, i32, i32
  }
  func.func @transform_2(%arg0: i32, %arg1: i32) -> (i32, i32) {
    %c0_i32 = arith.constant 0 : i32
    %c0_i32_0 = arith.constant 0 : i32
    %c0_i32_1 = arith.constant 0 : i32
    return %c0_i32, %c0_i32_0 : i32, i32
  }
  func.func @transform_3(%arg0: i32, %arg1: i32) -> (i32, i32, i32) {
    %c0_i32 = arith.constant 0 : i32
    %c0_i32_0 = arith.constant 0 : i32
    %c0_i32_1 = arith.constant 0 : i32
    return %arg0, %c0_i32, %c0_i32_0 : i32, i32, i32
  }
}

module attributes {stable_mosaic.version = 14 : i64} {
  func.func @_merge_body(%arg0: memref<4x1x4096xf32, #tpu.memory_space<vmem>>, %arg1: memref<4x4096xf32, #tpu.memory_space<vmem>>, %arg2: memref<512xf32, #tpu.memory_space<vmem>>, %arg3: memref<1x1xf32, #tpu.memory_space<smem>>) attributes {dimension_semantics = [], scalar_prefetch = 0 : i64, scratch_operands = 0 : i64, tpu.core_type = #tpu.core_type<tc>} {
    %get3A = arith.constant 0 : index
    %get3A_0 = arith.constant 0 : index
    %get3A_1 = arith.constant 0 : index
    %get3A_2 = vector.load %arg0[%get3A, %get3A_0, %get3A_1] : memref<4x1x4096xf32, #tpu.memory_space<vmem>>, vector<4x1x4096xf32>
    %get3A_3 = vector.shape_cast %get3A_2 : vector<4x1x4096xf32> to vector<4x4096xf32>
    %get3A_4 = arith.constant 0 : index
    %get3A_5 = arith.constant 0 : index
    %get3A_6 = vector.load %arg1[%get3A_4, %get3A_5] : memref<4x4096xf32, #tpu.memory_space<vmem>>, vector<4x4096xf32>
    %min3A = arith.minimumf %get3A_3, %get3A_6 : vector<4x4096xf32>
    %reduce_sum3A = vector.shape_cast %min3A : vector<4x4096xf32> to vector<1x4x4096xf32>
    %reduce_sum3A_7 = arith.constant dense<0.000000e+00> : vector<1xf32>
    %reduce_sum3A_8 = vector.multi_reduction <add>, %reduce_sum3A, %reduce_sum3A_7 [1, 2] : vector<1x4x4096xf32> to vector<1xf32>
    %reduce_sum3A_9 = vector.shape_cast %reduce_sum3A_8 : vector<1xf32> to vector<1x1x1xf32>
    %reduce_sum3A_10 = vector.extract %reduce_sum3A_9[0, 0, 0] : f32 from vector<1x1x1xf32>
    %get3A_11 = arith.constant 0 : index
    %get3A_12 = vector.load %arg2[%get3A_11] : memref<512xf32, #tpu.memory_space<vmem>>, vector<512xf32>
    %reduce_sum3A_13 = vector.shape_cast %get3A_12 : vector<512xf32> to vector<1x512xf32>
    %reduce_sum3A_14 = arith.constant dense<0.000000e+00> : vector<1xf32>
    %reduce_sum3A_15 = vector.multi_reduction <add>, %reduce_sum3A_13, %reduce_sum3A_14 [1] : vector<1x512xf32> to vector<1xf32>
    %reduce_sum3A_16 = vector.shape_cast %reduce_sum3A_15 : vector<1xf32> to vector<1x1xf32>
    %reduce_sum3A_17 = vector.extract %reduce_sum3A_16[0, 0] : f32 from vector<1x1xf32>
    %add3A = arith.addf %reduce_sum3A_10, %reduce_sum3A_17 : f32
    %swap3A = arith.constant 0 : index
    %swap3A_18 = arith.constant 0 : index
    %swap3A_19 = memref.load %arg3[%swap3A, %swap3A_18] : memref<1x1xf32, #tpu.memory_space<smem>>
    memref.store %add3A, %arg3[%swap3A, %swap3A_18] : memref<1x1xf32, #tpu.memory_space<smem>>
    return
  }
}

</mosaic_0001>

<sc_bundles>
// kernel: kernel.5.cloned.1.call-start
scs
__scs_entry_jumppad:
0x0: {  	(pc) =	sbr.rel $0x88, $3  }
0x1: {  	(tag) =	ssettag $0x0;
	lr =	simm.s32 $0x1  }
0x2: {  	[smem:$0x3F9F] =	sst lr;
	_ =	strace $0xD0000000  }
0x3: {  	_ = 	snop  }
0x4: {  	_ = 	snop  }
0x5: {  	_ = 	snop  }
0x6: {  	_ = 	snop  }
0x7: {  	_ = 	snop  }
__scs_overlays_trampoline_lowered:
0x8: {  	[smem:$0x3FAE] =	sst s0  }
0x9: {  	[smem:$0x3FAF] =	sst s1  }
0xa: {  	[smem:$0x3FB0] =	sst s2  }
0xb: {  	[smem:$0x3FB1] =	sst s3  }
0xc: {  	[smem:$0x3FB2] =	sst s4  }
0xd: {  	[smem:$0x3FB3] =	sst s5  }
0xe: {  	[smem:$0x3FB4] =	sst s6  }
0xf: {  	[smem:$0x3FB5] =	sst s7  }
0x10: {  	[smem:$0x3FB6] =	sst s8  }
0x11: {  	[smem:$0x3FB7] =	sst s9;
	s0 =	simm.s32 @!p0 $0x0  }
0x12: {  	s1 =	sld [smem:$0x3F9D];
	s0 =	simm.s32 @p0 $0x1  }
0x13: {  	[smem:$0x3FB8] =	sst s0;
	s0 =	simm.s32 @!p1 $0x0  }
0x14: {  	s2 =	sld [smem:$0x3F9C];
	s0 =	simm.s32 @p1 $0x1  }
0x15: {  	[smem:$0x3FB9] =	sst s0;
	s0 =	simm.s32 @!p2 $0x0  }
0x16: {  	s3 =	sld [smem:$0x3FDB];
	s0 =	simm.s32 @p2 $0x1  }
0x17: {  	s4 =	simm.s32 $0x1BF5;
	[smem:$0x3FBB] =	sst s0  }
0x18: {  	s0 =	sld [smem:$0x3F9E];
	_ =	swait.ge [sflag:s4], $0x0  }
0x19: {  	s7 =	sld [smem:$0x3F9F]  }
0x1a: {  	s8 =	sadd.s32 $0xFFFFE003, lr  }
0x1b: {  	s9 =	sadd.s32 $0xFFFFFEF7, lr;
	s5 =	simm.s32 $0xFFFFFFFF;
	p2 =	slt.u32 s8, $0xFFFFF086  }
0x1c: {  	p1 =	slt.u32 s9, $0xF7A;
	s5 =	simm.s32 @!p2 $0x0  }
0x1d: {  	s5 =	simm.s32 @p1 $0x1;
	p0 =	seq.s32 s7, s2  }
0x1e: {  	s7 =	smul.u32 @!p0 $0xF7A, s2;
	p2 =	seq.s32 @!p0 s5, $0x0  }
0x1f: {  	s9 =	smul.u32 $0xF7A, s1;
	s8 =	simm.s32 @!p0 $0x1BF5;
	p2 =	por !p2, p0  }
0x20: {  	[sflag:s8] =	ssyncset.s32 @!p0 $0xFFFFF086;
	s6 =	sadd.s32 @!p0 s3, s7;
	s7 =	simm.s32 @!p0 $0x108  }
0x21: {  	s3 =	sadd.s32 s3, s9;
	s6 =	sadd.s32 @!p0 $0x88, s6;
	s7 =	simm.s32 @p2 $0x1082  }
0x22: {  	[simem:s7], [sflag:s8] =	dma.local @!p0 [hbm:s6], $0xF7A  }
0x23: {  	s9 =	sor.u32 $0xD0000000, s2;
	s6 =	simm.s32 $0x108;
	_ =	swait.ge @!p0 [sflag:s8], $0x0  }
0x24: {  	s3 =	sadd.s32 $0x88, s3;
	s6 =	simm.s32 @!p1 $0x1082;
	[sflag:s4] =	ssyncset.s32 $0xFFFFF086  }
0x25: {  	[simem:s6], [sflag:s4] =	dma.local [hbm:s3], $0xF7A  }
0x26: {  	[smem:$0x3F9F] =	sst s1;
	(tag) =	ssettag s2;
	_ =	strace s9  }
0x27: {  	s1 =	sld [smem:$0x3FAF]  }
0x28: {  	s2 =	sld [smem:$0x3FB0]  }
0x29: {  	s4 =	sld [smem:$0x3FB2]  }
0x2a: {  	p0 =	seq.s32 s5, $0x0;
	s5 =	sld [smem:$0x3FB3]  }
0x2b: {  	s6 =	sld [smem:$0x3FB4]  }
0x2c: {  	s7 =	sld [smem:$0x3FB5]  }
0x2d: {  	s3 =	simm.s32 $0x108;
	s8 =	sld [smem:$0x3FB6]  }
0x2e: {  	s3 =	simm.s32 @!p0 $0x1082;
	s9 =	sld [smem:$0x3FB7]  }
0x2f: {  	lr =	sadd.s32 s0, s3;
	s0 =	sld [smem:$0x3FAE]  }
0x30: {  	s3 =	sld [smem:$0x3FB1]  }
0x31: {  	[smem:$0x3FBA] =	sst s10  }
0x32: {  	s10 =	sld [smem:$0x3FB8];
	_ =	sdelay $0x3  }
0x33: {  	p0 =	seq.s32 s10, $0x1;
	s10 =	sld [smem:$0x3FBA];
	_ =	sdelay $0x3  }
0x34: {  	[smem:$0x3FBA] =	sst s10  }
0x35: {  	s10 =	sld [smem:$0x3FB9];
	_ =	sdelay $0x3  }
0x36: {  	p1 =	seq.s32 s10, $0x1;
	s10 =	sld [smem:$0x3FBA];
	_ =	sdelay $0x3  }
0x37: {  	[smem:$0x3FBA] =	sst s10  }
0x38: {  	s10 =	sld [smem:$0x3FBB]  }
0x39: {  	_ = 	snop;
	(pc) =	sbr.ind lr, $3  }
0x3a: {  	_ = 	snop  }
0x3b: {  	_ = 	snop  }
0x3c: {  	p2 =	seq.s32 s10, $0x1;
	s10 =	sld [smem:$0x3FBA]  }
0x3d: {  	_ =	shalt  }
0x3e: {  	_ =	shalt  }
0x3f: {  	_ =	shalt  }
0x40: {  	_ =	shalt  }
0x41: {  	_ =	shalt  }
0x42: {  	_ =	shalt  }
0x43: {  	_ =	shalt  }
0x44: {  	_ =	shalt  }
0x45: {  	_ =	shalt  }
0x46: {  	_ =	shalt  }
0x47: {  	_ =	shalt  }
0x48: {  	_ =	shalt  }
0x49: {  	_ =	shalt  }
0x4a: {  	_ =	shalt  }
0x4b: {  	_ =	shalt  }
0x4c: {  	_ =	shalt  }
0x4d: {  	_ =	shalt  }
0x4e: {  	_ =	shalt  }
0x4f: {  	_ =	shalt  }
0x50: {  	_ =	shalt  }
0x51: {  	_ =	shalt  }
0x52: {  	_ =	shalt  }
0x53: {  	_ =	shalt  }
0x54: {  	_ =	shalt  }
0x55: {  	_ =	shalt  }
0x56: {  	_ =	shalt  }
0x57: {  	_ =	shalt  }
0x58: {  	_ =	shalt  }
0x59: {  	_ =	shalt  }
0x5a: {  	_ =	shalt  }
0x5b: {  	_ =	shalt  }
0x5c: {  	_ =	shalt  }
0x5d: {  	_ =	shalt  }
0x5e: {  	_ =	shalt  }
0x5f: {  	_ =	shalt  }
0x60: {  	_ =	shalt  }
0x61: {  	_ =	shalt  }
0x62: {  	_ =	shalt  }
0x63: {  	_ =	shalt  }
0x64: {  	_ =	shalt  }
0x65: {  	_ =	shalt  }
0x66: {  	_ =	shalt  }
0x67: {  	_ =	shalt  }
0x68: {  	_ =	shalt  }
0x69: {  	_ =	shalt  }
0x6a: {  	_ =	shalt  }
0x6b: {  	_ =	shalt  }
0x6c: {  	_ =	shalt  }
0x6d: {  	_ =	shalt  }
0x6e: {  	_ =	shalt  }
0x6f: {  	_ =	shalt  }
0x70: {  	_ =	shalt  }
0x71: {  	_ =	shalt  }
0x72: {  	_ =	shalt  }
0x73: {  	_ =	shalt  }
0x74: {  	_ =	shalt  }
0x75: {  	_ =	shalt  }
0x76: {  	_ =	shalt  }
0x77: {  	_ =	shalt  }
0x78: {  	_ =	shalt  }
0x79: {  	_ =	shalt  }
0x7a: {  	_ =	shalt  }
0x7b: {  	_ =	shalt  }
0x7c: {  	_ =	shalt  }
0x7d: {  	_ =	shalt  }
0x7e: {  	_ =	shalt  }
0x7f: {  	_ =	shalt  }
0x80: {  	_ =	shalt  }
0x81: {  	_ =	shalt  }
0x82: {  	_ =	shalt  }
0x83: {  	_ =	shalt  }
0x84: {  	_ =	shalt  }
0x85: {  	_ =	shalt  }
0x86: {  	_ =	shalt  }
0x87: {  	_ =	shalt  }
.Lfunc_end0:
.L_simem_size_0:
called_computation_lowered:
.L_overlay_start_0:
0x88: {  	s2 =	sld [smem:$0x3FD9]  }
0x89: {  	s3 =	sld [smem:$0x3FFE];
	_ =	sdelay $0x1  }
0x8a: {  	s1 =	srdreg.scid  }
0x8b: {  	s0 =	sand.u32 $0x1, s1  }
0x8c: {  	s16 =	sshll.u32 s0, $0xA;
	s2 =	sadd.s32 s3, s2  }
0x8d: {  	s2 =	sadd.s32 s2, s16  }
0x8e: {  	[smem:$0x3FC6] =	sst s2  }
0x8f: {  	_ = 	snop  }
0x90: {  	(tm) =	ssettm $0x1  }
0x91: {  	s17 =	sld [smem:$0x3FFB];
	_ =	sdelay $0x3  }
0x92: {  	_ =	strace s17  }
0x93: {  	s2 =	sld [smem:$0x3FFC];
	_ =	sdelay $0x3  }
0x94: {  	_ =	strace s2  }
0x95: {  	s2 =	sld [smem:$0x3FFD];
	_ =	sdelay $0x3  }
0x96: {  	_ =	strace s2  }
0x97: {  	_ =	strace $0x8FFFFFFF  }
0x98: {  	s18 =	sld [smem:$0x3FDB];
	_ =	sdelay $0x1  }
0x99: {  	s19 =	simm.s32 $_scs_section_size  }
0x9a: {  	s4 =	simm.s32 $_size__tile_overlayer_lowered;
	s5 =	simm.s32 $_tile_overlayer_lowered  }
0x9b: {  	s22 =	simm.s32 $0x1BFF;
	s21 =	sshll.u32 s5, $0x1;
	s2 =	sadd.s32 s19, s18  }
0x9c: {  	s6 =	simm.s32 $0x0;
	s20 =	sshll.u32 s4, $0x1;
	s4 =	sadd.s32 s21, s2  }
0x9d: {  	[timem:s6], [sflag:s22] =	dma.local [hbm:s4], s20  }
0x9e: {  	_ =	swait.ge [sflag:s22], s20  }
0x9f: {  	s3 =	ssub.s32 $0x0, s20;
	[sflag:s22] =	ssyncset.done $0x0  }
0xa0: {  	[sflag:s22] =	ssyncadd.s32 s3;
	_ =	sdelay $0x1  }
0xa1: {  	s23 =	simm.s32 $0x1B8B  }
0xa2: {  	_ =	swait.ge [sflag:s23], $0x1  }
0xa3: {  	[sflag:s23] =	ssyncset.done $0x0  }
0xa4: {  	s25 =	simm.s32 $0x1B8E;
	s24 =	sld [smem:$0x3FFE];
	[sflag:s23] =	ssyncadd.s32 $0xFFFFFFFF  }
0xa5: {  	s26 =	simm.s32 $execute0_lowered;
	[smem:$0x3FD2] =	sst s25  }
0xa6: {  	s4 =	sshll.u32 s26, $0x1;
	_ =	strace $0x80000046;
	[dreg:$0x1] =	wrdreg $0xFFFFFFFF  }
0xa7: {  	s28 =	simm.s32 $_size_execute0_lowered;
	s2 =	sadd.s32 s2, s4;
	[dreg:$0x0] =	wrdreg $0x0  }
0xa8: {  	s4 =	sshll.u32 s28, $0x1;
	[dreg:$0x2] =	wrdreg s2  }
0xa9: {  	[dreg:$0x3] =	wrdreg s4  }
0xaa: {  	[dreg:$0x4] =	wrdreg $0xC0  }
0xab: {  	_ =	task [dreg:s6], $0x5FFFF  }
0xac: {  	[dreg:$0x1] =	wrdreg $0xFFFFFFFF  }
0xad: {  	[dreg:$0x0] =	wrdreg $0x60  }
0xae: {  	[dreg:$0x2] =	wrdreg s24  }
0xaf: {  	[dreg:$0x3] =	wrdreg $0x94000  }
0xb0: {  	[dreg:$0x4] =	wrdreg $0x9  }
0xb1: {  	_ =	task.clear_ibuf [dreg:s6], $0x5FFFF;
	_ =	strace $0x90000046  }
0xb2: {  	s29 =	simm.s32 $0x9;
	_ =	strace $0x80000048  }
0xb3: {  	_ =	swait.ge [sflag:s29], $0x1  }
0xb4: {  	[sflag:s29] =	ssyncadd.s32 $0xFFFFFFFF  }
0xb5: {  	_ =	strace $0x90000048  }
0xb6: {  	_ =	sfence  }
0xb7: {  	s30 =	sld [smem:$0x0];
	_ =	sdelay $0x2  }
0xb8: {  	s31 =	sshll.u32 s1, $0xD;
	s1 =	sshrl.u32 s1, $0x2  }
0xb9: {  	s3 =	sand.u32 $0x4000, s31;
	s1 =	sadd.s32 s1, s30  }
0xba: {  	s0 =	sor.u32 s3, s0;
	s1 =	sshll.u32 s1, $0x11  }
0xbb: {  	s0 =	sor.u32 s1, s0  }
0xbc: {  	s0 =	sadd.s32 $0x8F2B, s0  }
0xbd: {  	[sflag:s0] =	ssyncadd.remote.s32 $0x1  }
0xbe: {  	_ =	sfence.sel $0xFFFF  }
0xbf: {  	[dreg:$0x0] =	wrdreg $0xFFFFFFFF;
	(pc) =	sbr.abs _section_cstart, $3  }
0xc0: {  	[dreg:$0x1] =	wrdreg $0xFFFFFFFF  }
0xc1: {  	_ =	task.clear_ibuf [dreg:s6], $0x2FFFF;
	_ =	strace $0x9FFFFFFF  }
0xc2: {  	(tm) =	ssettm $0x7FFFFFFF  }
0xc3: {  	_ =	shalt  }
tec
execute0_lowered:
.L_overlay_start_1:
0x0: {  	(tag) =	ssettag $0x1  }
0x1: {  	s0 =	srdreg.scid;
	s1 =	rddreg [dreg:$0x0]  }
0x2: {  	s23 =	stileid.u32;
	s16 =	rddreg [dreg:$0x1]  }
0x3: {  	s28 =	simm.s32 $0x1;
	s30 =	simm.s32 $0x0;
	s0 =	sand.u32 $0x1, s0  }
0x4: {  	s12 =	sshrl.u32 s23, $0x3;
	s13 =	sand.u32 $0x7, s23;
	s5 =	sadd.s32 $0xC00, s1  }
0x5: {  	s8 =	sadd.s32 $0x5400, s1;
	s11 =	sadd.s32 $0x2400, s1;
	s15 =	sadd.s32 $0x3C00, s1  }
0x6: {  	s1 =	sadd.s32 $0x6C00, s1;
	s29 =	sshll.u32 s23, $0xC;
	s2 =	sshll.u32 s0, $0x1  }
0x7: {  	s31 =	sshll.u32 s23, $0x1;
	s3 =	smul.u32 $0x60, s13;
	s20 =	sor.u32 s12, s2  }
0x8: {  	s4 =	ssub.s32 $0x2, s0;
	s0 =	sshll.u32 s0, $0x5;
	s9 =	smul.u32 $0x3000, s20  }
0x9: {  	s23 =	sadd.s32 s31, s1;
	s2 =	simm.s32 $0x0;
	s6 =	sshrl.u32 s4, $0x1  }
0xa: {  	s0 =	sadd.s32 s0, s23;
	[smem:$0x7FF] =	sst s2;
	s3 =	sor.u32 s9, s3  }
0xb: {  	s25 =	ssub.s32 s4, s6;
	_ =	strace $0x80000047;
	s3 =	sadd.s32 $0xD00, s3  }
0xc: {  	s25 =	smax.u32 s25, $0x1;
	s14 =	sshrl.u32 s9, $0x3;
	s17 =	sshrl.u32 s3, $0x3  }
0xd: {  	s9 =	sadd.s32 s11, s14;
	s3 =	sadd.s32 s5, s17;
	s7 =	sadd.s32 $0x200, s17  }
0xe: {  	s10 =	sadd.s32 $0x400, s17;
	s21 =	sadd.s32 s8, s17;
	[dreg:$0x3] =	wrdreg s3  }
0xf: {  	s17 =	sadd.s32 $0x200, s14;
	s18 =	sadd.s32 s5, s7;
	[dreg:$0x6] =	wrdreg s21  }
0x10: {  	s19 =	sadd.s32 s5, s10;
	s22 =	sadd.s32 s8, s7;
	[dreg:$0x4] =	wrdreg s18  }
0x11: {  	s24 =	sadd.s32 s8, s10;
	s10 =	sadd.s32 s11, s17;
	[dreg:$0x5] =	wrdreg s19  }
0x12: {  	s21 =	sshll.u32 s13, $0x9;
	s13 =	sadd.s32 s15, s17;
	[dreg:$0x7] =	wrdreg s22  }
0x13: {  	[dreg:$0x8] =	wrdreg s24;
	s18 =	sadd.s32 $0x400, s14;
	s19 =	sshll.u32 s12, $0xF  }
0x14: {  	s12 =	sadd.s32 s15, s14;
	s22 =	sshll.u32 s20, $0xC;
	s24 =	sadd.s32 $0x800, s0  }
0x15: {  	s11 =	sadd.s32 s11, s18;
	s26 =	sadd.s32 s19, s16;
	s15 =	sadd.s32 s15, s18  }
0x16: {  	s16 =	sadd.s32 s29, s16;
	s14 =	sadd.s32 s21, s26;
	s21 =	sor.u32 s21, s22  }
0x17: {  	s17 =	sadd.s32 $0x1000, s14;
	s18 =	sadd.s32 $0x2000, s14;
	s19 =	sadd.s32 $0x3000, s14  }
0x18: {  	s20 =	sadd.s32 $0x4000, s14;
	s21 =	sshrl.u32 s21, $0x3;
	s22 =	sadd.s32 $0x5000, s14  }
0x19: {  	v0 =	vimm.f32 $3.000000010e+38;
	vm0 =	vmmov $0x1;
	s23 =	sadd.s32 $0x6000, s14;
	s26 =	sadd.s32 $0x7000, s14;
	s21 =	sadd.s32 s1, s21  }
.LBB2_1:
0x1a: {  	s0 =	rddreg [dreg:$0x3]  }
0x1b: {  	[tilespmem:s2], [sflag:$0x1] =	stream.linear.gather [hbm4b:s0+s2], $0x60, $0x38;
	[tilespmem:$0xA400] =	vst v63  }
0x1c: {  	_ =	swait.ge [sflag:s28], $0x60  }
0x1d: {  	[sflag:s28] =	ssyncset.done $0x0  }
0x1e: {  	s1 =	simm.s32 $0x80;
	s3 =	rddreg [dreg:$0x4];
	[sflag:s28] =	ssyncadd.s32 $0xFFFFFFA0  }
0x1f: {  	[tilespmem:s1], [sflag:$0x1] =	stream.linear.gather [hbm4b:s3+s2], $0x60, $0x38;
	[tilespmem:$0xA400] =	vst v63  }
0x20: {  	_ =	swait.ge [sflag:s28], $0x60  }
0x21: {  	[sflag:s28] =	ssyncset.done $0x0  }
0x22: {  	s5 =	simm.s32 $0x100;
	s4 =	rddreg [dreg:$0x5];
	[sflag:s28] =	ssyncadd.s32 $0xFFFFFFA0  }
0x23: {  	[tilespmem:s5], [sflag:$0x1] =	stream.linear.gather [hbm4b:s4+s2], $0x60, $0x38;
	[tilespmem:$0xA400] =	vst v63  }
0x24: {  	_ =	swait.ge [sflag:s28], $0x60  }
0x25: {  	[sflag:s28] =	ssyncset.done $0x0  }
0x26: {  	s7 =	simm.s32 $0x180;
	s6 =	rddreg [dreg:$0x6];
	[sflag:s28] =	ssyncadd.s32 $0xFFFFFFA0  }
0x27: {  	[tilespmem:s7], [sflag:$0x1] =	stream.linear.gather [hbm4b:s6+s2], $0x60, $0x38;
	[tilespmem:$0xA400] =	vst v63  }
0x28: {  	_ =	swait.ge [sflag:s28], $0x60  }
0x29: {  	[sflag:s28] =	ssyncset.done $0x0  }
0x2a: {  	s31 =	simm.s32 $0x200;
	s8 =	rddreg [dreg:$0x7];
	[sflag:s28] =	ssyncadd.s32 $0xFFFFFFA0  }
0x2b: {  	[tilespmem:s31], [sflag:$0x1] =	stream.linear.gather [hbm4b:s8+s2], $0x60, $0x38;
	[tilespmem:$0xA400] =	vst v63  }
0x2c: {  	_ =	swait.ge [sflag:s28], $0x60  }
0x2d: {  	[sflag:s28] =	ssyncset.done $0x0  }
0x2e: {  	s3 =	simm.s32 $0x280;
	s1 =	rddreg [dreg:$0x8];
	[sflag:s28] =	ssyncadd.s32 $0xFFFFFFA0  }
0x2f: {  	[tilespmem:s3], [sflag:$0x1] =	stream.linear.gather [hbm4b:s1+s2], $0x60, $0x38;
	[tilespmem:$0xA400] =	vst v63  }
0x30: {  	_ =	swait.ge [sflag:s28], $0x60  }
0x31: {  	[sflag:s28] =	ssyncset.done $0x0  }
0x32: {  	s4 =	simm.s32 $0x300;
	[sflag:s28] =	ssyncadd.s32 $0xFFFFFFA0  }
0x33: {  	[tilespmem:s4], [sflag:$0x1] =	stream.linear.gather [hbm4b:s9+s2], $0x1000, $0x38;
	[tilespmem:$0xA400] =	vst v63  }
0x34: {  	_ =	swait.ge [sflag:s28], $0x1000  }
0x35: {  	[sflag:s28] =	ssyncset.done $0x0  }
0x36: {  	s5 =	simm.s32 $0x1300;
	[sflag:s28] =	ssyncadd.s32 $0xFFFFF000  }
0x37: {  	[tilespmem:s5], [sflag:$0x1] =	stream.linear.gather [hbm4b:s10+s2], $0x1000, $0x38;
	[tilespmem:$0xA400] =	vst v63  }
0x38: {  	_ =	swait.ge [sflag:s28], $0x1000  }
0x39: {  	[sflag:s28] =	ssyncset.done $0x0  }
0x3a: {  	s6 =	simm.s32 $0x2300;
	[sflag:s28] =	ssyncadd.s32 $0xFFFFF000  }
0x3b: {  	[tilespmem:s6], [sflag:$0x1] =	stream.linear.gather [hbm4b:s11+s2], $0x1000, $0x38;
	[tilespmem:$0xA400] =	vst v63  }
0x3c: {  	_ =	swait.ge [sflag:s28], $0x1000  }
0x3d: {  	[sflag:s28] =	ssyncset.done $0x0  }
0x3e: {  	s7 =	simm.s32 $0x3300;
	[sflag:s28] =	ssyncadd.s32 $0xFFFFF000  }
0x3f: {  	[tilespmem:s7], [sflag:$0x1] =	stream.linear.gather [hbm4b:s12+s2], $0x1000, $0x38;
	[tilespmem:$0xA400] =	vst v63  }
0x40: {  	_ =	swait.ge [sflag:s28], $0x1000  }
0x41: {  	[sflag:s28] =	ssyncset.done $0x0  }
0x42: {  	s8 =	simm.s32 $0x4300;
	[sflag:s28] =	ssyncadd.s32 $0xFFFFF000  }
0x43: {  	[tilespmem:s8], [sflag:$0x1] =	stream.linear.gather [hbm4b:s13+s2], $0x1000, $0x38;
	[tilespmem:$0xA400] =	vst v63  }
0x44: {  	_ =	swait.ge [sflag:s28], $0x1000  }
0x45: {  	[sflag:s28] =	ssyncset.done $0x0  }
0x46: {  	s31 =	simm.s32 $0x5300;
	[sflag:s28] =	ssyncadd.s32 $0xFFFFF000  }
0x47: {  	[tilespmem:s31], [sflag:$0x1] =	stream.linear.gather [hbm4b:s15+s2], $0x1000, $0x38;
	[tilespmem:$0xA400] =	vst v63  }
0x48: {  	_ =	swait.ge [sflag:s28], $0x1000  }
0x49: {  	[sflag:s28] =	ssyncset.done $0x0  }
0x4a: {  	s0 =	simm.s32 $0x0;
	[sflag:s28] =	ssyncadd.s32 $0xFFFFF000  }
0x4b: {  	v1 =	vld [tilespmem:s0+$0x300]  }
0x4c: {  	v2 =	vld [tilespmem:s0+$0x1300];
	_ =	sdelay $0x1  }
0x4d: {  	v3 =	vld [tilespmem:s0+$0x2300];
	_ =	sdelay $0x1  }
0x4e: {  	s1 =	simm.s32 $0x10;
	[tilespmem:s0+$0x7300] =	vst v0  }
0x4f: {  	v4 =	vmul.f32 v1, v1;
	v5 =	vmul.f32 v2, v2;
	v1 =	vld [tilespmem:s1+$0x300]  }
0x50: {  	v2 =	vld [tilespmem:s1+$0x1300]  }
0x51: {  	v4 =	vadd.f32 v5, v4;
	v5 =	vmul.f32 v3, v3  }
0x52: {  	v3 =	vld [tilespmem:s1+$0x2300]  }
0x53: {  	s29 =	simm.s32 $0x80;
	[tilespmem:s1+$0x7300] =	vst v0;
	v4 =	vadd.f32 v5, v4  }
.LBB2_2:
0x54: {  	s31 =	sshra.s32 s29, $0x2;
	p0 =	sne.s32 s29, $0x3FC0  }
.Ltmp0:
0x55: {  	s29 =	sadd.s32 $0x40, s29;
	v5 =	vmul.f32 v1, v1;
	v1 =	vld [tilespmem:s31+$0x300];
	v6 =	vmul.f32 v2, v2;
	[tilespmem:s0+$0x6300] =	vst v4;
	(pc) =	sbr.rel @p0 .LBB2_2-.Ltmp0, $4  }
0x56: {  	s0 =	smov.u32 s1;
	s1 =	smov.u32 s31;
	v2 =	vld [tilespmem:s31+$0x1300];
	[tilespmem:s31+$0x7300] =	vst v0  }
0x57: {  	v4 =	vadd.f32 v6, v5;
	v5 =	vmul.f32 v3, v3  }
0x58: {  	v3 =	vld [tilespmem:s1+$0x2300]  }
0x59: {  	v4 =	vadd.f32 v5, v4  }
0x5a: {  	_ = 	snop  }
0x5b: {  	v1 =	vmul.f32 v1, v1;
	v2 =	vmul.f32 v2, v2;
	_ =	sdelay $0x1  }
0x5c: {  	v1 =	vadd.f32 v2, v1;
	v2 =	vmul.f32 v3, v3;
	_ =	sdelay $0x1  }
0x5d: {  	v1 =	vadd.f32 v2, v1  }
0x5e: {  	[tilespmem:s0+$0x6300] =	vst v4  }
0x5f: {  	[tilespmem:s1+$0x6300] =	vst v1  }
0x60: {  	[tilespmem:$0x9310] =	vst v0  }
0x61: {  	[tilespmem:$0x9330] =	vst v0  }
0x62: {  	[tilespmem:$0x9350] =	vst v0  }
0x63: {  	s31 =	simm.s32 $0x0;
	v1 =	vimm.f32 $0.0e+00;
	[tilespmem:$0x9370] =	vst v0  }
.LBB2_4:
0x64: {  	s0 =	sshll.u32 s31, $0x4  }
0x65: {  	v7 =	vld [tilespmem:s0+$0x0]  }
0x66: {  	v6 =	vld [tilespmem:s0+$0x80]  }
0x67: {  	v5 =	vld [tilespmem:s0+$0x100];
	_ =	sdelay $0x2  }
0x68: {  	(v2sf) =	vpush v7, $0x0  }
0x69: {  	(v2sf) =	vpush v6, $0x0  }
0x6a: {  	(v2sf) =	vpush v5, $0x0  }
0x6b: {  	(v2sf) =	vpush v7, $0x1  }
0x6c: {  	(v2sf) =	vpush v6, $0x1;
	_ =	sdelay $0x2  }
0x6d: {  	(v2sf) =	vpush v5, $0x1;
	_ =	sdelay $0x2  }
0x6e: {  	(v2sf) =	vpush v7, $0x2  }
0x6f: {  	(v2sf) =	vpush v6, $0x2  }
0x70: {  	(v2sf) =	vpush v5, $0x2  }
0x71: {  	(v2sf) =	vpush v7, $0x3  }
0x72: {  	(v2sf) =	vpush v6, $0x3  }
0x73: {  	s1 =	spop (v2sf)  }
0x74: {  	(v2sf) =	vpush v5, $0x3;
	s29 =	spop (v2sf)  }
0x75: {  	s1 =	smul.f32 s1, s1;
	s3 =	spop (v2sf)  }
0x76: {  	s29 =	smul.f32 s29, s29;
	s4 =	spop (v2sf)  }
0x77: {  	s3 =	smul.f32 s3, s3;
	s5 =	spop (v2sf)  }
0x78: {  	v2 =	vld [tilespmem:s0+$0x180];
	s1 =	sadd.f32 s29, s1;
	s4 =	smul.f32 s4, s4  }
0x79: {  	v3 =	vld [tilespmem:s0+$0x200];
	s5 =	smul.f32 s5, s5  }
0x7a: {  	v4 =	vld [tilespmem:s0+$0x280];
	s6 =	spop (v2sf);
	s3 =	sadd.f32 s3, s1  }
0x7b: {  	s1 =	sadd.f32 s5, s4;
	s4 =	smul.f32 s6, s6  }
0x7c: {  	_ = 	snop  }
0x7d: {  	s7 =	spop (v2sf);
	s4 =	sadd.f32 s4, s1;
	s1 =	simm.s32 $0x0  }
0x7e: {  	v8 =	vbroadcast v2, $0x0;
	s29 =	spop (v2sf);
	v22 =	vld [tilespmem:s1+$0x6300]  }
0x7f: {  	v9 =	vbroadcast v3, $0x0;
	v18 =	vbroadcast v4, $0x0;
	s6 =	smul.f32 s7, s7;
	s8 =	spop (v2sf);
	v23 =	vld [tilespmem:s1+$0x5300]  }
0x80: {  	v13 =	vbroadcast v2, $0x1;
	v14 =	vbroadcast v3, $0x1;
	s7 =	smul.f32 s29, s29;
	s5 =	spop (v2sf);
	v25 =	vld [tilespmem:s1+$0x3300]  }
0x81: {  	v21 =	vbroadcast v4, $0x1;
	v16 =	vbroadcast v2, $0x2;
	s0 =	spop (v2sf);
	s5 =	smul.f32 s5, s5;
	v26 =	vld [tilespmem:s1+$0x4300]  }
0x82: {  	v17 =	vbroadcast v3, $0x2;
	v11 =	vbroadcast v4, $0x2;
	s6 =	sadd.f32 s7, s6;
	s0 =	smul.f32 s0, s0  }
0x83: {  	v19 =	vbroadcast v2, $0x3;
	v20 =	vbroadcast v3, $0x3;
	s7 =	smul.f32 s8, s8;
	s8 =	spop (v2sf)  }
0x84: {  	v12 =	vbroadcast v4, $0x3;
	v10 =	vmov s3;
	s0 =	sadd.f32 s0, s5;
	v30 =	vmul.f32 v23, v18;
	s5 =	smul.f32 s8, s8  }
0x85: {  	v15 =	vmov s4;
	v32 =	vmul.f32 v23, v21;
	v33 =	vmul.f32 v25, v8;
	s8 =	sadd.f32 s7, s6  }
0x86: {  	v34 =	vmul.f32 v26, v9;
	v31 =	vadd.f32 v22, v15;
	v35 =	vmul.f32 v26, v14;
	s0 =	sadd.f32 s5, s0  }
0x87: {  	v38 =	vadd.f32 v22, v10;
	v61 =	vmul.f32 v25, v16;
	v36 =	vmul.f32 v26, v17  }
0x88: {  	v33 =	vadd.f32 v34, v33;
	v24 =	vmov s8;
	v27 =	vmov s0  }
0x89: {  	v29 =	vadd.f32 v22, v24;
	v28 =	vadd.f32 v22, v27;
	v22 =	vmul.f32 v25, v13  }
0x8a: {  	v26 =	vmul.f32 v26, v20;
	v30 =	vadd.f32 v30, v33;
	v25 =	vmul.f32 v25, v19  }
0x8b: {  	v63 =	vmul.f32 v23, v11;
	v62 =	vadd.f32 v36, v61;
	v22 =	vadd.f32 v35, v22  }
0x8c: {  	v23 =	vmul.f32 v23, v12;
	v25 =	vadd.f32 v26, v25;
	v26 =	vadd.f32 v30, v30  }
0x8d: {  	v33 =	vadd.f32 v63, v62;
	s0 =	simm.s32 $0x10;
	v35 =	vld [tilespmem:s1+$0x7300];
	v22 =	vadd.f32 v32, v22  }
0x8e: {  	v30 =	vld [tilespmem:s0+$0x5300];
	v37 =	vadd.f32 v23, v25;
	v34 =	vsub.f32 v38, v26  }
0x8f: {  	v32 =	vld [tilespmem:s0+$0x6300];
	v38 =	vadd.f32 v33, v33;
	v26 =	vimm.f32 $3.000000010e+38;
	v36 =	vadd.f32 v22, v22  }
0x90: {  	s29 =	simm.s32 $0x80;
	v33 =	vld [tilespmem:s0+$0x3300];
	v25 =	vimm.f32 $3.000000010e+38;
	v23 =	vimm.f32 $3.000000010e+38;
	v22 =	vimm.f32 $3.000000010e+38  }
.LBB2_5:
0x91: {  	p0 =	sne.s32 s29, $0x3FC0;
	v39 =	vld [tilespmem:s0+$0x4300];
	v31 =	vsub.f32 v31, v36;
	v36 =	vadd.f32 v37, v37  }
0x92: {  	v22 =	vmin.f32 v22, v34;
	v34 =	vmin.f32 v35, v34;
	v37 =	vsub.f32 v29, v38  }
0x93: {  	v26 =	vmin.f32 v26, v31;
	v31 =	vmin.f32 v34, v31;
	v34 =	vsub.f32 v28, v36  }
0x94: {  	v29 =	vadd.f32 v32, v24;
	v28 =	vadd.f32 v32, v27;
	v31 =	vmin.f32 v31, v37  }
0x95: {  	v35 =	vmul.f32 v30, v18;
	v36 =	vmul.f32 v30, v21;
	v38 =	vmin.f32 v31, v34  }
0x96: {  	v40 =	vmul.f32 v33, v8;
	v31 =	vadd.f32 v32, v15;
	v41 =	vmul.f32 v39, v9;
	[tilespmem:s1+$0x7300] =	vst v38;
	s1 =	smov.u32 s0  }
0x97: {  	v38 =	vadd.f32 v32, v10;
	v32 =	vmul.f32 v33, v13;
	v42 =	vmul.f32 v39, v14  }
0x98: {  	v43 =	vmul.f32 v39, v17;
	v40 =	vadd.f32 v41, v40;
	v41 =	vmul.f32 v33, v16  }
0x99: {  	v39 =	vmul.f32 v39, v20;
	v32 =	vadd.f32 v42, v32;
	v33 =	vmul.f32 v33, v19  }
.Ltmp1:
0x9a: {  	v42 =	vmul.f32 v30, v11;
	v40 =	vadd.f32 v35, v40;
	v41 =	vadd.f32 v43, v41;
	(pc) =	sbr.rel @p0 .LBB2_5-.Ltmp1, $4  }
0x9b: {  	s0 =	sshra.s32 s29, $0x2;
	v36 =	vadd.f32 v36, v32;
	v33 =	vadd.f32 v39, v33;
	v39 =	vmul.f32 v30, v12;
	v35 =	vld [tilespmem:s1+$0x7300]  }
0x9c: {  	v25 =	vmin.f32 v25, v37;
	v32 =	vld [tilespmem:s0+$0x6300];
	v40 =	vadd.f32 v40, v40;
	v41 =	vadd.f32 v42, v41  }
0x9d: {  	v23 =	vmin.f32 v23, v34;
	v36 =	vadd.f32 v36, v36;
	v37 =	vadd.f32 v39, v33;
	v30 =	vld [tilespmem:s0+$0x5300]  }
0x9e: {  	s29 =	sadd.s32 $0x40, s29;
	v33 =	vld [tilespmem:s0+$0x3300];
	v34 =	vsub.f32 v38, v40;
	v38 =	vadd.f32 v41, v41  }
0x9f: {  	v39 =	vld [tilespmem:s0+$0x4300];
	v55 =	vadd.f32 v37, v37  }
0xa0: {  	v31 =	vsub.f32 v31, v36;
	v29 =	vsub.f32 v29, v38  }
0xa1: {  	v35 =	vmin.f32 v35, v34;
	v28 =	vsub.f32 v28, v55;
	v24 =	vadd.f32 v32, v24  }
0xa2: {  	v35 =	vmin.f32 v35, v31;
	v27 =	vadd.f32 v32, v27;
	v15 =	vadd.f32 v32, v15  }
0xa3: {  	v10 =	vadd.f32 v32, v10;
	v18 =	vmul.f32 v30, v18;
	v21 =	vmul.f32 v30, v21  }
0xa4: {  	v35 =	vmin.f32 v35, v29;
	v8 =	vmul.f32 v33, v8;
	v9 =	vmul.f32 v39, v9  }
0xa5: {  	v35 =	vmin.f32 v35, v28;
	v13 =	vmul.f32 v33, v13;
	v14 =	vmul.f32 v39, v14  }
0xa6: {  	v8 =	vadd.f32 v9, v8;
	v9 =	vmul.f32 v33, v16;
	v16 =	vmul.f32 v39, v17  }
0xa7: {  	v13 =	vadd.f32 v14, v13;
	v14 =	vmul.f32 v33, v19;
	v17 =	vmul.f32 v39, v20  }
0xa8: {  	v11 =	vmul.f32 v30, v11;
	[tilespmem:s1+$0x7300] =	vst v35;
	v8 =	vadd.f32 v18, v8;
	v9 =	vadd.f32 v16, v9  }
0xa9: {  	v12 =	vmul.f32 v30, v12;
	v16 =	vld [tilespmem:s0+$0x7300];
	v13 =	vadd.f32 v21, v13;
	v14 =	vadd.f32 v17, v14  }
0xaa: {  	v8 =	vadd.f32 v8, v8;
	v9 =	vadd.f32 v11, v9  }
0xab: {  	v11 =	vadd.f32 v13, v13;
	v12 =	vadd.f32 v12, v14  }
0xac: {  	v8 =	vsub.f32 v10, v8;
	v9 =	vadd.f32 v9, v9  }
0xad: {  	v10 =	vsub.f32 v15, v11;
	v11 =	vadd.f32 v12, v12  }
0xae: {  	v12 =	vmin.f32 v16, v8;
	v9 =	vsub.f32 v24, v9  }
0xaf: {  	v11 =	vsub.f32 v27, v11;
	v12 =	vmin.f32 v12, v10  }
0xb0: {  	v12 =	vmin.f32 v12, v9  }
0xb1: {  	v13 =	vmin.f32 v22, v34;
	v12 =	vmin.f32 v12, v11  }
0xb2: {  	v14 =	vmin.f32 v26, v31;
	v8 =	vmin.f32 v13, v8;
	[tilespmem:s0+$0x7300] =	vst v12  }
0xb3: {  	v13 =	vmin.f32 v23, v28;
	v10 =	vmin.f32 v14, v10;
	v12 =	vmin.f32 v25, v29;
	[tilespmem:$0x9300] =	vst v8  }
0xb4: {  	(v2sf) =	vpush v7, $0x4;
	v11 =	vmin.f32 v13, v11;
	v9 =	vmin.f32 v12, v9;
	[tilespmem:$0x9320] =	vst v10;
	v12 =	vld [tilespmem:$0x9308]  }
0xb5: {  	(v2sf) =	vpush v6, $0x4;
	[tilespmem:$0x9360] =	vst v11;
	v13 =	vld [tilespmem:$0x9328]  }
0xb6: {  	(v2sf) =	vpush v5, $0x4;
	[tilespmem:$0x9340] =	vst v9;
	v15 =	vld [tilespmem:$0x9368]  }
0xb7: {  	(v2sf) =	vpush v7, $0x5;
	v14 =	vld [tilespmem:$0x9348]  }
0xb8: {  	(v2sf) =	vpush v6, $0x5  }
0xb9: {  	(v2sf) =	vpush v5, $0x5;
	v8 =	vmin.f32 v8, v12  }
0xba: {  	(v2sf) =	vpush v7, $0x6;
	v10 =	vmin.f32 v10, v13;
	[tilespmem:$0x9300] =	vst v8  }
0xbb: {  	v11 =	vmin.f32 v11, v15;
	[tilespmem:$0x9320] =	vst v10;
	v12 =	vld [tilespmem:$0x9304]  }
0xbc: {  	(v2sf) =	vpush v6, $0x6;
	v9 =	vmin.f32 v9, v14;
	[tilespmem:$0x9360] =	vst v11;
	v13 =	vld [tilespmem:$0x9324]  }
0xbd: {  	[tilespmem:$0x9340] =	vst v9;
	v15 =	vld [tilespmem:$0x9364]  }
0xbe: {  	(v2sf) =	vpush v5, $0x6;
	v14 =	vld [tilespmem:$0x9344]  }
0xbf: {  	(v2sf) =	vpush v7, $0x7  }
0xc0: {  	v8 =	vmin.f32 v8, v12  }
0xc1: {  	(v2sf) =	vpush v6, $0x7;
	v10 =	vmin.f32 v10, v13;
	[tilespmem:$0x9300] =	vst v8  }
0xc2: {  	v11 =	vmin.f32 v11, v15;
	[tilespmem:$0x9320] =	vst v10;
	v12 =	vld [tilespmem:$0x9302]  }
0xc3: {  	s7 =	spop (v2sf);
	(v2sf) =	vpush v5, $0x7;
	v9 =	vmin.f32 v9, v14;
	[tilespmem:$0x9360] =	vst v11;
	v13 =	vld [tilespmem:$0x9322]  }
0xc4: {  	s8 =	spop (v2sf);
	[tilespmem:$0x9340] =	vst v9;
	v15 =	vld [tilespmem:$0x9362]  }
0xc5: {  	s3 =	spop (v2sf);
	v14 =	vld [tilespmem:$0x9342]  }
0xc6: {  	s4 =	spop (v2sf)  }
0xc7: {  	s1 =	smul.f32 s8, s8;
	s5 =	spop (v2sf);
	v8 =	vmin.f32 v8, v12  }
0xc8: {  	s0 =	smul.f32 s7, s7;
	s6 =	spop (v2sf);
	v10 =	vmin.f32 v10, v13;
	[tilespmem:$0x9300] =	vst v8  }
0xc9: {  	s4 =	smul.f32 s4, s4;
	s7 =	spop (v2sf);
	v13 =	vmin.f32 v11, v15;
	[tilespmem:$0x9320] =	vst v10;
	v12 =	vld [tilespmem:$0x9301]  }
0xca: {  	s0 =	sadd.f32 s1, s0;
	s1 =	smul.f32 s3, s3;
	v9 =	vmin.f32 v9, v14;
	[tilespmem:$0x9360] =	vst v13;
	v14 =	vld [tilespmem:$0x9321]  }
0xcb: {  	s6 =	smul.f32 s6, s6;
	s8 =	spop (v2sf);
	[tilespmem:$0x9340] =	vst v9;
	v16 =	vld [tilespmem:$0x9361]  }
0xcc: {  	s0 =	sadd.f32 s1, s0;
	s1 =	smul.f32 s5, s5;
	v15 =	vld [tilespmem:$0x9341]  }
0xcd: {  	s3 =	spop (v2sf);
	s8 =	smul.f32 s8, s8  }
0xce: {  	s5 =	spop (v2sf);
	s3 =	smul.f32 s3, s3;
	v11 =	vmin.f32 v8, v12  }
0xcf: {  	s1 =	sadd.f32 s1, s4;
	s4 =	smul.f32 s7, s7;
	v10 =	vmin.f32 v10, v14;
	[tilespmem:$0x9300] =	vst v11  }
0xd0: {  	s7 =	spop (v2sf);
	s5 =	smul.f32 s5, s5;
	v8 =	vmin.f32 v13, v16;
	[tilespmem:$0x9320] =	vst v10  }
0xd1: {  	s7 =	smul.f32 s7, s7;
	s6 =	sadd.f32 s6, s1;
	v9 =	vmin.f32 v9, v15;
	[tilespmem:$0x9360] =	vst v8  }
0xd2: {  	s4 =	sadd.f32 s8, s4;
	s1 =	simm.s32 $0x0;
	s8 =	spop (v2sf);
	[tilespmem:$0x9340] =	vst v9  }
0xd3: {  	v20 =	vbroadcast v2, $0x6;
	v17 =	vbroadcast v2, $0x5;
	s5 =	sadd.f32 s7, s5;
	s8 =	smul.f32 s8, s8;
	v26 =	vld [tilespmem:s1+$0x6300]  }
0xd4: {  	v18 =	vbroadcast v3, $0x5;
	v21 =	vbroadcast v3, $0x6;
	s4 =	sadd.f32 s3, s4;
	v27 =	vld [tilespmem:s1+$0x5300]  }
0xd5: {  	v22 =	vbroadcast v4, $0x4;
	v23 =	vbroadcast v2, $0x7;
	s8 =	sadd.f32 s8, s5;
	v29 =	vld [tilespmem:s1+$0x3300]  }
0xd6: {  	v24 =	vbroadcast v3, $0x7;
	v25 =	vbroadcast v4, $0x5;
	v30 =	vld [tilespmem:s1+$0x4300]  }
0xd7: {  	v19 =	vmov s6;
	v28 =	vmov s4;
	v31 =	vmov s8  }
0xd8: {  	v12 =	vbroadcast v2, $0x4;
	v13 =	vbroadcast v3, $0x4;
	v14 =	vmov s0  }
0xd9: {  	v16 =	vbroadcast v4, $0x7;
	v15 =	vbroadcast v4, $0x6;
	v33 =	vadd.f32 v26, v28  }
0xda: {  	v32 =	vadd.f32 v26, v31;
	v56 =	vmul.f32 v27, v22;
	v57 =	vmul.f32 v27, v25  }
0xdb: {  	v58 =	vmul.f32 v29, v12;
	v59 =	vmul.f32 v30, v13;
	v35 =	vadd.f32 v26, v19  }
0xdc: {  	v42 =	vadd.f32 v26, v14;
	v26 =	vmul.f32 v29, v17;
	v60 =	vmul.f32 v30, v18  }
0xdd: {  	v61 =	vmul.f32 v29, v20;
	v40 =	vmul.f32 v30, v21  }
0xde: {  	v29 =	vmul.f32 v29, v23;
	v30 =	vmul.f32 v30, v24;
	v37 =	vadd.f32 v59, v58  }
0xdf: {  	v63 =	vmul.f32 v27, v15;
	v26 =	vadd.f32 v60, v26;
	v62 =	vadd.f32 v40, v61  }
0xe0: {  	v27 =	vmul.f32 v27, v16;
	v29 =	vadd.f32 v30, v29;
	v34 =	vadd.f32 v56, v37  }
0xe1: {  	s0 =	simm.s32 $0x10;
	v39 =	vld [tilespmem:s1+$0x7300];
	v26 =	vadd.f32 v57, v26;
	v37 =	vadd.f32 v63, v62  }
0xe2: {  	v36 =	vld [tilespmem:s0+$0x6300];
	v41 =	vadd.f32 v27, v29;
	v29 =	vimm.f32 $3.000000010e+38;
	v30 =	vadd.f32 v34, v34  }
0xe3: {  	v27 =	vimm.f32 $3.000000010e+38;
	v40 =	vadd.f32 v26, v26;
	v26 =	vimm.f32 $3.000000010e+38;
	v34 =	vld [tilespmem:s0+$0x5300]  }
0xe4: {  	s29 =	simm.s32 $0x80;
	v38 =	vsub.f32 v42, v30;
	v42 =	vadd.f32 v37, v37;
	v37 =	vld [tilespmem:s0+$0x3300];
	v30 =	vimm.f32 $3.000000010e+38  }
.LBB2_7:
0xe5: {  	p0 =	sne.s32 s29, $0x3FC0;
	v43 =	vld [tilespmem:s0+$0x4300];
	v35 =	vsub.f32 v35, v40;
	v40 =	vadd.f32 v41, v41  }
0xe6: {  	v26 =	vmin.f32 v26, v38;
	v38 =	vmin.f32 v39, v38;
	v41 =	vsub.f32 v33, v42  }
0xe7: {  	v30 =	vmin.f32 v30, v35;
	v35 =	vmin.f32 v38, v35;
	v38 =	vsub.f32 v32, v40  }
0xe8: {  	v33 =	vadd.f32 v36, v28;
	v32 =	vadd.f32 v36, v31;
	v35 =	vmin.f32 v35, v41  }
0xe9: {  	v39 =	vmul.f32 v34, v22;
	v40 =	vmul.f32 v34, v25;
	v42 =	vmin.f32 v35, v38  }
0xea: {  	v44 =	vmul.f32 v37, v12;
	v35 =	vadd.f32 v36, v19;
	v45 =	vmul.f32 v43, v13;
	[tilespmem:s1+$0x7300] =	vst v42;
	s1 =	smov.u32 s0  }
0xeb: {  	v42 =	vadd.f32 v36, v14;
	v36 =	vmul.f32 v37, v17;
	v46 =	vmul.f32 v43, v18  }
0xec: {  	v47 =	vmul.f32 v43, v21;
	v44 =	vadd.f32 v45, v44;
	v45 =	vmul.f32 v37, v20  }
0xed: {  	v43 =	vmul.f32 v43, v24;
	v36 =	vadd.f32 v46, v36;
	v37 =	vmul.f32 v37, v23  }
.Ltmp2:
0xee: {  	v46 =	vmul.f32 v34, v15;
	v44 =	vadd.f32 v39, v44;
	v45 =	vadd.f32 v47, v45;
	(pc) =	sbr.rel @p0 .LBB2_7-.Ltmp2, $4  }
0xef: {  	s0 =	sshra.s32 s29, $0x2;
	v40 =	vadd.f32 v40, v36;
	v37 =	vadd.f32 v43, v37;
	v43 =	vmul.f32 v34, v16;
	v39 =	vld [tilespmem:s1+$0x7300]  }
0xf0: {  	v29 =	vmin.f32 v29, v41;
	v36 =	vld [tilespmem:s0+$0x6300];
	v44 =	vadd.f32 v44, v44;
	v45 =	vadd.f32 v46, v45  }
0xf1: {  	v27 =	vmin.f32 v27, v38;
	v40 =	vadd.f32 v40, v40;
	v41 =	vadd.f32 v43, v37;
	v34 =	vld [tilespmem:s0+$0x5300]  }
0xf2: {  	s29 =	sadd.s32 $0x40, s29;
	v37 =	vld [tilespmem:s0+$0x3300];
	v38 =	vsub.f32 v42, v44;
	v42 =	vadd.f32 v45, v45  }
0xf3: {  	v43 =	vld [tilespmem:s0+$0x4300];
	v52 =	vadd.f32 v41, v41  }
0xf4: {  	v35 =	vsub.f32 v35, v40;
	v33 =	vsub.f32 v33, v42  }
0xf5: {  	v39 =	vmin.f32 v39, v38;
	v32 =	vsub.f32 v32, v52;
	v28 =	vadd.f32 v36, v28  }
0xf6: {  	v39 =	vmin.f32 v39, v35;
	v31 =	vadd.f32 v36, v31;
	v19 =	vadd.f32 v36, v19  }
0xf7: {  	v14 =	vadd.f32 v36, v14;
	v22 =	vmul.f32 v34, v22;
	v25 =	vmul.f32 v34, v25  }
0xf8: {  	v39 =	vmin.f32 v39, v33;
	v12 =	vmul.f32 v37, v12;
	v13 =	vmul.f32 v43, v13  }
0xf9: {  	v39 =	vmin.f32 v39, v32;
	v17 =	vmul.f32 v37, v17;
	v18 =	vmul.f32 v43, v18  }
0xfa: {  	v12 =	vadd.f32 v13, v12;
	v13 =	vmul.f32 v37, v20;
	v20 =	vmul.f32 v43, v21  }
0xfb: {  	v17 =	vadd.f32 v18, v17;
	v18 =	vmul.f32 v37, v23;
	v21 =	vmul.f32 v43, v24  }
0xfc: {  	v15 =	vmul.f32 v34, v15;
	[tilespmem:s1+$0x7300] =	vst v39;
	v12 =	vadd.f32 v22, v12;
	v13 =	vadd.f32 v20, v13  }
0xfd: {  	v16 =	vmul.f32 v34, v16;
	v20 =	vld [tilespmem:s0+$0x7300];
	v17 =	vadd.f32 v25, v17;
	v18 =	vadd.f32 v21, v18  }
0xfe: {  	v12 =	vadd.f32 v12, v12;
	v13 =	vadd.f32 v15, v13  }
0xff: {  	v15 =	vadd.f32 v17, v17;
	v16 =	vadd.f32 v16, v18  }
0x100: {  	v12 =	vsub.f32 v14, v12;
	v13 =	vadd.f32 v13, v13  }
0x101: {  	v14 =	vsub.f32 v19, v15;
	v15 =	vadd.f32 v16, v16  }
0x102: {  	v16 =	vmin.f32 v20, v12;
	v13 =	vsub.f32 v28, v13  }
0x103: {  	v15 =	vsub.f32 v31, v15;
	v16 =	vmin.f32 v16, v14  }
0x104: {  	v16 =	vmin.f32 v16, v13  }
0x105: {  	v17 =	vmin.f32 v26, v38;
	v16 =	vmin.f32 v16, v15  }
0x106: {  	v18 =	vmin.f32 v30, v35;
	v12 =	vmin.f32 v17, v12;
	[tilespmem:s0+$0x7300] =	vst v16  }
0x107: {  	v17 =	vmin.f32 v27, v32;
	v14 =	vmin.f32 v18, v14;
	v16 =	vmin.f32 v29, v33;
	[tilespmem:$0x9300] =	vst v12  }
0x108: {  	(v2sf) =	vpush v7, $0x8;
	v15 =	vmin.f32 v17, v15;
	v13 =	vmin.f32 v16, v13;
	[tilespmem:$0x9320] =	vst v14;
	v16 =	vld [tilespmem:$0x9308]  }
0x109: {  	(v2sf) =	vpush v6, $0x8;
	[tilespmem:$0x9360] =	vst v15;
	v17 =	vld [tilespmem:$0x9328]  }
0x10a: {  	(v2sf) =	vpush v5, $0x8;
	[tilespmem:$0x9340] =	vst v13;
	v19 =	vld [tilespmem:$0x9368]  }
0x10b: {  	(v2sf) =	vpush v7, $0x9;
	v18 =	vld [tilespmem:$0x9348]  }
0x10c: {  	(v2sf) =	vpush v6, $0x9  }
0x10d: {  	(v2sf) =	vpush v5, $0x9;
	v12 =	vmin.f32 v12, v16  }
0x10e: {  	(v2sf) =	vpush v7, $0xA;
	v14 =	vmin.f32 v14, v17;
	[tilespmem:$0x9300] =	vst v12  }
0x10f: {  	v15 =	vmin.f32 v15, v19;
	[tilespmem:$0x9320] =	vst v14;
	v16 =	vld [tilespmem:$0x9304]  }
0x110: {  	(v2sf) =	vpush v6, $0xA;
	v13 =	vmin.f32 v13, v18;
	[tilespmem:$0x9360] =	vst v15;
	v17 =	vld [tilespmem:$0x9324]  }
0x111: {  	[tilespmem:$0x9340] =	vst v13;
	v19 =	vld [tilespmem:$0x9364]  }
0x112: {  	(v2sf) =	vpush v5, $0xA;
	v18 =	vld [tilespmem:$0x9344]  }
0x113: {  	(v2sf) =	vpush v7, $0xB  }
0x114: {  	v12 =	vmin.f32 v12, v16  }
0x115: {  	(v2sf) =	vpush v6, $0xB;
	v14 =	vmin.f32 v14, v17;
	[tilespmem:$0x9300] =	vst v12  }
0x116: {  	v15 =	vmin.f32 v15, v19;
	[tilespmem:$0x9320] =	vst v14;
	v16 =	vld [tilespmem:$0x9302]  }
0x117: {  	s7 =	spop (v2sf);
	(v2sf) =	vpush v5, $0xB;
	v13 =	vmin.f32 v13, v18;
	[tilespmem:$0x9360] =	vst v15;
	v17 =	vld [tilespmem:$0x9322]  }
0x118: {  	s8 =	spop (v2sf);
	[tilespmem:$0x9340] =	vst v13;
	v19 =	vld [tilespmem:$0x9362]  }
0x119: {  	s3 =	spop (v2sf);
	v18 =	vld [tilespmem:$0x9342]  }
0x11a: {  	s4 =	spop (v2sf)  }
0x11b: {  	s1 =	smul.f32 s8, s8;
	s5 =	spop (v2sf);
	v12 =	vmin.f32 v12, v16  }
0x11c: {  	s0 =	smul.f32 s7, s7;
	s6 =	spop (v2sf);
	v14 =	vmin.f32 v14, v17;
	[tilespmem:$0x9300] =	vst v12  }
0x11d: {  	s4 =	smul.f32 s4, s4;
	s7 =	spop (v2sf);
	v17 =	vmin.f32 v15, v19;
	[tilespmem:$0x9320] =	vst v14;
	v16 =	vld [tilespmem:$0x9301]  }
0x11e: {  	s0 =	sadd.f32 s1, s0;
	s1 =	smul.f32 s3, s3;
	v13 =	vmin.f32 v13, v18;
	[tilespmem:$0x9360] =	vst v17;
	v18 =	vld [tilespmem:$0x9321]  }
0x11f: {  	s6 =	smul.f32 s6, s6;
	s8 =	spop (v2sf);
	[tilespmem:$0x9340] =	vst v13;
	v20 =	vld [tilespmem:$0x9361]  }
0x120: {  	s0 =	sadd.f32 s1, s0;
	s1 =	smul.f32 s5, s5;
	v19 =	vld [tilespmem:$0x9341]  }
0x121: {  	s3 =	spop (v2sf);
	s8 =	smul.f32 s8, s8  }
0x122: {  	s5 =	spop (v2sf);
	s3 =	smul.f32 s3, s3;
	v15 =	vmin.f32 v12, v16  }
0x123: {  	s1 =	sadd.f32 s1, s4;
	s4 =	smul.f32 s7, s7;
	v14 =	vmin.f32 v14, v18;
	[tilespmem:$0x9300] =	vst v15  }
0x124: {  	s7 =	spop (v2sf);
	s5 =	smul.f32 s5, s5;
	v12 =	vmin.f32 v17, v20;
	[tilespmem:$0x9320] =	vst v14  }
0x125: {  	s7 =	smul.f32 s7, s7;
	s6 =	sadd.f32 s6, s1;
	v13 =	vmin.f32 v13, v19;
	[tilespmem:$0x9360] =	vst v12  }
0x126: {  	s4 =	sadd.f32 s8, s4;
	s1 =	simm.s32 $0x0;
	s8 =	spop (v2sf);
	[tilespmem:$0x9340] =	vst v13  }
0x127: {  	v24 =	vbroadcast v2, $0xA;
	v21 =	vbroadcast v2, $0x9;
	s5 =	sadd.f32 s7, s5;
	s8 =	smul.f32 s8, s8;
	v30 =	vld [tilespmem:s1+$0x6300]  }
0x128: {  	v22 =	vbroadcast v3, $0x9;
	v25 =	vbroadcast v3, $0xA;
	s4 =	sadd.f32 s3, s4;
	v31 =	vld [tilespmem:s1+$0x5300]  }
0x129: {  	v26 =	vbroadcast v4, $0x8;
	v27 =	vbroadcast v2, $0xB;
	s8 =	sadd.f32 s8, s5;
	v53 =	vld [tilespmem:s1+$0x3300]  }
0x12a: {  	v28 =	vbroadcast v3, $0xB;
	v29 =	vbroadcast v4, $0x9;
	v54 =	vld [tilespmem:s1+$0x4300]  }
0x12b: {  	v23 =	vmov s6;
	v32 =	vmov s4;
	v35 =	vmov s8  }
0x12c: {  	v16 =	vbroadcast v2, $0x8;
	v17 =	vbroadcast v3, $0x8;
	v18 =	vmov s0  }
0x12d: {  	v20 =	vbroadcast v4, $0xB;
	v19 =	vbroadcast v4, $0xA;
	v37 =	vadd.f32 v30, v32  }
0x12e: {  	v36 =	vadd.f32 v30, v35;
	v55 =	vmul.f32 v31, v26;
	v56 =	vmul.f32 v31, v29  }
0x12f: {  	v57 =	vmul.f32 v53, v16;
	v58 =	vmul.f32 v54, v17;
	v39 =	vadd.f32 v30, v23  }
0x130: {  	v46 =	vadd.f32 v30, v18;
	v30 =	vmul.f32 v53, v21;
	v59 =	vmul.f32 v54, v22  }
0x131: {  	v60 =	vmul.f32 v53, v24;
	v44 =	vmul.f32 v54, v25  }
0x132: {  	v33 =	vmul.f32 v53, v27;
	v34 =	vmul.f32 v54, v28;
	v41 =	vadd.f32 v58, v57  }
0x133: {  	v62 =	vmul.f32 v31, v19;
	v30 =	vadd.f32 v59, v30;
	v61 =	vadd.f32 v44, v60  }
0x134: {  	v31 =	vmul.f32 v31, v20;
	v33 =	vadd.f32 v34, v33;
	v38 =	vadd.f32 v55, v41  }
0x135: {  	s0 =	simm.s32 $0x10;
	v43 =	vld [tilespmem:s1+$0x7300];
	v30 =	vadd.f32 v56, v30;
	v41 =	vadd.f32 v62, v61  }
0x136: {  	v40 =	vld [tilespmem:s0+$0x6300];
	v34 =	vimm.f32 $3.000000010e+38;
	v45 =	vadd.f32 v31, v33;
	v63 =	vadd.f32 v38, v38  }
0x137: {  	v33 =	vimm.f32 $3.000000010e+38;
	v31 =	vimm.f32 $3.000000010e+38;
	v44 =	vadd.f32 v30, v30;
	v38 =	vld [tilespmem:s0+$0x5300]  }
0x138: {  	s29 =	simm.s32 $0x80;
	v30 =	vimm.f32 $3.000000010e+38;
	v42 =	vsub.f32 v46, v63;
	v46 =	vadd.f32 v41, v41;
	v41 =	vld [tilespmem:s0+$0x3300]  }
.LBB2_9:
0x139: {  	p0 =	sne.s32 s29, $0x3FC0;
	v47 =	vld [tilespmem:s0+$0x4300];
	v39 =	vsub.f32 v39, v44;
	v44 =	vadd.f32 v45, v45  }
0x13a: {  	v30 =	vmin.f32 v30, v42;
	v42 =	vmin.f32 v43, v42;
	v45 =	vsub.f32 v37, v46  }
0x13b: {  	v34 =	vmin.f32 v34, v39;
	v39 =	vmin.f32 v42, v39;
	v42 =	vsub.f32 v36, v44  }
0x13c: {  	v37 =	vadd.f32 v40, v32;
	v36 =	vadd.f32 v40, v35;
	v39 =	vmin.f32 v39, v45  }
0x13d: {  	v43 =	vmul.f32 v38, v26;
	v44 =	vmul.f32 v38, v29;
	v46 =	vmin.f32 v39, v42  }
0x13e: {  	v48 =	vmul.f32 v41, v16;
	v39 =	vadd.f32 v40, v23;
	v49 =	vmul.f32 v47, v17;
	[tilespmem:s1+$0x7300] =	vst v46;
	s1 =	smov.u32 s0  }
0x13f: {  	v46 =	vadd.f32 v40, v18;
	v40 =	vmul.f32 v41, v21;
	v50 =	vmul.f32 v47, v22  }
0x140: {  	v51 =	vmul.f32 v47, v25;
	v48 =	vadd.f32 v49, v48;
	v49 =	vmul.f32 v41, v24  }
0x141: {  	v47 =	vmul.f32 v47, v28;
	v40 =	vadd.f32 v50, v40;
	v41 =	vmul.f32 v41, v27  }
.Ltmp3:
0x142: {  	v50 =	vmul.f32 v38, v19;
	v48 =	vadd.f32 v43, v48;
	v49 =	vadd.f32 v51, v49;
	(pc) =	sbr.rel @p0 .LBB2_9-.Ltmp3, $4  }
0x143: {  	s0 =	sshra.s32 s29, $0x2;
	v44 =	vadd.f32 v44, v40;
	v41 =	vadd.f32 v47, v41;
	v47 =	vmul.f32 v38, v20;
	v43 =	vld [tilespmem:s1+$0x7300]  }
0x144: {  	v33 =	vmin.f32 v33, v45;
	v40 =	vld [tilespmem:s0+$0x6300];
	v48 =	vadd.f32 v48, v48;
	v49 =	vadd.f32 v50, v49  }
0x145: {  	v31 =	vmin.f32 v31, v42;
	v44 =	vadd.f32 v44, v44;
	v45 =	vadd.f32 v47, v41;
	v38 =	vld [tilespmem:s0+$0x5300]  }
0x146: {  	s29 =	sadd.s32 $0x40, s29;
	v41 =	vld [tilespmem:s0+$0x3300];
	v42 =	vsub.f32 v46, v48;
	v46 =	vadd.f32 v49, v49  }
0x147: {  	v47 =	vld [tilespmem:s0+$0x4300];
	v52 =	vadd.f32 v45, v45  }
0x148: {  	v39 =	vsub.f32 v39, v44;
	v37 =	vsub.f32 v37, v46  }
0x149: {  	v43 =	vmin.f32 v43, v42;
	v36 =	vsub.f32 v36, v52;
	v32 =	vadd.f32 v40, v32  }
0x14a: {  	v43 =	vmin.f32 v43, v39;
	v35 =	vadd.f32 v40, v35;
	v23 =	vadd.f32 v40, v23  }
0x14b: {  	v18 =	vadd.f32 v40, v18;
	v26 =	vmul.f32 v38, v26;
	v29 =	vmul.f32 v38, v29  }
0x14c: {  	v43 =	vmin.f32 v43, v37;
	v16 =	vmul.f32 v41, v16;
	v17 =	vmul.f32 v47, v17  }
0x14d: {  	v43 =	vmin.f32 v43, v36;
	v21 =	vmul.f32 v41, v21;
	v22 =	vmul.f32 v47, v22  }
0x14e: {  	v16 =	vadd.f32 v17, v16;
	v17 =	vmul.f32 v41, v24;
	v24 =	vmul.f32 v47, v25  }
0x14f: {  	v21 =	vadd.f32 v22, v21;
	v22 =	vmul.f32 v41, v27;
	v25 =	vmul.f32 v47, v28  }
0x150: {  	v19 =	vmul.f32 v38, v19;
	[tilespmem:s1+$0x7300] =	vst v43;
	v16 =	vadd.f32 v26, v16;
	v17 =	vadd.f32 v24, v17  }
0x151: {  	v20 =	vmul.f32 v38, v20;
	v24 =	vld [tilespmem:s0+$0x7300];
	v21 =	vadd.f32 v29, v21;
	v22 =	vadd.f32 v25, v22  }
0x152: {  	v16 =	vadd.f32 v16, v16;
	v17 =	vadd.f32 v19, v17  }
0x153: {  	v19 =	vadd.f32 v21, v21;
	v20 =	vadd.f32 v20, v22  }
0x154: {  	v16 =	vsub.f32 v18, v16;
	v17 =	vadd.f32 v17, v17  }
0x155: {  	v18 =	vsub.f32 v23, v19;
	v19 =	vadd.f32 v20, v20  }
0x156: {  	v20 =	vmin.f32 v24, v16;
	v17 =	vsub.f32 v32, v17  }
0x157: {  	v19 =	vsub.f32 v35, v19;
	v20 =	vmin.f32 v20, v18  }
0x158: {  	v20 =	vmin.f32 v20, v17  }
0x159: {  	v21 =	vmin.f32 v30, v42;
	v20 =	vmin.f32 v20, v19  }
0x15a: {  	v22 =	vmin.f32 v34, v39;
	v16 =	vmin.f32 v21, v16;
	[tilespmem:s0+$0x7300] =	vst v20  }
0x15b: {  	v21 =	vmin.f32 v31, v36;
	v18 =	vmin.f32 v22, v18;
	v20 =	vmin.f32 v33, v37;
	[tilespmem:$0x9300] =	vst v16  }
0x15c: {  	v19 =	vmin.f32 v21, v19;
	v17 =	vmin.f32 v20, v17;
	[tilespmem:$0x9320] =	vst v18;
	v20 =	vld [tilespmem:$0x9308]  }
0x15d: {  	[tilespmem:$0x9360] =	vst v19;
	v21 =	vld [tilespmem:$0x9328]  }
0x15e: {  	(v2sf) =	vpush v7, $0xC;
	[tilespmem:$0x9340] =	vst v17;
	v23 =	vld [tilespmem:$0x9368]  }
0x15f: {  	v22 =	vld [tilespmem:$0x9348]  }
0x160: {  	(v2sf) =	vpush v6, $0xC  }
0x161: {  	(v2sf) =	vpush v5, $0xC;
	v16 =	vmin.f32 v16, v20  }
0x162: {  	(v2sf) =	vpush v7, $0xD;
	v18 =	vmin.f32 v18, v21;
	[tilespmem:$0x9300] =	vst v16  }
0x163: {  	(v2sf) =	vpush v6, $0xD;
	v19 =	vmin.f32 v19, v23;
	[tilespmem:$0x9320] =	vst v18;
	v20 =	vld [tilespmem:$0x9304]  }
0x164: {  	(v2sf) =	vpush v5, $0xD;
	v17 =	vmin.f32 v17, v22;
	[tilespmem:$0x9360] =	vst v19;
	v21 =	vld [tilespmem:$0x9324]  }
0x165: {  	(v2sf) =	vpush v7, $0xE;
	[tilespmem:$0x9340] =	vst v17;
	v23 =	vld [tilespmem:$0x9364]  }
0x166: {  	(v2sf) =	vpush v6, $0xE;
	v22 =	vld [tilespmem:$0x9344]  }
0x167: {  	(v2sf) =	vpush v5, $0xE;
	_ =	sdelay $0x1  }
0x168: {  	(v2sf) =	vpush v7, $0xF;
	v7 =	vmin.f32 v16, v20  }
0x169: {  	v16 =	vmin.f32 v18, v21;
	[tilespmem:$0x9300] =	vst v7  }
0x16a: {  	(v2sf) =	vpush v6, $0xF;
	v18 =	vmin.f32 v19, v23;
	v6 =	vmin.f32 v17, v22;
	[tilespmem:$0x9320] =	vst v16;
	v17 =	vld [tilespmem:$0x9302]  }
0x16b: {  	[tilespmem:$0x9360] =	vst v18;
	v19 =	vld [tilespmem:$0x9322]  }
0x16c: {  	s7 =	spop (v2sf);
	(v2sf) =	vpush v5, $0xF;
	[tilespmem:$0x9340] =	vst v6;
	v5 =	vld [tilespmem:$0x9362]  }
0x16d: {  	v20 =	vld [tilespmem:$0x9342]  }
0x16e: {  	s8 =	spop (v2sf)  }
0x16f: {  	s3 =	spop (v2sf)  }
0x170: {  	s1 =	smul.f32 s8, s8;
	s4 =	spop (v2sf);
	v7 =	vmin.f32 v7, v17  }
0x171: {  	s5 =	spop (v2sf);
	s0 =	smul.f32 s7, s7;
	v17 =	vmin.f32 v16, v19;
	[tilespmem:$0x9300] =	vst v7  }
0x172: {  	s4 =	smul.f32 s4, s4;
	s6 =	spop (v2sf);
	v5 =	vmin.f32 v18, v5;
	v19 =	vmin.f32 v6, v20;
	[tilespmem:$0x9320] =	vst v17;
	v6 =	vld [tilespmem:$0x9301]  }
0x173: {  	s7 =	spop (v2sf);
	s0 =	sadd.f32 s1, s0;
	[tilespmem:$0x9360] =	vst v5;
	v18 =	vld [tilespmem:$0x9321]  }
0x174: {  	s1 =	smul.f32 s3, s3;
	s8 =	spop (v2sf);
	[tilespmem:$0x9340] =	vst v19;
	v21 =	vld [tilespmem:$0x9361]  }
0x175: {  	s6 =	smul.f32 s6, s6;
	s3 =	spop (v2sf);
	v20 =	vld [tilespmem:$0x9341]  }
0x176: {  	s0 =	sadd.f32 s1, s0;
	s1 =	smul.f32 s5, s5  }
0x177: {  	s8 =	smul.f32 s8, s8;
	s5 =	spop (v2sf);
	v16 =	vmin.f32 v7, v6  }
0x178: {  	s1 =	sadd.f32 s1, s4;
	s4 =	smul.f32 s7, s7;
	v6 =	vmin.f32 v17, v18;
	[tilespmem:$0x9300] =	vst v16  }
0x179: {  	s7 =	spop (v2sf);
	s5 =	smul.f32 s5, s5;
	v5 =	vmin.f32 v5, v21;
	[tilespmem:$0x9320] =	vst v6  }
0x17a: {  	s7 =	smul.f32 s7, s7;
	s6 =	sadd.f32 s6, s1;
	v7 =	vmin.f32 v19, v20;
	[tilespmem:$0x9360] =	vst v5  }
0x17b: {  	s3 =	smul.f32 s3, s3;
	s4 =	sadd.f32 s8, s4;
	s1 =	simm.s32 $0x0;
	[tilespmem:$0x9340] =	vst v7  }
0x17c: {  	s5 =	sadd.f32 s7, s5;
	s8 =	spop (v2sf);
	v29 =	vld [tilespmem:s1+$0x6300]  }
0x17d: {  	v28 =	vbroadcast v4, $0xD;
	v27 =	vbroadcast v2, $0xF;
	s4 =	sadd.f32 s3, s4;
	s8 =	smul.f32 s8, s8;
	v30 =	vld [tilespmem:s1+$0x5300]  }
0x17e: {  	v26 =	vbroadcast v4, $0xC;
	v25 =	vbroadcast v3, $0xE;
	v53 =	vld [tilespmem:s1+$0x3300]  }
0x17f: {  	v24 =	vbroadcast v2, $0xE;
	v31 =	vmov s4;
	s8 =	sadd.f32 s8, s5;
	v22 =	vbroadcast v3, $0xD;
	v54 =	vld [tilespmem:s1+$0x4300]  }
0x180: {  	v23 =	vmov s6;
	v17 =	vbroadcast v2, $0xC;
	v18 =	vbroadcast v3, $0xC  }
0x181: {  	v33 =	vmov s8;
	v21 =	vbroadcast v2, $0xD;
	v3 =	vbroadcast v3, $0xF  }
0x182: {  	v2 =	vbroadcast v4, $0xF;
	v19 =	vmov s0;
	v20 =	vbroadcast v4, $0xE  }
0x183: {  	v35 =	vadd.f32 v29, v31;
	v4 =	vmul.f32 v30, v26;
	v55 =	vmul.f32 v30, v28  }
0x184: {  	v34 =	vadd.f32 v29, v33;
	v56 =	vmul.f32 v53, v17;
	v57 =	vmul.f32 v54, v18  }
0x185: {  	v37 =	vadd.f32 v29, v23;
	v58 =	vmul.f32 v53, v21;
	v59 =	vmul.f32 v54, v22  }
0x186: {  	v29 =	vadd.f32 v29, v19;
	v60 =	vmul.f32 v53, v24;
	v61 =	vmul.f32 v54, v25  }
0x187: {  	v32 =	vmul.f32 v53, v27;
	v36 =	vmul.f32 v54, v3;
	v39 =	vadd.f32 v57, v56  }
0x188: {  	v63 =	vmul.f32 v30, v20;
	v41 =	vadd.f32 v59, v58;
	v62 =	vadd.f32 v61, v60  }
0x189: {  	v30 =	vmul.f32 v30, v2;
	v32 =	vadd.f32 v36, v32;
	v4 =	vadd.f32 v4, v39  }
0x18a: {  	s0 =	simm.s32 $0x10;
	v42 =	vadd.f32 v55, v41;
	v41 =	vld [tilespmem:s1+$0x7300];
	v39 =	vadd.f32 v63, v62  }
0x18b: {  	v38 =	vld [tilespmem:s0+$0x6300];
	v43 =	vadd.f32 v30, v32;
	v30 =	vimm.f32 $3.000000010e+38;
	v4 =	vadd.f32 v4, v4  }
0x18c: {  	v36 =	vld [tilespmem:s0+$0x5300];
	v32 =	vimm.f32 $3.000000010e+38;
	v42 =	vadd.f32 v42, v42;
	v44 =	vadd.f32 v39, v39  }
0x18d: {  	s29 =	simm.s32 $0x80;
	v39 =	vld [tilespmem:s0+$0x3300];
	v40 =	vsub.f32 v29, v4;
	v29 =	vimm.f32 $3.000000010e+38;
	v4 =	vimm.f32 $3.000000010e+38  }
.LBB2_11:
0x18e: {  	p0 =	sne.s32 s29, $0x3FC0;
	v45 =	vld [tilespmem:s0+$0x4300];
	v37 =	vsub.f32 v37, v42;
	v42 =	vadd.f32 v43, v43  }
0x18f: {  	v30 =	vmin.f32 v30, v40;
	v40 =	vmin.f32 v41, v40;
	v43 =	vsub.f32 v35, v44  }
0x190: {  	v32 =	vmin.f32 v32, v37;
	v37 =	vmin.f32 v40, v37;
	v40 =	vsub.f32 v34, v42  }
0x191: {  	v35 =	vadd.f32 v38, v31;
	v34 =	vadd.f32 v38, v33;
	v37 =	vmin.f32 v37, v43  }
0x192: {  	v41 =	vmul.f32 v36, v26;
	v42 =	vmul.f32 v36, v28;
	v44 =	vmin.f32 v37, v40  }
0x193: {  	v46 =	vmul.f32 v39, v17;
	v37 =	vadd.f32 v38, v23;
	v47 =	vmul.f32 v45, v18;
	[tilespmem:s1+$0x7300] =	vst v44;
	s1 =	smov.u32 s0  }
0x194: {  	v44 =	vadd.f32 v38, v19;
	v38 =	vmul.f32 v39, v21;
	v48 =	vmul.f32 v45, v22  }
0x195: {  	v49 =	vmul.f32 v45, v25;
	v46 =	vadd.f32 v47, v46;
	v47 =	vmul.f32 v39, v24  }
0x196: {  	v45 =	vmul.f32 v45, v3;
	v38 =	vadd.f32 v48, v38;
	v39 =	vmul.f32 v39, v27  }
.Ltmp4:
0x197: {  	v48 =	vmul.f32 v36, v20;
	v46 =	vadd.f32 v41, v46;
	v47 =	vadd.f32 v49, v47;
	(pc) =	sbr.rel @p0 .LBB2_11-.Ltmp4, $4  }
0x198: {  	s0 =	sshra.s32 s29, $0x2;
	v42 =	vadd.f32 v42, v38;
	v39 =	vadd.f32 v45, v39;
	v45 =	vmul.f32 v36, v2;
	v41 =	vld [tilespmem:s1+$0x7300]  }
0x199: {  	v29 =	vmin.f32 v29, v43;
	v38 =	vld [tilespmem:s0+$0x6300];
	v46 =	vadd.f32 v46, v46;
	v47 =	vadd.f32 v48, v47  }
0x19a: {  	v4 =	vmin.f32 v4, v40;
	v42 =	vadd.f32 v42, v42;
	v43 =	vadd.f32 v45, v39;
	v36 =	vld [tilespmem:s0+$0x5300]  }
0x19b: {  	s29 =	sadd.s32 $0x40, s29;
	v39 =	vld [tilespmem:s0+$0x3300];
	v40 =	vsub.f32 v44, v46;
	v44 =	vadd.f32 v47, v47  }
0x19c: {  	v45 =	vld [tilespmem:s0+$0x4300];
	v59 =	vadd.f32 v43, v43  }
0x19d: {  	v37 =	vsub.f32 v37, v42;
	v35 =	vsub.f32 v35, v44  }
0x19e: {  	v41 =	vmin.f32 v41, v40;
	v34 =	vsub.f32 v34, v59;
	v31 =	vadd.f32 v38, v31  }
0x19f: {  	v41 =	vmin.f32 v41, v37;
	v33 =	vadd.f32 v38, v33;
	v23 =	vadd.f32 v38, v23  }
0x1a0: {  	v19 =	vadd.f32 v38, v19;
	v26 =	vmul.f32 v36, v26;
	v28 =	vmul.f32 v36, v28  }
0x1a1: {  	v41 =	vmin.f32 v41, v35;
	v17 =	vmul.f32 v39, v17;
	v18 =	vmul.f32 v45, v18  }
0x1a2: {  	v41 =	vmin.f32 v41, v34;
	v21 =	vmul.f32 v39, v21;
	v22 =	vmul.f32 v45, v22  }
0x1a3: {  	v60 =	vmul.f32 v39, v24;
	v61 =	vmul.f32 v45, v25;
	v17 =	vadd.f32 v18, v17  }
0x1a4: {  	v62 =	vmul.f32 v39, v27;
	v3 =	vmul.f32 v45, v3;
	v21 =	vadd.f32 v22, v21  }
0x1a5: {  	v20 =	vmul.f32 v36, v20;
	[tilespmem:s1+$0x7300] =	vst v41;
	v18 =	vadd.f32 v61, v60;
	v17 =	vadd.f32 v26, v17  }
0x1a6: {  	v2 =	vmul.f32 v36, v2;
	v63 =	vld [tilespmem:s0+$0x7300];
	v3 =	vadd.f32 v3, v62;
	v21 =	vadd.f32 v28, v21  }
0x1a7: {  	v18 =	vadd.f32 v20, v18;
	v17 =	vadd.f32 v17, v17  }
0x1a8: {  	v2 =	vadd.f32 v2, v3;
	v26 =	vadd.f32 v21, v21  }
0x1a9: {  	v27 =	vadd.f32 v18, v18;
	v3 =	vsub.f32 v19, v17  }
0x1aa: {  	v2 =	vadd.f32 v2, v2;
	v28 =	vsub.f32 v23, v26  }
0x1ab: {  	v17 =	vsub.f32 v31, v27;
	v19 =	vmin.f32 v63, v3  }
0x1ac: {  	v2 =	vsub.f32 v33, v2;
	v19 =	vmin.f32 v19, v28  }
0x1ad: {  	v19 =	vmin.f32 v19, v17  }
0x1ae: {  	v36 =	vmin.f32 v30, v40;
	v19 =	vmin.f32 v19, v2  }
0x1af: {  	v3 =	vmin.f32 v36, v3;
	[tilespmem:s0+$0x7300] =	vst v19  }
0x1b0: {  	v37 =	vmin.f32 v32, v37;
	[tilespmem:$0x9300] =	vst v3  }
0x1b1: {  	v18 =	vmin.f32 v37, v28;
	v38 =	vld [tilespmem:$0x9308]  }
0x1b2: {  	v39 =	vmin.f32 v29, v35;
	[tilespmem:$0x9320] =	vst v18  }
0x1b3: {  	v17 =	vmin.f32 v39, v17;
	v40 =	vld [tilespmem:$0x9328]  }
0x1b4: {  	v11 =	vnsel vm0, $0x0, v11;
	v4 =	vmin.f32 v4, v34;
	[tilespmem:$0x9340] =	vst v17  }
0x1b5: {  	v1 =	vadd.f32 v11, v1;
	v2 =	vmin.f32 v4, v2;
	v41 =	vld [tilespmem:$0x9348]  }
0x1b6: {  	v10 =	vnsel vm0, $0x0, v10;
	[tilespmem:$0x9360] =	vst v2;
	v3 =	vmin.f32 v3, v38  }
0x1b7: {  	v1 =	vadd.f32 v10, v1;
	v42 =	vld [tilespmem:$0x9368];
	[tilespmem:$0x9300] =	vst v3  }
0x1b8: {  	v9 =	vnsel vm0, $0x0, v9;
	v43 =	vmin.f32 v18, v40;
	v44 =	vld [tilespmem:$0x9304]  }
0x1b9: {  	v1 =	vadd.f32 v9, v1;
	[tilespmem:$0x9320] =	vst v43  }
0x1ba: {  	v8 =	vnsel vm0, $0x0, v8;
	v4 =	vmin.f32 v17, v41;
	v45 =	vld [tilespmem:$0x9324]  }
0x1bb: {  	v1 =	vadd.f32 v8, v1;
	[tilespmem:$0x9340] =	vst v4  }
0x1bc: {  	v46 =	vnsel vm0, $0x0, v15;
	v2 =	vmin.f32 v2, v42;
	v47 =	vld [tilespmem:$0x9344]  }
0x1bd: {  	v1 =	vadd.f32 v46, v1;
	[tilespmem:$0x9360] =	vst v2;
	v3 =	vmin.f32 v3, v44  }
0x1be: {  	v48 =	vnsel vm0, $0x0, v14;
	v49 =	vld [tilespmem:$0x9364];
	[tilespmem:$0x9300] =	vst v3  }
0x1bf: {  	v1 =	vadd.f32 v48, v1;
	v50 =	vmin.f32 v43, v45;
	v51 =	vld [tilespmem:$0x9302]  }
0x1c0: {  	v52 =	vnsel vm0, $0x0, v13;
	[tilespmem:$0x9320] =	vst v50  }
0x1c1: {  	v1 =	vadd.f32 v52, v1;
	v4 =	vmin.f32 v4, v47;
	v53 =	vld [tilespmem:$0x9322]  }
0x1c2: {  	v54 =	vnsel vm0, $0x0, v12;
	[tilespmem:$0x9340] =	vst v4  }
0x1c3: {  	v1 =	vadd.f32 v54, v1;
	v2 =	vmin.f32 v2, v49;
	v55 =	vld [tilespmem:$0x9342]  }
0x1c4: {  	v56 =	vnsel vm0, $0x0, v16;
	[tilespmem:$0x9360] =	vst v2;
	v3 =	vmin.f32 v3, v51  }
0x1c5: {  	v1 =	vadd.f32 v56, v1;
	v57 =	vld [tilespmem:$0x9362];
	[tilespmem:$0x9300] =	vst v3  }
0x1c6: {  	v6 =	vnsel vm0, $0x0, v6;
	v8 =	vmin.f32 v50, v53;
	v58 =	vld [tilespmem:$0x9301]  }
0x1c7: {  	v1 =	vadd.f32 v6, v1;
	[tilespmem:$0x9320] =	vst v8  }
0x1c8: {  	v59 =	vnsel vm0, $0x0, v7;
	v4 =	vmin.f32 v4, v55;
	v60 =	vld [tilespmem:$0x9321]  }
0x1c9: {  	v1 =	vadd.f32 v59, v1;
	[tilespmem:$0x9340] =	vst v4  }
0x1ca: {  	v5 =	vnsel vm0, $0x0, v5;
	v2 =	vmin.f32 v2, v57;
	v61 =	vld [tilespmem:$0x9341]  }
0x1cb: {  	v1 =	vadd.f32 v5, v1;
	[tilespmem:$0x9360] =	vst v2;
	v3 =	vmin.f32 v3, v58  }
0x1cc: {  	v62 =	vld [tilespmem:$0x9361];
	v63 =	vnsel vm0, $0x0, v3  }
0x1cd: {  	s31 =	sadd.s32 $0x1, s31;
	v7 =	vmin.f32 v8, v60;
	v1 =	vadd.f32 v63, v1  }
0x1ce: {  	p0 =	sne.s32 s31, $0x6;
	v8 =	vnsel vm0, $0x0, v7  }
.Ltmp5:
0x1cf: {  	v4 =	vmin.f32 v4, v61;
	v1 =	vadd.f32 v8, v1;
	(pc) =	sbr.rel @p0 .LBB2_4-.Ltmp5, $4  }
0x1d0: {  	[tilespmem:$0x9300] =	vst v3;
	v3 =	vnsel vm0, $0x0, v4  }
0x1d1: {  	v2 =	vmin.f32 v2, v62;
	[tilespmem:$0x9320] =	vst v7;
	v1 =	vadd.f32 v3, v1  }
0x1d2: {  	[tilespmem:$0x9340] =	vst v4;
	v3 =	vnsel vm0, $0x0, v2  }
0x1d3: {  	[tilespmem:$0x9360] =	vst v2;
	v1 =	vadd.f32 v3, v1  }
0x1d4: {  	s0 =	simm.s32 $0x7300  }
0x1d5: {  	[spmem:s16] =	stream.linear.scatter [tilespmem:s0], [sflag:$0x1], $0x1000, $0x38;
	[tilespmem:$0xA400] =	vst v63  }
0x1d6: {  	_ =	swait.ge [sflag:s28], $0x1000  }
0x1d7: {  	[sflag:s28] =	ssyncset.done $0x0  }
0x1d8: {  	[sflag:s28] =	ssyncadd.s32 $0xFFFFF000  }
0x1d9: {  	s0 =	simm.s32 $0x8300;
	[bflag:$0x0] =	sbarrier.arrive $0xFFFF  }
0x1da: {  	[tilespmem:s0], [sflag:$0x1] =	stream.linear.gather [spmem:s14], $0x200, $0x38;
	[tilespmem:$0xA400] =	vst v63  }
0x1db: {  	_ =	swait.ge [sflag:s28], $0x200  }
0x1dc: {  	[sflag:s28] =	ssyncset.done $0x0  }
0x1dd: {  	s1 =	simm.s32 $0x8500;
	[sflag:s28] =	ssyncadd.s32 $0xFFFFFE00  }
0x1de: {  	[tilespmem:s1], [sflag:$0x1] =	stream.linear.gather [spmem:s17], $0x200, $0x38;
	[tilespmem:$0xA400] =	vst v63  }
0x1df: {  	_ =	swait.ge [sflag:s28], $0x200  }
0x1e0: {  	[sflag:s28] =	ssyncset.done $0x0  }
0x1e1: {  	s3 =	simm.s32 $0x8700;
	[sflag:s28] =	ssyncadd.s32 $0xFFFFFE00  }
0x1e2: {  	[tilespmem:s3], [sflag:$0x1] =	stream.linear.gather [spmem:s18], $0x200, $0x38;
	[tilespmem:$0xA400] =	vst v63  }
0x1e3: {  	_ =	swait.ge [sflag:s28], $0x200  }
0x1e4: {  	[sflag:s28] =	ssyncset.done $0x0  }
0x1e5: {  	s4 =	simm.s32 $0x8900;
	[sflag:s28] =	ssyncadd.s32 $0xFFFFFE00  }
0x1e6: {  	[tilespmem:s4], [sflag:$0x1] =	stream.linear.gather [spmem:s19], $0x200, $0x38;
	[tilespmem:$0xA400] =	vst v63  }
0x1e7: {  	_ =	swait.ge [sflag:s28], $0x200  }
0x1e8: {  	[sflag:s28] =	ssyncset.done $0x0  }
0x1e9: {  	s5 =	simm.s32 $0x8B00;
	[sflag:s28] =	ssyncadd.s32 $0xFFFFFE00  }
0x1ea: {  	[tilespmem:s5], [sflag:$0x1] =	stream.linear.gather [spmem:s20], $0x200, $0x38;
	[tilespmem:$0xA400] =	vst v63  }
0x1eb: {  	_ =	swait.ge [sflag:s28], $0x200  }
0x1ec: {  	[sflag:s28] =	ssyncset.done $0x0  }
0x1ed: {  	s6 =	simm.s32 $0x8D00;
	[sflag:s28] =	ssyncadd.s32 $0xFFFFFE00  }
0x1ee: {  	[tilespmem:s6], [sflag:$0x1] =	stream.linear.gather [spmem:s22], $0x200, $0x38;
	[tilespmem:$0xA400] =	vst v63  }
0x1ef: {  	_ =	swait.ge [sflag:s28], $0x200  }
0x1f0: {  	[sflag:s28] =	ssyncset.done $0x0  }
0x1f1: {  	s7 =	simm.s32 $0x8F00;
	[sflag:s28] =	ssyncadd.s32 $0xFFFFFE00  }
0x1f2: {  	[tilespmem:s7], [sflag:$0x1] =	stream.linear.gather [spmem:s23], $0x200, $0x38;
	[tilespmem:$0xA400] =	vst v63  }
0x1f3: {  	_ =	swait.ge [sflag:s28], $0x200  }
0x1f4: {  	[sflag:s28] =	ssyncset.done $0x0  }
0x1f5: {  	s8 =	simm.s32 $0x9100;
	[sflag:s28] =	ssyncadd.s32 $0xFFFFFE00  }
0x1f6: {  	[tilespmem:s8], [sflag:$0x1] =	stream.linear.gather [spmem:s26], $0x200, $0x38;
	[tilespmem:$0xA400] =	vst v63  }
0x1f7: {  	_ =	swait.ge [sflag:s28], $0x200  }
0x1f8: {  	s31 =	simm.s32 $0x0;
	[sflag:s28] =	ssyncset.done $0x0  }
0x1f9: {  	s29 =	sand.u32 $0x1F0, s31;
	[sflag:s28] =	ssyncadd.s32 $0xFFFFFE00  }
0x1fa: {  	s1 =	simm.s32 $0x10;
	v2 =	vld [tilespmem:s29+$0x8500]  }
.LBB2_14:
0x1fb: {  	p0 =	sne.s32 s1, $0x1F0;
	v3 =	vld [tilespmem:s0+$0x0]  }
0x1fc: {  	v4 =	vld [tilespmem:s29+$0x8700]  }
0x1fd: {  	v5 =	vld [tilespmem:s29+$0x8900]  }
0x1fe: {  	v6 =	vld [tilespmem:s29+$0x8B00]  }
0x1ff: {  	v7 =	vld [tilespmem:s29+$0x8D00]  }
0x200: {  	v2 =	vmin.f32 v3, v2;
	v3 =	vld [tilespmem:s29+$0x8F00]  }
0x201: {  	v2 =	vmin.f32 v2, v4;
	v4 =	vld [tilespmem:s29+$0x9100]  }
0x202: {  	v2 =	vmin.f32 v2, v5  }
0x203: {  	v2 =	vmin.f32 v2, v6  }
.Ltmp6:
0x204: {  	v2 =	vmin.f32 v2, v7;
	(pc) =	sbr.rel @p0 .LBB2_14-.Ltmp6, $4  }
0x205: {  	v2 =	vmin.f32 v2, v3  }
0x206: {  	v2 =	vmin.f32 v2, v4  }
0x207: {  	s29 =	sand.u32 $0x1F0, s1;
	[tilespmem:s0+$0x0] =	vst v2  }
0x208: {  	s1 =	sadd.s32 $0x10, s1;
	s0 =	sadd.s32 $0x10, s0;
	v2 =	vld [tilespmem:s29+$0x8500]  }
0x209: {  	v3 =	vld [tilespmem:s0+$0x0]  }
0x20a: {  	v4 =	vld [tilespmem:s29+$0x8700]  }
0x20b: {  	v5 =	vld [tilespmem:s29+$0x8900]  }
0x20c: {  	v6 =	vld [tilespmem:s29+$0x8B00]  }
0x20d: {  	v7 =	vld [tilespmem:s29+$0x8D00]  }
0x20e: {  	v2 =	vmin.f32 v3, v2;
	v3 =	vld [tilespmem:s29+$0x8F00]  }
0x20f: {  	v63 =	vld [tilespmem:s29+$0x9100];
	v2 =	vmin.f32 v2, v4  }
0x210: {  	v2 =	vmin.f32 v2, v5  }
0x211: {  	v2 =	vmin.f32 v2, v6  }
0x212: {  	v2 =	vmin.f32 v2, v7  }
0x213: {  	v2 =	vmin.f32 v2, v3  }
0x214: {  	v2 =	vmin.f32 v2, v63  }
0x215: {  	s29 =	simm.s32 $0x8300;
	[tilespmem:s0+$0x0] =	vst v2  }
0x216: {  	[hbm4b:s21+s2] =	stream.linear.scatter [tilespmem:s29], [sflag:$0x1], $0x200, $0x38;
	[tilespmem:$0xA400] =	vst v63  }
0x217: {  	_ =	swait.ge [sflag:s28], $0x200  }
0x218: {  	s30 =	sadd.s32 $0x1, s30;
	[sflag:s28] =	ssyncset.done $0x0  }
0x219: {  	p0 =	sne.s32 s30, s25;
	[sflag:s28] =	ssyncadd.s32 $0xFFFFFE00  }
.Ltmp7:
0x21a: {  	s31 =	simm.s32 $0x9380;
	[tilespmem:$0x9380] =	vst v1;
	(pc) =	sbr.rel @p0 .LBB2_1-.Ltmp7, $4  }
0x21b: {  	[hbm4b:s24+s2] =	stream.linear.scatter [tilespmem:s31], [sflag:$0x1], $0x10, $0x38;
	[tilespmem:$0xA400] =	vst v63  }
0x21c: {  	_ =	swait.ge [sflag:s28], $0x10  }
0x21d: {  	[sflag:s28] =	ssyncset.done $0x0  }
0x21e: {  	[sflag:s28] =	ssyncadd.s32 $0xFFFFFFF0  }
0x21f: {  	_ =	sfence.sel $0x180000  }
0x220: {  	[bflag:$0x0] =	sbarrier.arrive $0xFFFF  }
0x221: {  	_ =	strace $0x90000047  }
0x222: {  	s0 =	stileid.u32;
	[bflag:$0x2] =	sbarrier.arrive $0xFFFF  }
0x223: {  	p0 =	sne.s32 s0, $0x0;
	s0 =	rddreg [dreg:$0x2]  }
0x224: {  	s0 =	sadd.s32 @!p0 $0x100000, s0  }
0x225: {  	[sflag:s0] =	ssyncadd.tile.s32 @!p0 $0x1;
	_ =	shalt  }
.Lfunc_end2:
_tile_overlayer_lowered:
.L_overlay_start_2:
0x226: {  	(tag) =	ssettag $0x2  }
0x227: {  	s0 =	rddreg [dreg:$0x0];
	s2 =	stileid.u32  }
0x228: {  	s1 =	rddreg [dreg:$0x1];
	p0 =	sne.s32 s2, $0x0  }
0x229: {  	s3 =	rddreg [dreg:$0x2];
	[bflag:$0x3] =	sbarrier.arrive $0xFFFF;
	s2 =	simm.s32 @!p0 $0x1C01  }
0x22a: {  	[timem:s3], [sflag:s2] =	dma.local @!p0 [hbm:s0], s1  }
0x22b: {  	s0 =	simm.s32 @!p0 $0x1  }
0x22c: {  	_ =	swait.ge @!p0 [sflag:s0], s1  }
0x22d: {  	s1 =	ssub.s32 @!p0 $0x0, s1;
	[sflag:s0] =	ssyncset.done @!p0 $0x0  }
0x22e: {  	[sflag:s0] =	ssyncadd.s32 @!p0 s1  }
0x22f: {  	[bflag:$0x3] =	sbarrier.arrive $0xFFFF  }
0x230: {  	_ =	shalt  }

</sc_bundles>
